<compile_context>
chip_gen: v7x
topology: tpu7x:2x2x1
jax: 0.10.2.dev20260603
libtpu: 0.0.44.dev20260713+nightly
codegen_flags: <defaults>
</compile_context>

<pallas_src>
import functools

import jax
import jax.numpy as jnp
from jax import lax
from jax.experimental import pallas as pl
from jax.experimental.pallas import tpu as pltpu
from jax.experimental.pallas import tpu_sc as plsc

NC = 2
NS = 16
NW = NC * NS
CH = 128
DEG_W = 128


def _ceil_to(x, m):
    return (x + m - 1) // m * m


@functools.lru_cache(maxsize=None)
def _build_sc_kernels(n_nodes, n_edges, feat):
    n_pad = _ceil_to(n_nodes + 1, NS * 8)
    slab = n_pad // NS
    cpt = _ceil_to(-(-n_edges // (CH * NW)), 8)
    pages = cpt * NW
    e_pad = pages * CH

    mesh = plsc.VectorSubcoreMesh(core_axis_name="c", subcore_axis_name="s")

    @functools.partial(
        pl.kernel,
        out_type=jax.ShapeDtypeStruct((NC, n_pad, DEG_W), jnp.float32),
        mesh=mesh,
        scratch_types=[
            pltpu.VMEM((cpt, CH), jnp.int32),
            pltpu.VMEM((CH, DEG_W), jnp.float32),
            pltpu.VMEM_SHARED((n_pad, DEG_W), jnp.float32),
            pltpu.SemaphoreType.DMA,
        ],
    )
    def deg_kernel(dst_hbm, ones_hbm, zeros_hbm, out_hbm,
                   dst_v, ones_v, deg_sp, sem):
        c = lax.axis_index("c")
        s = lax.axis_index("s")
        wid = c * NS + s
        pltpu.sync_copy(zeros_hbm, deg_sp.at[pl.ds(s * slab, slab)])
        pltpu.sync_copy(ones_hbm, ones_v)
        pltpu.sync_copy(dst_hbm.at[pl.ds(wid * cpt, cpt)], dst_v)
        plsc.subcore_barrier()
        def body(j, carry):
            pltpu.async_copy(ones_v, deg_sp.at[dst_v.at[j]], sem, add=True)
            return carry
        lax.fori_loop(0, cpt, body, 0)
        def drain(j, carry):
            pltpu.make_async_copy(ones_v, deg_sp.at[dst_v.at[0]], sem).wait()
            return carry
        lax.fori_loop(0, cpt, drain, 0)
        plsc.subcore_barrier()
        pltpu.sync_copy(deg_sp.at[pl.ds(s * slab, slab)],
                        out_hbm.at[c].at[pl.ds(s * slab, slab)])

    cpt0 = _ceil_to(int(round(pages * 0.5)) // NS, 8)
    cpt1 = pages // NS - cpt0

    @functools.partial(
        pl.kernel,
        out_type=jax.ShapeDtypeStruct((NC, n_pad, feat), jnp.float32),
        mesh=mesh,
        scratch_types=[
            pltpu.VMEM((2, 8, CH), jnp.int32),
            pltpu.VMEM((CH, feat), jnp.float32),
            pltpu.VMEM((CH, feat), jnp.float32),
            pltpu.VMEM_SHARED((n_pad, feat), jnp.float32),
            pltpu.SemaphoreType.DMA,
            pltpu.SemaphoreType.DMA,
            pltpu.SemaphoreType.DMA,
        ],
    )
    def agg_kernel(y_hbm, comb_hbm, out_hbm,
                   idx_v, rows_a, rows_b, agg_sp, sem_a, sem_b, sem_i):
        c = lax.axis_index("c")
        s = lax.axis_index("s")

        def zrow(i, carry):
            for j in range(feat // 16):
                rows_a[i, pl.ds(j * 16, 16)] = jnp.zeros((16,), jnp.float32)
            return carry
        lax.fori_loop(0, CH, zrow, 0)
        for off in range(0, slab - CH + 1, CH):
            pltpu.sync_copy(rows_a, agg_sp.at[pl.ds(s * slab + off, CH)])
        rem = slab % CH
        if rem:
            pltpu.sync_copy(rows_a.at[pl.ds(0, rem)],
                            agg_sp.at[pl.ds(s * slab + slab - rem, rem)])
        plsc.subcore_barrier()

        my_cpt = jnp.where(c == 0, cpt0, cpt1)
        base = c * NS * cpt0 + s * my_cpt
        n_groups = my_cpt // 4
        last_row8 = 2 * (base + 4 * (n_groups - 1))

        pltpu.async_copy(comb_hbm.at[pl.ds(2 * base, 8)], idx_v.at[0], sem_i)

        def group(g, carry):
            cur = idx_v.at[lax.rem(g, 2)]
            nxt = idx_v.at[lax.rem(g + 1, 2)]
            row8 = 2 * (base + 4 * g)
            pltpu.make_async_copy(comb_hbm.at[pl.ds(row8, 8)], cur,
                                  sem_i).wait()
            row8n = jnp.minimum(row8 + 8, last_row8)
            pltpu.async_copy(comb_hbm.at[pl.ds(row8n, 8)], nxt, sem_i)
            cp_a0 = pltpu.async_copy(y_hbm.at[cur.at[0]], rows_a, sem_a)
            cp_b1 = pltpu.async_copy(y_hbm.at[cur.at[1]], rows_b, sem_b)
            cp_a0.wait()
            pltpu.sync_copy(rows_a, agg_sp.at[cur.at[4]], add=True)
            cp_a2 = pltpu.async_copy(y_hbm.at[cur.at[2]], rows_a, sem_a)
            cp_b1.wait()
            pltpu.sync_copy(rows_b, agg_sp.at[cur.at[5]], add=True)
            cp_b3 = pltpu.async_copy(y_hbm.at[cur.at[3]], rows_b, sem_b)
            cp_a2.wait()
            pltpu.sync_copy(rows_a, agg_sp.at[cur.at[6]], add=True)
            cp_b3.wait()
            pltpu.sync_copy(rows_b, agg_sp.at[cur.at[7]], add=True)
            return carry
        lax.fori_loop(0, n_groups, group, 0)
        pltpu.make_async_copy(comb_hbm.at[pl.ds(2 * base, 8)],
                              idx_v.at[lax.rem(n_groups, 2)], sem_i).wait()
        plsc.subcore_barrier()
        pltpu.sync_copy(agg_sp.at[pl.ds(s * slab, slab)],
                        out_hbm.at[c].at[pl.ds(s * slab, slab)])

    return deg_kernel, agg_kernel, n_pad, pages, e_pad


def _dis_from_deg(deg_ref):
    d = deg_ref[0, :, 0:1] + deg_ref[1, :, 0:1]
    return jnp.where(d > 0, lax.rsqrt(d), 0.0)


def _tc1a_body(x_ref, w0_ref, b0_ref, h0_ref):
    h0_ref[...] = jnp.maximum(
        jnp.dot(x_ref[...], w0_ref[...], preferred_element_type=jnp.float32)
        + b0_ref[...], 0.0)


def _tc1b_body(deg_ref, h0_ref, w1_ref, y1_ref):
    dis = _dis_from_deg(deg_ref)
    y1_ref[...] = dis * jnp.dot(h0_ref[...], w1_ref[...],
                                preferred_element_type=jnp.float32)


def _tc2_body(deg_ref, t_ref, b_ref, hin_ref, w_ref, h_ref, y_ref):
    dis = _dis_from_deg(deg_ref)
    agg = dis * (t_ref[0] + t_ref[1])
    h = jnp.maximum(agg + b_ref[...], 0.0) + hin_ref[...]
    h_ref[...] = h
    y_ref[...] = dis * jnp.dot(h, w_ref[...],
                               preferred_element_type=jnp.float32)


def _tc3_body(deg_ref, t_ref, b_ref, hin_ref, out_ref):
    dis = _dis_from_deg(deg_ref)
    agg = dis * (t_ref[0] + t_ref[1])
    out_ref[...] = jnp.maximum(agg + b_ref[...], 0.0) + hin_ref[...]


@functools.lru_cache(maxsize=None)
def _build_tc_kernels(n_nodes, n_pad, feat):
    rb = 1000 if n_nodes % 1000 == 0 else n_nodes
    grid = (n_nodes // rb,)
    deg_spec = pl.BlockSpec((NC, rb, DEG_W), lambda i: (0, i, 0))
    row_spec = pl.BlockSpec((rb, feat), lambda i: (i, 0))
    mat_spec = pl.BlockSpec((feat, feat), lambda i: (0, 0))
    bias_spec = pl.BlockSpec((1, feat), lambda i: (0, 0))
    t_spec = pl.BlockSpec((NC, rb, feat), lambda i: (0, i, 0))
    row_out = jax.ShapeDtypeStruct((n_nodes, feat), jnp.float32)

    tc1a = pl.pallas_call(
        _tc1a_body, grid=grid,
        in_specs=[row_spec, mat_spec, bias_spec],
        out_specs=row_spec,
        out_shape=row_out,
    )
    tc1b = pl.pallas_call(
        _tc1b_body, grid=grid,
        in_specs=[deg_spec, row_spec, mat_spec],
        out_specs=row_spec,
        out_shape=row_out,
    )
    tc2 = pl.pallas_call(
        _tc2_body, grid=grid,
        in_specs=[deg_spec, t_spec, bias_spec, row_spec, mat_spec],
        out_specs=[row_spec, row_spec],
        out_shape=[row_out, row_out],
    )
    tc3 = pl.pallas_call(
        _tc3_body, grid=grid,
        in_specs=[deg_spec, t_spec, bias_spec, row_spec],
        out_specs=row_spec,
        out_shape=row_out,
    )
    return tc1a, tc1b, tc2, tc3


def kernel(features, edge_index, W0, b0, W1, b1, W2, b2):
    n, feat = features.shape
    e = edge_index.shape[1]
    deg_k, agg_k, n_pad, pages, e_pad = _build_sc_kernels(n, e, feat)
    tc1a, tc1b, tc2, tc3 = _build_tc_kernels(n, n_pad, feat)

    src = edge_index[0].astype(jnp.int32)
    dst = edge_index[1].astype(jnp.int32)
    pad = e_pad - e
    pad_src = jnp.arange(pad, dtype=jnp.int32) % n
    pad_dst = n + jnp.arange(pad, dtype=jnp.int32) % (n_pad - n)
    src_p = jnp.concatenate([src, pad_src]).reshape(pages, CH)
    dst_p = jnp.concatenate([dst, pad_dst]).reshape(pages, CH)
    comb = jnp.concatenate(
        [src_p.reshape(-1, 4, CH), dst_p.reshape(-1, 4, CH)], axis=1
    ).reshape(2 * pages, CH)

    ones_rows = jnp.ones((CH, DEG_W), jnp.float32)
    zeros_deg = jnp.zeros((n_pad // NS, DEG_W), jnp.float32)

    deg_part = deg_k(dst_p, ones_rows, zeros_deg)

    b0r, b1r, b2r = (b.reshape(1, feat) for b in (b0, b1, b2))
    h0 = tc1a(features, W0, b0r)
    y1 = tc1b(deg_part, h0, W1)
    t1 = agg_k(y1, comb)
    h1, y2 = tc2(deg_part, t1, b1r, h0, W2)
    t2 = agg_k(y2, comb)
    return tc3(deg_part, t2, b2r, h1)

# --- scband reference (transcript-rebuilt; emitter-appended) ---
"""Pipeline reference for scband-ignnconv-87600152969918 (READ-ONLY COPY).

The authoritative reference and input builder live on the scoring server;
editing this copy changes nothing except your own understanding.
"""

import jax, jax.numpy as jnp
import numpy as np

N_NODES = 10000
N_EDGES = 320000
IN_FEATS = 128
H_FEATS = 128
N_HOPS = 2


def setup_inputs(seed: int = 0) -> dict:
    key = jax.random.key(seed)
    ks = jax.random.split(key, 10)
    features = jax.random.normal(ks[0], (N_NODES, IN_FEATS), dtype=jnp.float32)
    edge_index = jax.random.randint(ks[1], (2, N_EDGES), 0, N_NODES, dtype=jnp.int64)
    s = 1.0 / np.sqrt(H_FEATS)
    W0 = jax.random.uniform(ks[2], (IN_FEATS, H_FEATS), jnp.float32, -s, s)
    b0 = jax.random.uniform(ks[3], (H_FEATS,), jnp.float32, -s, s)
    W1 = jax.random.uniform(ks[4], (H_FEATS, H_FEATS), jnp.float32, -s, s)
    b1 = jax.random.uniform(ks[5], (H_FEATS,), jnp.float32, -s, s)
    W2 = jax.random.uniform(ks[6], (H_FEATS, H_FEATS), jnp.float32, -s, s)
    b2 = jax.random.uniform(ks[7], (H_FEATS,), jnp.float32, -s, s)
    return {"features": features, "edge_index": edge_index,
            "W0": W0, "b0": b0, "W1": W1, "b1": b1, "W2": W2, "b2": b2}


def _gcn_norm(edge_index, n):
    # PyG-style symmetric GCN normalization, add_self_loops=False
    src = edge_index[0]
    dst = edge_index[1]
    deg = jnp.zeros((n,), dtype=jnp.float32).at[dst].add(1.0)
    dis = jnp.where(deg > 0, deg ** -0.5, 0.0)
    return dis[src] * dis[dst], src, dst


def reference(features, edge_index, W0, b0, W1, b1, W2, b2):
    n = features.shape[0]
    norm, src, dst = _gcn_norm(edge_index, n)
    # layer 0: Dropout(p=0) -> Linear -> Identity norm -> ReLU
    h = jax.nn.relu(features @ W0 + b0)
    # GCN layers with residual (RN='residual'): h = act(GCN(h)) + h
    for (W, b) in ((W1, b1), (W2, b2)):
        xw = h @ W
        msg = norm[:, None] * xw[src]
        agg = jnp.zeros((n, xw.shape[1]), dtype=xw.dtype).at[dst].add(msg)
        h = jax.nn.relu(agg + b) + h
    return h

if __name__ == "__main__":
    import jax
    _d = setup_inputs()
    print(jax.jit(kernel)(*tuple(_d.values())))

</pallas_src>

<mosaic_0001>
#map = affine_map<(d0, d1) -> (0, 0)>
#map1 = affine_map<(d0, d1) -> (0, 0, 0)>
module attributes {stable_mosaic.version = 14 : i64} {
  func.func @deg_kernel(%arg0: i32, %arg1: i32, %arg2: memref<2560x128xi32, #tpu.memory_space<hbm>>, %arg3: memref<128x128xf32, #tpu.memory_space<hbm>>, %arg4: memref<632x128xf32, #tpu.memory_space<hbm>>, %arg5: memref<2x10112x128xf32, #tpu.memory_space<hbm>>, %arg6: memref<80x128xi32, #tpu.memory_space<vmem>>, %arg7: memref<128x128xf32, #tpu.memory_space<vmem>>, %arg8: memref<10112x128xf32, #tpu.memory_space<vmem_shared>>, %arg9: memref<!tpu.dma_semaphore, #tpu.memory_space<semaphore_mem>>) attributes {dimension_semantics = [#tpu.dimension_semantics<core_parallel>, #tpu.dimension_semantics<subcore_parallel>], iteration_bounds = array<i64: 2, 16>, scalar_prefetch = 0 : i64, scratch_operands = 4 : i64, tpu.core_type = #tpu.core_type<sc_vector_subcore>, window_params = [{transform_indices = #map}, {transform_indices = #map}, {transform_indices = #map}, {transform_indices = #map1}]} {
    %mul3A = arith.constant 16 : i32
    %mul3A_0 = arith.muli %arg0, %mul3A : i32
    %add3A = arith.addi %mul3A_0, %arg1 : i32
    %mul3A_1 = arith.constant 632 : i32
    %mul3A_2 = arith.muli %arg1, %mul3A_1 : i32
    "tpu.region"() ({
      %run_scoped3A = tpu.sem_alloc : memref<!tpu.dma_semaphore, #tpu.memory_space<semaphore_mem>>
      %dma_start3A = arith.constant 0 : i32
      %dma_start3A_21 = tpu.memref_slice %arg8[%mul3A_2, %dma_start3A] : memref<10112x128xf32, #tpu.memory_space<vmem_shared>> -> memref<632x128xf32, #tpu.memory_space<vmem_shared>>
      tpu.enqueue_dma source(%arg4 : memref<632x128xf32, #tpu.memory_space<hbm>>) target(%dma_start3A_21 : memref<632x128xf32, #tpu.memory_space<vmem_shared>>) target_semaphore(%run_scoped3A : memref<!tpu.dma_semaphore, #tpu.memory_space<semaphore_mem>>)
      %dma_wait3A = arith.constant 0 : i32
      %dma_wait3A_22 = tpu.memref_slice %arg8[%mul3A_2, %dma_wait3A] : memref<10112x128xf32, #tpu.memory_space<vmem_shared>> -> memref<632x128xf32, #tpu.memory_space<vmem_shared>>
      tpu.wait_dma2 semaphore(%run_scoped3A : memref<!tpu.dma_semaphore, #tpu.memory_space<semaphore_mem>>) src(%arg4 : memref<632x128xf32, #tpu.memory_space<hbm>>) dst(%dma_wait3A_22 : memref<632x128xf32, #tpu.memory_space<vmem_shared>>)
      tpu.yield
    }) : () -> ()
    "tpu.region"() ({
      %run_scoped3A = tpu.sem_alloc : memref<!tpu.dma_semaphore, #tpu.memory_space<semaphore_mem>>
      tpu.enqueue_dma source(%arg3 : memref<128x128xf32, #tpu.memory_space<hbm>>) target(%arg7 : memref<128x128xf32, #tpu.memory_space<vmem>>) target_semaphore(%run_scoped3A : memref<!tpu.dma_semaphore, #tpu.memory_space<semaphore_mem>>)
      tpu.wait_dma2 semaphore(%run_scoped3A : memref<!tpu.dma_semaphore, #tpu.memory_space<semaphore_mem>>) src(%arg3 : memref<128x128xf32, #tpu.memory_space<hbm>>) dst(%arg7 : memref<128x128xf32, #tpu.memory_space<vmem>>)
      tpu.yield
    }) : () -> ()
    %mul3A_3 = arith.constant 80 : i32
    %mul3A_4 = arith.muli %add3A, %mul3A_3 : i32
    "tpu.region"() ({
      %run_scoped3A = tpu.sem_alloc : memref<!tpu.dma_semaphore, #tpu.memory_space<semaphore_mem>>
      %dma_start3A = arith.constant 0 : i32
      %dma_start3A_21 = tpu.memref_slice %arg2[%mul3A_4, %dma_start3A] : memref<2560x128xi32, #tpu.memory_space<hbm>> -> memref<80x128xi32, #tpu.memory_space<hbm>>
      %dma_start3A_22 = arith.constant 0 : i32
      %dma_start3A_23 = tpu.memref_slice %arg2[%mul3A_4, %dma_start3A_22] : memref<2560x128xi32, #tpu.memory_space<hbm>> -> memref<80x128xi32, #tpu.memory_space<hbm>>
      tpu.enqueue_dma source(%dma_start3A_23 : memref<80x128xi32, #tpu.memory_space<hbm>>) target(%arg6 : memref<80x128xi32, #tpu.memory_space<vmem>>) target_semaphore(%run_scoped3A : memref<!tpu.dma_semaphore, #tpu.memory_space<semaphore_mem>>)
      %dma_wait3A = arith.constant 0 : i32
      %dma_wait3A_24 = tpu.memref_slice %arg2[%mul3A_4, %dma_wait3A] : memref<2560x128xi32, #tpu.memory_space<hbm>> -> memref<80x128xi32, #tpu.memory_space<hbm>>
      %dma_wait3A_25 = arith.constant 0 : i32
      %dma_wait3A_26 = tpu.memref_slice %arg2[%mul3A_4, %dma_wait3A_25] : memref<2560x128xi32, #tpu.memory_space<hbm>> -> memref<80x128xi32, #tpu.memory_space<hbm>>
      tpu.wait_dma2 semaphore(%run_scoped3A : memref<!tpu.dma_semaphore, #tpu.memory_space<semaphore_mem>>) src(%dma_wait3A_26 : memref<80x128xi32, #tpu.memory_space<hbm>>) dst(%arg6 : memref<80x128xi32, #tpu.memory_space<vmem>>)
      tpu.yield
    }) : () -> ()
    %barrier3A = arith.constant 0 : index
    tpu.barrier barrier_id(%barrier3A)
    %scan3A = arith.constant 0 : i32
    %scan3A_5 = arith.constant 0 : i32
    %scan3A_6 = arith.constant 80 : i32
    %scan3A_7 = arith.addi %scan3A_5, %scan3A_6 : i32
    %scan3A_8 = arith.constant 1 : i32
    scf.for %scan3A_21 = %scan3A_5 to %scan3A_7 step %scan3A_8  : i32 {
      %dma_start3A = arith.constant 0 : i32
      %dma_start3A_22 = tpu.memref_slice %arg6[%scan3A_21, %dma_start3A] : memref<80x128xi32, #tpu.memory_space<vmem>> -> memref<1x128xi32, #tpu.memory_space<vmem>>
      %dma_start3A_23 = tpu.memref_squeeze %dma_start3A_22 : memref<1x128xi32, #tpu.memory_space<vmem>> -> memref<128xi32, #tpu.memory_space<vmem>>
      %dma_start3A_24 = arith.constant 0 : i32
      %dma_start3A_25 = arith.constant 0 : i32
      %dma_start3A_26 = tpu.memref_slice %arg8[%dma_start3A_24, %dma_start3A_25] : memref<10112x128xf32, #tpu.memory_space<vmem_shared>> -> memref<10112x128xf32, #tpu.memory_space<vmem_shared>>
      tpu.enqueue_indirect_dma source(%arg7 : memref<128x128xf32, #tpu.memory_space<vmem>>) target(%dma_start3A_26 : memref<10112x128xf32, #tpu.memory_space<vmem_shared>>) offsets(%dma_start3A_23 : memref<128xi32, #tpu.memory_space<vmem>>) semaphore(%arg9 : memref<!tpu.dma_semaphore, #tpu.memory_space<semaphore_mem>>) {add = true}
    }
    %scan3A_9 = arith.constant 80 : i32
    %scan3A_10 = arith.constant 0 : i32
    %scan3A_11 = arith.constant 0 : i32
    %scan3A_12 = arith.constant 80 : i32
    %scan3A_13 = arith.addi %scan3A_11, %scan3A_12 : i32
    %scan3A_14 = arith.constant 1 : i32
    scf.for %scan3A_21 = %scan3A_11 to %scan3A_13 step %scan3A_14  : i32 {
      %dma_wait3A = arith.constant 0 : i32
      %dma_wait3A_22 = arith.constant 0 : i32
      %dma_wait3A_23 = tpu.memref_slice %arg6[%dma_wait3A, %dma_wait3A_22] : memref<80x128xi32, #tpu.memory_space<vmem>> -> memref<1x128xi32, #tpu.memory_space<vmem>>
      %dma_wait3A_24 = tpu.memref_squeeze %dma_wait3A_23 : memref<1x128xi32, #tpu.memory_space<vmem>> -> memref<128xi32, #tpu.memory_space<vmem>>
      %dma_wait3A_25 = arith.constant 0 : i32
      %dma_wait3A_26 = arith.constant 0 : i32
      %dma_wait3A_27 = tpu.memref_slice %arg8[%dma_wait3A_25, %dma_wait3A_26] : memref<10112x128xf32, #tpu.memory_space<vmem_shared>> -> memref<10112x128xf32, #tpu.memory_space<vmem_shared>>
      tpu.wait_indirect_dma semaphore(%arg9 : memref<!tpu.dma_semaphore, #tpu.memory_space<semaphore_mem>>) src(%arg7 : memref<128x128xf32, #tpu.memory_space<vmem>>) dst(%dma_wait3A_27 : memref<10112x128xf32, #tpu.memory_space<vmem_shared>>)
    }
    %scan3A_15 = arith.constant 80 : i32
    %barrier3A_16 = arith.constant 0 : index
    tpu.barrier barrier_id(%barrier3A_16)
    %mul3A_17 = arith.constant 632 : i32
    %mul3A_18 = arith.muli %arg1, %mul3A_17 : i32
    %mul3A_19 = arith.constant 632 : i32
    %mul3A_20 = arith.muli %arg1, %mul3A_19 : i32
    "tpu.region"() ({
      %run_scoped3A = tpu.sem_alloc : memref<!tpu.dma_semaphore, #tpu.memory_space<semaphore_mem>>
      %dma_start3A = arith.constant 0 : i32
      %dma_start3A_21 = arith.constant 0 : i32
      %dma_start3A_22 = tpu.memref_slice %arg5[%arg0, %dma_start3A, %dma_start3A_21] : memref<2x10112x128xf32, #tpu.memory_space<hbm>> -> memref<1x10112x128xf32, #tpu.memory_space<hbm>>
      %dma_start3A_23 = tpu.memref_squeeze %dma_start3A_22 : memref<1x10112x128xf32, #tpu.memory_space<hbm>> -> memref<10112x128xf32, #tpu.memory_space<hbm>>
      %dma_start3A_24 = arith.constant 0 : i32
      %dma_start3A_25 = tpu.memref_slice %dma_start3A_23[%mul3A_20, %dma_start3A_24] : memref<10112x128xf32, #tpu.memory_space<hbm>> -> memref<632x128xf32, #tpu.memory_space<hbm>>
      %dma_start3A_26 = arith.constant 0 : i32
      %dma_start3A_27 = tpu.memref_slice %arg8[%mul3A_18, %dma_start3A_26] : memref<10112x128xf32, #tpu.memory_space<vmem_shared>> -> memref<632x128xf32, #tpu.memory_space<vmem_shared>>
      tpu.enqueue_dma source(%dma_start3A_27 : memref<632x128xf32, #tpu.memory_space<vmem_shared>>) target(%dma_start3A_25 : memref<632x128xf32, #tpu.memory_space<hbm>>) target_semaphore(%run_scoped3A : memref<!tpu.dma_semaphore, #tpu.memory_space<semaphore_mem>>)
      %dma_wait3A = arith.constant 0 : i32
      %dma_wait3A_28 = arith.constant 0 : i32
      %dma_wait3A_29 = tpu.memref_slice %arg5[%arg0, %dma_wait3A, %dma_wait3A_28] : memref<2x10112x128xf32, #tpu.memory_space<hbm>> -> memref<1x10112x128xf32, #tpu.memory_space<hbm>>
      %dma_wait3A_30 = tpu.memref_squeeze %dma_wait3A_29 : memref<1x10112x128xf32, #tpu.memory_space<hbm>> -> memref<10112x128xf32, #tpu.memory_space<hbm>>
      %dma_wait3A_31 = arith.constant 0 : i32
      %dma_wait3A_32 = tpu.memref_slice %dma_wait3A_30[%mul3A_20, %dma_wait3A_31] : memref<10112x128xf32, #tpu.memory_space<hbm>> -> memref<632x128xf32, #tpu.memory_space<hbm>>
      %dma_wait3A_33 = arith.constant 0 : i32
      %dma_wait3A_34 = tpu.memref_slice %arg8[%mul3A_18, %dma_wait3A_33] : memref<10112x128xf32, #tpu.memory_space<vmem_shared>> -> memref<632x128xf32, #tpu.memory_space<vmem_shared>>
      tpu.wait_dma2 semaphore(%run_scoped3A : memref<!tpu.dma_semaphore, #tpu.memory_space<semaphore_mem>>) src(%dma_wait3A_34 : memref<632x128xf32, #tpu.memory_space<vmem_shared>>) dst(%dma_wait3A_32 : memref<632x128xf32, #tpu.memory_space<hbm>>)
      tpu.yield
    }) : () -> ()
    return
  }
}

#map = affine_map<(d0, d1) -> (0, 0)>
#map1 = affine_map<(d0, d1) -> (0, 0, 0)>
module attributes {stable_mosaic.version = 14 : i64} {
  func.func @agg_kernel(%arg0: i32, %arg1: i32, %arg2: memref<10000x128xf32, #tpu.memory_space<hbm>>, %arg3: memref<5120x128xi32, #tpu.memory_space<hbm>>, %arg4: memref<2x10112x128xf32, #tpu.memory_space<hbm>>, %arg5: memref<2x8x128xi32, #tpu.memory_space<vmem>>, %arg6: memref<128x128xf32, #tpu.memory_space<vmem>>, %arg7: memref<128x128xf32, #tpu.memory_space<vmem>>, %arg8: memref<10112x128xf32, #tpu.memory_space<vmem_shared>>, %arg9: memref<!tpu.dma_semaphore, #tpu.memory_space<semaphore_mem>>, %arg10: memref<!tpu.dma_semaphore, #tpu.memory_space<semaphore_mem>>, %arg11: memref<!tpu.dma_semaphore, #tpu.memory_space<semaphore_mem>>) attributes {dimension_semantics = [#tpu.dimension_semantics<core_parallel>, #tpu.dimension_semantics<subcore_parallel>], iteration_bounds = array<i64: 2, 16>, scalar_prefetch = 0 : i64, scratch_operands = 7 : i64, tpu.core_type = #tpu.core_type<sc_vector_subcore>, window_params = [{transform_indices = #map}, {transform_indices = #map}, {transform_indices = #map1}]} {
    %scan3A = arith.constant 0 : i32
    %scan3A_0 = arith.constant 0 : i32
    %scan3A_1 = arith.constant 128 : i32
    %scan3A_2 = arith.addi %scan3A_0, %scan3A_1 : i32
    %scan3A_3 = arith.constant 1 : i32
    scf.for %scan3A_101 = %scan3A_0 to %scan3A_2 step %scan3A_3  : i32 {
      %broadcast_in_dim3A = arith.constant 0.000000e+00 : f32
      %broadcast_in_dim3A_102 = vector.broadcast %broadcast_in_dim3A : f32 to vector<16xf32>
      %swap3A = arith.index_cast %scan3A_101 : i32 to index
      %swap3A_103 = arith.constant 0 : index
      %swap3A_104 = tpu.vector_load %arg6[%swap3A, %swap3A_103] {strides = array<i32>} : memref<128x128xf32, #tpu.memory_space<vmem>>, vector<1x16xf32>,
      %swap3A_105 = vector.shape_cast %swap3A_104 : vector<1x16xf32> to vector<16xf32>
      %swap3A_106 = vector.shape_cast %broadcast_in_dim3A_102 : vector<16xf32> to vector<1x16xf32>
      tpu.vector_store %arg6[%swap3A, %swap3A_103], %swap3A_106 {strides = array<i32>} : memref<128x128xf32, #tpu.memory_space<vmem>>, vector<1x16xf32>,
      %broadcast_in_dim3A_107 = arith.constant 0.000000e+00 : f32
      %broadcast_in_dim3A_108 = vector.broadcast %broadcast_in_dim3A_107 : f32 to vector<16xf32>
      %swap3A_109 = arith.index_cast %scan3A_101 : i32 to index
      %swap3A_110 = arith.constant 16 : index
      %swap3A_111 = tpu.vector_load %arg6[%swap3A_109, %swap3A_110] {strides = array<i32>} : memref<128x128xf32, #tpu.memory_space<vmem>>, vector<1x16xf32>,
      %swap3A_112 = vector.shape_cast %swap3A_111 : vector<1x16xf32> to vector<16xf32>
      %swap3A_113 = vector.shape_cast %broadcast_in_dim3A_108 : vector<16xf32> to vector<1x16xf32>
      tpu.vector_store %arg6[%swap3A_109, %swap3A_110], %swap3A_113 {strides = array<i32>} : memref<128x128xf32, #tpu.memory_space<vmem>>, vector<1x16xf32>,
      %broadcast_in_dim3A_114 = arith.constant 0.000000e+00 : f32
      %broadcast_in_dim3A_115 = vector.broadcast %broadcast_in_dim3A_114 : f32 to vector<16xf32>
      %swap3A_116 = arith.index_cast %scan3A_101 : i32 to index
      %swap3A_117 = arith.constant 32 : index
      %swap3A_118 = tpu.vector_load %arg6[%swap3A_116, %swap3A_117] {strides = array<i32>} : memref<128x128xf32, #tpu.memory_space<vmem>>, vector<1x16xf32>,
      %swap3A_119 = vector.shape_cast %swap3A_118 : vector<1x16xf32> to vector<16xf32>
      %swap3A_120 = vector.shape_cast %broadcast_in_dim3A_115 : vector<16xf32> to vector<1x16xf32>
      tpu.vector_store %arg6[%swap3A_116, %swap3A_117], %swap3A_120 {strides = array<i32>} : memref<128x128xf32, #tpu.memory_space<vmem>>, vector<1x16xf32>,
      %broadcast_in_dim3A_121 = arith.constant 0.000000e+00 : f32
      %broadcast_in_dim3A_122 = vector.broadcast %broadcast_in_dim3A_121 : f32 to vector<16xf32>
      %swap3A_123 = arith.index_cast %scan3A_101 : i32 to index
      %swap3A_124 = arith.constant 48 : index
      %swap3A_125 = tpu.vector_load %arg6[%swap3A_123, %swap3A_124] {strides = array<i32>} : memref<128x128xf32, #tpu.memory_space<vmem>>, vector<1x16xf32>,
      %swap3A_126 = vector.shape_cast %swap3A_125 : vector<1x16xf32> to vector<16xf32>
      %swap3A_127 = vector.shape_cast %broadcast_in_dim3A_122 : vector<16xf32> to vector<1x16xf32>
      tpu.vector_store %arg6[%swap3A_123, %swap3A_124], %swap3A_127 {strides = array<i32>} : memref<128x128xf32, #tpu.memory_space<vmem>>, vector<1x16xf32>,
      %broadcast_in_dim3A_128 = arith.constant 0.000000e+00 : f32
      %broadcast_in_dim3A_129 = vector.broadcast %broadcast_in_dim3A_128 : f32 to vector<16xf32>
      %swap3A_130 = arith.index_cast %scan3A_101 : i32 to index
      %swap3A_131 = arith.constant 64 : index
      %swap3A_132 = tpu.vector_load %arg6[%swap3A_130, %swap3A_131] {strides = array<i32>} : memref<128x128xf32, #tpu.memory_space<vmem>>, vector<1x16xf32>,
      %swap3A_133 = vector.shape_cast %swap3A_132 : vector<1x16xf32> to vector<16xf32>
      %swap3A_134 = vector.shape_cast %broadcast_in_dim3A_129 : vector<16xf32> to vector<1x16xf32>
      tpu.vector_store %arg6[%swap3A_130, %swap3A_131], %swap3A_134 {strides = array<i32>} : memref<128x128xf32, #tpu.memory_space<vmem>>, vector<1x16xf32>,
      %broadcast_in_dim3A_135 = arith.constant 0.000000e+00 : f32
      %broadcast_in_dim3A_136 = vector.broadcast %broadcast_in_dim3A_135 : f32 to vector<16xf32>
      %swap3A_137 = arith.index_cast %scan3A_101 : i32 to index
      %swap3A_138 = arith.constant 80 : index
      %swap3A_139 = tpu.vector_load %arg6[%swap3A_137, %swap3A_138] {strides = array<i32>} : memref<128x128xf32, #tpu.memory_space<vmem>>, vector<1x16xf32>,
      %swap3A_140 = vector.shape_cast %swap3A_139 : vector<1x16xf32> to vector<16xf32>
      %swap3A_141 = vector.shape_cast %broadcast_in_dim3A_136 : vector<16xf32> to vector<1x16xf32>
      tpu.vector_store %arg6[%swap3A_137, %swap3A_138], %swap3A_141 {strides = array<i32>} : memref<128x128xf32, #tpu.memory_space<vmem>>, vector<1x16xf32>,
      %broadcast_in_dim3A_142 = arith.constant 0.000000e+00 : f32
      %broadcast_in_dim3A_143 = vector.broadcast %broadcast_in_dim3A_142 : f32 to vector<16xf32>
      %swap3A_144 = arith.index_cast %scan3A_101 : i32 to index
      %swap3A_145 = arith.constant 96 : index
      %swap3A_146 = tpu.vector_load %arg6[%swap3A_144, %swap3A_145] {strides = array<i32>} : memref<128x128xf32, #tpu.memory_space<vmem>>, vector<1x16xf32>,
      %swap3A_147 = vector.shape_cast %swap3A_146 : vector<1x16xf32> to vector<16xf32>
      %swap3A_148 = vector.shape_cast %broadcast_in_dim3A_143 : vector<16xf32> to vector<1x16xf32>
      tpu.vector_store %arg6[%swap3A_144, %swap3A_145], %swap3A_148 {strides = array<i32>} : memref<128x128xf32, #tpu.memory_space<vmem>>, vector<1x16xf32>,
      %broadcast_in_dim3A_149 = arith.constant 0.000000e+00 : f32
      %broadcast_in_dim3A_150 = vector.broadcast %broadcast_in_dim3A_149 : f32 to vector<16xf32>
      %swap3A_151 = arith.index_cast %scan3A_101 : i32 to index
      %swap3A_152 = arith.constant 112 : index
      %swap3A_153 = tpu.vector_load %arg6[%swap3A_151, %swap3A_152] {strides = array<i32>} : memref<128x128xf32, #tpu.memory_space<vmem>>, vector<1x16xf32>,
      %swap3A_154 = vector.shape_cast %swap3A_153 : vector<1x16xf32> to vector<16xf32>
      %swap3A_155 = vector.shape_cast %broadcast_in_dim3A_150 : vector<16xf32> to vector<1x16xf32>
      tpu.vector_store %arg6[%swap3A_151, %swap3A_152], %swap3A_155 {strides = array<i32>} : memref<128x128xf32, #tpu.memory_space<vmem>>, vector<1x16xf32>,
    }
    %scan3A_4 = arith.constant 128 : i32
    %mul3A = arith.constant 632 : i32
    %mul3A_5 = arith.muli %arg1, %mul3A : i32
    %add3A = arith.constant 0 : i32
    %add3A_6 = arith.addi %mul3A_5, %add3A : i32
    "tpu.region"() ({
      %run_scoped3A = tpu.sem_alloc : memref<!tpu.dma_semaphore, #tpu.memory_space<semaphore_mem>>
      %dma_start3A_101 = arith.constant 0 : i32
      %dma_start3A_102 = tpu.memref_slice %arg8[%add3A_6, %dma_start3A_101] : memref<10112x128xf32, #tpu.memory_space<vmem_shared>> -> memref<128x128xf32, #tpu.memory_space<vmem_shared>>
      %dma_start3A_103 = arith.constant 0 : i32
      %dma_start3A_104 = tpu.memref_slice %arg8[%add3A_6, %dma_start3A_103] : memref<10112x128xf32, #tpu.memory_space<vmem_shared>> -> memref<128x128xf32, #tpu.memory_space<vmem_shared>>
      tpu.enqueue_dma source(%arg6 : memref<128x128xf32, #tpu.memory_space<vmem>>) target(%dma_start3A_104 : memref<128x128xf32, #tpu.memory_space<vmem_shared>>) target_semaphore(%run_scoped3A : memref<!tpu.dma_semaphore, #tpu.memory_space<semaphore_mem>>)
      %dma_wait3A_105 = arith.constant 0 : i32
      %dma_wait3A_106 = tpu.memref_slice %arg8[%add3A_6, %dma_wait3A_105] : memref<10112x128xf32, #tpu.memory_space<vmem_shared>> -> memref<128x128xf32, #tpu.memory_space<vmem_shared>>
      %dma_wait3A_107 = arith.constant 0 : i32
      %dma_wait3A_108 = tpu.memref_slice %arg8[%add3A_6, %dma_wait3A_107] : memref<10112x128xf32, #tpu.memory_space<vmem_shared>> -> memref<128x128xf32, #tpu.memory_space<vmem_shared>>
      tpu.wait_dma2 semaphore(%run_scoped3A : memref<!tpu.dma_semaphore, #tpu.memory_space<semaphore_mem>>) src(%arg6 : memref<128x128xf32, #tpu.memory_space<vmem>>) dst(%dma_wait3A_108 : memref<128x128xf32, #tpu.memory_space<vmem_shared>>)
      tpu.yield
    }) : () -> ()
    %mul3A_7 = arith.constant 632 : i32
    %mul3A_8 = arith.muli %arg1, %mul3A_7 : i32
    %add3A_9 = arith.constant 128 : i32
    %add3A_10 = arith.addi %mul3A_8, %add3A_9 : i32
    "tpu.region"() ({
      %run_scoped3A = tpu.sem_alloc : memref<!tpu.dma_semaphore, #tpu.memory_space<semaphore_mem>>
      %dma_start3A_101 = arith.constant 0 : i32
      %dma_start3A_102 = tpu.memref_slice %arg8[%add3A_10, %dma_start3A_101] : memref<10112x128xf32, #tpu.memory_space<vmem_shared>> -> memref<128x128xf32, #tpu.memory_space<vmem_shared>>
      %dma_start3A_103 = arith.constant 0 : i32
      %dma_start3A_104 = tpu.memref_slice %arg8[%add3A_10, %dma_start3A_103] : memref<10112x128xf32, #tpu.memory_space<vmem_shared>> -> memref<128x128xf32, #tpu.memory_space<vmem_shared>>
      tpu.enqueue_dma source(%arg6 : memref<128x128xf32, #tpu.memory_space<vmem>>) target(%dma_start3A_104 : memref<128x128xf32, #tpu.memory_space<vmem_shared>>) target_semaphore(%run_scoped3A : memref<!tpu.dma_semaphore, #tpu.memory_space<semaphore_mem>>)
      %dma_wait3A_105 = arith.constant 0 : i32
      %dma_wait3A_106 = tpu.memref_slice %arg8[%add3A_10, %dma_wait3A_105] : memref<10112x128xf32, #tpu.memory_space<vmem_shared>> -> memref<128x128xf32, #tpu.memory_space<vmem_shared>>
      %dma_wait3A_107 = arith.constant 0 : i32
      %dma_wait3A_108 = tpu.memref_slice %arg8[%add3A_10, %dma_wait3A_107] : memref<10112x128xf32, #tpu.memory_space<vmem_shared>> -> memref<128x128xf32, #tpu.memory_space<vmem_shared>>
      tpu.wait_dma2 semaphore(%run_scoped3A : memref<!tpu.dma_semaphore, #tpu.memory_space<semaphore_mem>>) src(%arg6 : memref<128x128xf32, #tpu.memory_space<vmem>>) dst(%dma_wait3A_108 : memref<128x128xf32, #tpu.memory_space<vmem_shared>>)
      tpu.yield
    }) : () -> ()
    %mul3A_11 = arith.constant 632 : i32
    %mul3A_12 = arith.muli %arg1, %mul3A_11 : i32
    %add3A_13 = arith.constant 256 : i32
    %add3A_14 = arith.addi %mul3A_12, %add3A_13 : i32
    "tpu.region"() ({
      %run_scoped3A = tpu.sem_alloc : memref<!tpu.dma_semaphore, #tpu.memory_space<semaphore_mem>>
      %dma_start3A_101 = arith.constant 0 : i32
      %dma_start3A_102 = tpu.memref_slice %arg8[%add3A_14, %dma_start3A_101] : memref<10112x128xf32, #tpu.memory_space<vmem_shared>> -> memref<128x128xf32, #tpu.memory_space<vmem_shared>>
      %dma_start3A_103 = arith.constant 0 : i32
      %dma_start3A_104 = tpu.memref_slice %arg8[%add3A_14, %dma_start3A_103] : memref<10112x128xf32, #tpu.memory_space<vmem_shared>> -> memref<128x128xf32, #tpu.memory_space<vmem_shared>>
      tpu.enqueue_dma source(%arg6 : memref<128x128xf32, #tpu.memory_space<vmem>>) target(%dma_start3A_104 : memref<128x128xf32, #tpu.memory_space<vmem_shared>>) target_semaphore(%run_scoped3A : memref<!tpu.dma_semaphore, #tpu.memory_space<semaphore_mem>>)
      %dma_wait3A_105 = arith.constant 0 : i32
      %dma_wait3A_106 = tpu.memref_slice %arg8[%add3A_14, %dma_wait3A_105] : memref<10112x128xf32, #tpu.memory_space<vmem_shared>> -> memref<128x128xf32, #tpu.memory_space<vmem_shared>>
      %dma_wait3A_107 = arith.constant 0 : i32
      %dma_wait3A_108 = tpu.memref_slice %arg8[%add3A_14, %dma_wait3A_107] : memref<10112x128xf32, #tpu.memory_space<vmem_shared>> -> memref<128x128xf32, #tpu.memory_space<vmem_shared>>
      tpu.wait_dma2 semaphore(%run_scoped3A : memref<!tpu.dma_semaphore, #tpu.memory_space<semaphore_mem>>) src(%arg6 : memref<128x128xf32, #tpu.memory_space<vmem>>) dst(%dma_wait3A_108 : memref<128x128xf32, #tpu.memory_space<vmem_shared>>)
      tpu.yield
    }) : () -> ()
    %mul3A_15 = arith.constant 632 : i32
    %mul3A_16 = arith.muli %arg1, %mul3A_15 : i32
    %add3A_17 = arith.constant 384 : i32
    %add3A_18 = arith.addi %mul3A_16, %add3A_17 : i32
    "tpu.region"() ({
      %run_scoped3A = tpu.sem_alloc : memref<!tpu.dma_semaphore, #tpu.memory_space<semaphore_mem>>
      %dma_start3A_101 = arith.constant 0 : i32
      %dma_start3A_102 = tpu.memref_slice %arg8[%add3A_18, %dma_start3A_101] : memref<10112x128xf32, #tpu.memory_space<vmem_shared>> -> memref<128x128xf32, #tpu.memory_space<vmem_shared>>
      %dma_start3A_103 = arith.constant 0 : i32
      %dma_start3A_104 = tpu.memref_slice %arg8[%add3A_18, %dma_start3A_103] : memref<10112x128xf32, #tpu.memory_space<vmem_shared>> -> memref<128x128xf32, #tpu.memory_space<vmem_shared>>
      tpu.enqueue_dma source(%arg6 : memref<128x128xf32, #tpu.memory_space<vmem>>) target(%dma_start3A_104 : memref<128x128xf32, #tpu.memory_space<vmem_shared>>) target_semaphore(%run_scoped3A : memref<!tpu.dma_semaphore, #tpu.memory_space<semaphore_mem>>)
      %dma_wait3A_105 = arith.constant 0 : i32
      %dma_wait3A_106 = tpu.memref_slice %arg8[%add3A_18, %dma_wait3A_105] : memref<10112x128xf32, #tpu.memory_space<vmem_shared>> -> memref<128x128xf32, #tpu.memory_space<vmem_shared>>
      %dma_wait3A_107 = arith.constant 0 : i32
      %dma_wait3A_108 = tpu.memref_slice %arg8[%add3A_18, %dma_wait3A_107] : memref<10112x128xf32, #tpu.memory_space<vmem_shared>> -> memref<128x128xf32, #tpu.memory_space<vmem_shared>>
      tpu.wait_dma2 semaphore(%run_scoped3A : memref<!tpu.dma_semaphore, #tpu.memory_space<semaphore_mem>>) src(%arg6 : memref<128x128xf32, #tpu.memory_space<vmem>>) dst(%dma_wait3A_108 : memref<128x128xf32, #tpu.memory_space<vmem_shared>>)
      tpu.yield
    }) : () -> ()
    %mul3A_19 = arith.constant 632 : i32
    %mul3A_20 = arith.muli %arg1, %mul3A_19 : i32
    %add3A_21 = arith.constant 632 : i32
    %add3A_22 = arith.addi %mul3A_20, %add3A_21 : i32
    %sub3A = arith.constant 120 : i32
    %sub3A_23 = arith.subi %add3A_22, %sub3A : i32
    "tpu.region"() ({
      %run_scoped3A = tpu.sem_alloc : memref<!tpu.dma_semaphore, #tpu.memory_space<semaphore_mem>>
      %dma_start3A_101 = arith.constant 0 : i32
      %dma_start3A_102 = arith.constant 0 : i32
      %dma_start3A_103 = tpu.memref_slice %arg6[%dma_start3A_101, %dma_start3A_102] : memref<128x128xf32, #tpu.memory_space<vmem>> -> memref<120x128xf32, #tpu.memory_space<vmem>>
      %dma_start3A_104 = arith.constant 0 : i32
      %dma_start3A_105 = tpu.memref_slice %arg8[%sub3A_23, %dma_start3A_104] : memref<10112x128xf32, #tpu.memory_space<vmem_shared>> -> memref<120x128xf32, #tpu.memory_space<vmem_shared>>
      %dma_start3A_106 = arith.constant 0 : i32
      %dma_start3A_107 = tpu.memref_slice %arg8[%sub3A_23, %dma_start3A_106] : memref<10112x128xf32, #tpu.memory_space<vmem_shared>> -> memref<120x128xf32, #tpu.memory_space<vmem_shared>>
      %dma_start3A_108 = arith.constant 0 : i32
      %dma_start3A_109 = arith.constant 0 : i32
      %dma_start3A_110 = tpu.memref_slice %arg6[%dma_start3A_108, %dma_start3A_109] : memref<128x128xf32, #tpu.memory_space<vmem>> -> memref<120x128xf32, #tpu.memory_space<vmem>>
      tpu.enqueue_dma source(%dma_start3A_110 : memref<120x128xf32, #tpu.memory_space<vmem>>) target(%dma_start3A_107 : memref<120x128xf32, #tpu.memory_space<vmem_shared>>) target_semaphore(%run_scoped3A : memref<!tpu.dma_semaphore, #tpu.memory_space<semaphore_mem>>)
      %dma_wait3A_111 = arith.constant 0 : i32
      %dma_wait3A_112 = arith.constant 0 : i32
      %dma_wait3A_113 = tpu.memref_slice %arg6[%dma_wait3A_111, %dma_wait3A_112] : memref<128x128xf32, #tpu.memory_space<vmem>> -> memref<120x128xf32, #tpu.memory_space<vmem>>
      %dma_wait3A_114 = arith.constant 0 : i32
      %dma_wait3A_115 = tpu.memref_slice %arg8[%sub3A_23, %dma_wait3A_114] : memref<10112x128xf32, #tpu.memory_space<vmem_shared>> -> memref<120x128xf32, #tpu.memory_space<vmem_shared>>
      %dma_wait3A_116 = arith.constant 0 : i32
      %dma_wait3A_117 = tpu.memref_slice %arg8[%sub3A_23, %dma_wait3A_116] : memref<10112x128xf32, #tpu.memory_space<vmem_shared>> -> memref<120x128xf32, #tpu.memory_space<vmem_shared>>
      %dma_wait3A_118 = arith.constant 0 : i32
      %dma_wait3A_119 = arith.constant 0 : i32
      %dma_wait3A_120 = tpu.memref_slice %arg6[%dma_wait3A_118, %dma_wait3A_119] : memref<128x128xf32, #tpu.memory_space<vmem>> -> memref<120x128xf32, #tpu.memory_space<vmem>>
      tpu.wait_dma2 semaphore(%run_scoped3A : memref<!tpu.dma_semaphore, #tpu.memory_space<semaphore_mem>>) src(%dma_wait3A_120 : memref<120x128xf32, #tpu.memory_space<vmem>>) dst(%dma_wait3A_117 : memref<120x128xf32, #tpu.memory_space<vmem_shared>>)
      tpu.yield
    }) : () -> ()
    %barrier3A = arith.constant 0 : index
    tpu.barrier barrier_id(%barrier3A)
    %eq3A = arith.constant 0 : i32
    %eq3A_24 = arith.cmpi eq, %arg0, %eq3A : i32
    %jit3A = arith.constant 80 : i32
    %jit3A_25 = arith.constant 80 : i32
    %select_n3A = arith.select %eq3A_24, %jit3A, %jit3A_25 : i32
    %mul3A_26 = arith.constant 16 : i32
    %mul3A_27 = arith.muli %arg0, %mul3A_26 : i32
    %mul3A_28 = arith.constant 80 : i32
    %mul3A_29 = arith.muli %mul3A_27, %mul3A_28 : i32
    %mul3A_30 = arith.muli %arg1, %select_n3A : i32
    %add3A_31 = arith.addi %mul3A_29, %mul3A_30 : i32
    %jit3A_32 = arith.constant 4 : i32
    %div3A = arith.divsi %select_n3A, %jit3A_32 : i32
    %sign3A = arith.constant 0 : i32
    %sign3A_33 = arith.cmpi sgt, %select_n3A, %sign3A : i32
    %sign3A_34 = arith.extui %sign3A_33 : i1 to i32
    %sign3A_35 = arith.constant 0 : i32
    %sign3A_36 = arith.cmpi slt, %select_n3A, %sign3A_35 : i32
    %sign3A_37 = arith.extui %sign3A_36 : i1 to i32
    %sign3A_38 = arith.subi %sign3A_34, %sign3A_37 : i32
    %sign3A_39 = arith.constant 0 : i32
    %sign3A_40 = arith.cmpi sgt, %jit3A_32, %sign3A_39 : i32
    %sign3A_41 = arith.extui %sign3A_40 : i1 to i32
    %sign3A_42 = arith.constant 0 : i32
    %sign3A_43 = arith.cmpi slt, %jit3A_32, %sign3A_42 : i32
    %sign3A_44 = arith.extui %sign3A_43 : i1 to i32
    %sign3A_45 = arith.subi %sign3A_41, %sign3A_44 : i32
    %ne3A = arith.cmpi ne, %sign3A_38, %sign3A_45 : i32
    %rem3A = arith.remsi %select_n3A, %jit3A_32 : i32
    %ne3A_46 = arith.constant 0 : i32
    %ne3A_47 = arith.cmpi ne, %rem3A, %ne3A_46 : i32
    %and3A = arith.andi %ne3A, %ne3A_47 : i1
    %sub3A_48 = arith.constant 1 : i32
    %sub3A_49 = arith.subi %div3A, %sub3A_48 : i32
    %select_n3A_50 = arith.select %and3A, %sub3A_49, %div3A : i32
    %sub3A_51 = arith.constant 1 : i32
    %sub3A_52 = arith.subi %select_n3A_50, %sub3A_51 : i32
    %mul3A_53 = arith.constant 4 : i32
    %mul3A_54 = arith.muli %mul3A_53, %sub3A_52 : i32
    %add3A_55 = arith.addi %add3A_31, %mul3A_54 : i32
    %mul3A_56 = arith.constant 2 : i32
    %mul3A_57 = arith.muli %mul3A_56, %add3A_55 : i32
    %mul3A_58 = arith.constant 2 : i32
    %mul3A_59 = arith.muli %mul3A_58, %add3A_31 : i32
    %dma_start3A = arith.constant 0 : i32
    %dma_start3A_60 = arith.constant 0 : i32
    %dma_start3A_61 = arith.constant 0 : i32
    %dma_start3A_62 = tpu.memref_slice %arg5[%dma_start3A, %dma_start3A_60, %dma_start3A_61] : memref<2x8x128xi32, #tpu.memory_space<vmem>> -> memref<1x8x128xi32, #tpu.memory_space<vmem>>
    %dma_start3A_63 = tpu.memref_squeeze %dma_start3A_62 : memref<1x8x128xi32, #tpu.memory_space<vmem>> -> memref<8x128xi32, #tpu.memory_space<vmem>>
    %dma_start3A_64 = arith.constant 0 : i32
    %dma_start3A_65 = tpu.memref_slice %arg3[%mul3A_59, %dma_start3A_64] : memref<5120x128xi32, #tpu.memory_space<hbm>> -> memref<8x128xi32, #tpu.memory_space<hbm>>
    %dma_start3A_66 = arith.constant 0 : i32
    %dma_start3A_67 = arith.constant 0 : i32
    %dma_start3A_68 = tpu.memref_slice %arg5[%dma_start3A, %dma_start3A_66, %dma_start3A_67] : memref<2x8x128xi32, #tpu.memory_space<vmem>> -> memref<1x8x128xi32, #tpu.memory_space<vmem>>
    %dma_start3A_69 = tpu.memref_squeeze %dma_start3A_68 : memref<1x8x128xi32, #tpu.memory_space<vmem>> -> memref<8x128xi32, #tpu.memory_space<vmem>>
    %dma_start3A_70 = arith.constant 0 : i32
    %dma_start3A_71 = tpu.memref_slice %arg3[%mul3A_59, %dma_start3A_70] : memref<5120x128xi32, #tpu.memory_space<hbm>> -> memref<8x128xi32, #tpu.memory_space<hbm>>
    tpu.enqueue_dma source(%dma_start3A_71 : memref<8x128xi32, #tpu.memory_space<hbm>>) target(%dma_start3A_69 : memref<8x128xi32, #tpu.memory_space<vmem>>) target_semaphore(%arg11 : memref<!tpu.dma_semaphore, #tpu.memory_space<semaphore_mem>>)
    %while3A = arith.constant 0 : i32
    %while3A_72 = arith.constant 0 : i32
    %while3A_73 = arith.subi %select_n3A_50, %while3A_72 : i32
    %while3A_74 = arith.addi %while3A_72, %while3A_73 : i32
    %while3A_75 = arith.constant 1 : i32
    %while3A_76 = arith.divsi %while3A_73, %while3A_75 : i32
    %while3A_77 = arith.muli %while3A_76, %while3A_75 : i32
    %while3A_78 = arith.addi %while3A_72, %while3A_77 : i32
    %while3A_79 = arith.constant 1 : i32
    scf.for %while3A_101 = %while3A_72 to %while3A_78 step %while3A_79  : i32 {
      %rem3A_102 = arith.constant 2 : i32
      %rem3A_103 = arith.remsi %while3A_101, %rem3A_102 : i32
      %add3A_104 = arith.constant 1 : i32
      %add3A_105 = arith.addi %while3A_101, %add3A_104 : i32
      %rem3A_106 = arith.constant 2 : i32
      %rem3A_107 = arith.remsi %add3A_105, %rem3A_106 : i32
      %mul3A_108 = arith.constant 4 : i32
      %mul3A_109 = arith.muli %mul3A_108, %while3A_101 : i32
      %add3A_110 = arith.addi %add3A_31, %mul3A_109 : i32
      %mul3A_111 = arith.constant 2 : i32
      %mul3A_112 = arith.muli %mul3A_111, %add3A_110 : i32
      %dma_wait3A_113 = arith.constant 0 : i32
      %dma_wait3A_114 = arith.constant 0 : i32
      %dma_wait3A_115 = tpu.memref_slice %arg5[%rem3A_103, %dma_wait3A_113, %dma_wait3A_114] : memref<2x8x128xi32, #tpu.memory_space<vmem>> -> memref<1x8x128xi32, #tpu.memory_space<vmem>>
      %dma_wait3A_116 = tpu.memref_squeeze %dma_wait3A_115 : memref<1x8x128xi32, #tpu.memory_space<vmem>> -> memref<8x128xi32, #tpu.memory_space<vmem>>
      %dma_wait3A_117 = arith.constant 0 : i32
      %dma_wait3A_118 = tpu.memref_slice %arg3[%mul3A_112, %dma_wait3A_117] : memref<5120x128xi32, #tpu.memory_space<hbm>> -> memref<8x128xi32, #tpu.memory_space<hbm>>
      %dma_wait3A_119 = arith.constant 0 : i32
      %dma_wait3A_120 = arith.constant 0 : i32
      %dma_wait3A_121 = tpu.memref_slice %arg5[%rem3A_103, %dma_wait3A_119, %dma_wait3A_120] : memref<2x8x128xi32, #tpu.memory_space<vmem>> -> memref<1x8x128xi32, #tpu.memory_space<vmem>>
      %dma_wait3A_122 = tpu.memref_squeeze %dma_wait3A_121 : memref<1x8x128xi32, #tpu.memory_space<vmem>> -> memref<8x128xi32, #tpu.memory_space<vmem>>
      %dma_wait3A_123 = arith.constant 0 : i32
      %dma_wait3A_124 = tpu.memref_slice %arg3[%mul3A_112, %dma_wait3A_123] : memref<5120x128xi32, #tpu.memory_space<hbm>> -> memref<8x128xi32, #tpu.memory_space<hbm>>
      tpu.wait_dma2 semaphore(%arg11 : memref<!tpu.dma_semaphore, #tpu.memory_space<semaphore_mem>>) src(%dma_wait3A_124 : memref<8x128xi32, #tpu.memory_space<hbm>>) dst(%dma_wait3A_122 : memref<8x128xi32, #tpu.memory_space<vmem>>)
      %add3A_125 = arith.constant 8 : i32
      %add3A_126 = arith.addi %mul3A_112, %add3A_125 : i32
      %min3A = arith.minsi %add3A_126, %mul3A_57 : i32
      %dma_start3A_127 = arith.constant 0 : i32
      %dma_start3A_128 = arith.constant 0 : i32
      %dma_start3A_129 = tpu.memref_slice %arg5[%rem3A_107, %dma_start3A_127, %dma_start3A_128] : memref<2x8x128xi32, #tpu.memory_space<vmem>> -> memref<1x8x128xi32, #tpu.memory_space<vmem>>
      %dma_start3A_130 = tpu.memref_squeeze %dma_start3A_129 : memref<1x8x128xi32, #tpu.memory_space<vmem>> -> memref<8x128xi32, #tpu.memory_space<vmem>>
      %dma_start3A_131 = arith.constant 0 : i32
      %dma_start3A_132 = tpu.memref_slice %arg3[%min3A, %dma_start3A_131] : memref<5120x128xi32, #tpu.memory_space<hbm>> -> memref<8x128xi32, #tpu.memory_space<hbm>>
      %dma_start3A_133 = arith.constant 0 : i32
      %dma_start3A_134 = arith.constant 0 : i32
      %dma_start3A_135 = tpu.memref_slice %arg5[%rem3A_107, %dma_start3A_133, %dma_start3A_134] : memref<2x8x128xi32, #tpu.memory_space<vmem>> -> memref<1x8x128xi32, #tpu.memory_space<vmem>>
      %dma_start3A_136 = tpu.memref_squeeze %dma_start3A_135 : memref<1x8x128xi32, #tpu.memory_space<vmem>> -> memref<8x128xi32, #tpu.memory_space<vmem>>
      %dma_start3A_137 = arith.constant 0 : i32
      %dma_start3A_138 = tpu.memref_slice %arg3[%min3A, %dma_start3A_137] : memref<5120x128xi32, #tpu.memory_space<hbm>> -> memref<8x128xi32, #tpu.memory_space<hbm>>
      tpu.enqueue_dma source(%dma_start3A_138 : memref<8x128xi32, #tpu.memory_space<hbm>>) target(%dma_start3A_136 : memref<8x128xi32, #tpu.memory_space<vmem>>) target_semaphore(%arg11 : memref<!tpu.dma_semaphore, #tpu.memory_space<semaphore_mem>>)
      %dma_start3A_139 = arith.constant 0 : i32
      %dma_start3A_140 = arith.constant 0 : i32
      %dma_start3A_141 = arith.constant 0 : i32
      %dma_start3A_142 = tpu.memref_slice %arg5[%rem3A_103, %dma_start3A_140, %dma_start3A_141] : memref<2x8x128xi32, #tpu.memory_space<vmem>> -> memref<1x8x128xi32, #tpu.memory_space<vmem>>
      %dma_start3A_143 = tpu.memref_squeeze %dma_start3A_142 : memref<1x8x128xi32, #tpu.memory_space<vmem>> -> memref<8x128xi32, #tpu.memory_space<vmem>>
      %dma_start3A_144 = arith.constant 0 : i32
      %dma_start3A_145 = tpu.memref_slice %dma_start3A_143[%dma_start3A_139, %dma_start3A_144] : memref<8x128xi32, #tpu.memory_space<vmem>> -> memref<1x128xi32, #tpu.memory_space<vmem>>
      %dma_start3A_146 = tpu.memref_squeeze %dma_start3A_145 : memref<1x128xi32, #tpu.memory_space<vmem>> -> memref<128xi32, #tpu.memory_space<vmem>>
      %dma_start3A_147 = arith.constant 0 : i32
      %dma_start3A_148 = arith.constant 0 : i32
      %dma_start3A_149 = tpu.memref_slice %arg2[%dma_start3A_147, %dma_start3A_148] : memref<10000x128xf32, #tpu.memory_space<hbm>> -> memref<10000x128xf32, #tpu.memory_space<hbm>>
      tpu.enqueue_indirect_dma source(%dma_start3A_149 : memref<10000x128xf32, #tpu.memory_space<hbm>>) target(%arg6 : memref<128x128xf32, #tpu.memory_space<vmem>>) offsets(%dma_start3A_146 : memref<128xi32, #tpu.memory_space<vmem>>) semaphore(%arg9 : memref<!tpu.dma_semaphore, #tpu.memory_space<semaphore_mem>>)
      %dma_start3A_150 = arith.constant 1 : i32
      %dma_start3A_151 = arith.constant 0 : i32
      %dma_start3A_152 = arith.constant 0 : i32
      %dma_start3A_153 = tpu.memref_slice %arg5[%rem3A_103, %dma_start3A_151, %dma_start3A_152] : memref<2x8x128xi32, #tpu.memory_space<vmem>> -> memref<1x8x128xi32, #tpu.memory_space<vmem>>
      %dma_start3A_154 = tpu.memref_squeeze %dma_start3A_153 : memref<1x8x128xi32, #tpu.memory_space<vmem>> -> memref<8x128xi32, #tpu.memory_space<vmem>>
      %dma_start3A_155 = arith.constant 0 : i32
      %dma_start3A_156 = tpu.memref_slice %dma_start3A_154[%dma_start3A_150, %dma_start3A_155] : memref<8x128xi32, #tpu.memory_space<vmem>> -> memref<1x128xi32, #tpu.memory_space<vmem>>
      %dma_start3A_157 = tpu.memref_squeeze %dma_start3A_156 : memref<1x128xi32, #tpu.memory_space<vmem>> -> memref<128xi32, #tpu.memory_space<vmem>>
      %dma_start3A_158 = arith.constant 0 : i32
      %dma_start3A_159 = arith.constant 0 : i32
      %dma_start3A_160 = tpu.memref_slice %arg2[%dma_start3A_158, %dma_start3A_159] : memref<10000x128xf32, #tpu.memory_space<hbm>> -> memref<10000x128xf32, #tpu.memory_space<hbm>>
      tpu.enqueue_indirect_dma source(%dma_start3A_160 : memref<10000x128xf32, #tpu.memory_space<hbm>>) target(%arg7 : memref<128x128xf32, #tpu.memory_space<vmem>>) offsets(%dma_start3A_157 : memref<128xi32, #tpu.memory_space<vmem>>) semaphore(%arg10 : memref<!tpu.dma_semaphore, #tpu.memory_space<semaphore_mem>>)
      %dma_wait3A_161 = arith.constant 0 : i32
      %dma_wait3A_162 = arith.constant 0 : i32
      %dma_wait3A_163 = arith.constant 0 : i32
      %dma_wait3A_164 = tpu.memref_slice %arg5[%rem3A_103, %dma_wait3A_162, %dma_wait3A_163] : memref<2x8x128xi32, #tpu.memory_space<vmem>> -> memref<1x8x128xi32, #tpu.memory_space<vmem>>
      %dma_wait3A_165 = tpu.memref_squeeze %dma_wait3A_164 : memref<1x8x128xi32, #tpu.memory_space<vmem>> -> memref<8x128xi32, #tpu.memory_space<vmem>>
      %dma_wait3A_166 = arith.constant 0 : i32
      %dma_wait3A_167 = tpu.memref_slice %dma_wait3A_165[%dma_wait3A_161, %dma_wait3A_166] : memref<8x128xi32, #tpu.memory_space<vmem>> -> memref<1x128xi32, #tpu.memory_space<vmem>>
      %dma_wait3A_168 = tpu.memref_squeeze %dma_wait3A_167 : memref<1x128xi32, #tpu.memory_space<vmem>> -> memref<128xi32, #tpu.memory_space<vmem>>
      %dma_wait3A_169 = arith.constant 0 : i32
      %dma_wait3A_170 = arith.constant 0 : i32
      %dma_wait3A_171 = tpu.memref_slice %arg2[%dma_wait3A_169, %dma_wait3A_170] : memref<10000x128xf32, #tpu.memory_space<hbm>> -> memref<10000x128xf32, #tpu.memory_space<hbm>>
      tpu.wait_indirect_dma semaphore(%arg9 : memref<!tpu.dma_semaphore, #tpu.memory_space<semaphore_mem>>) src(%dma_wait3A_171 : memref<10000x128xf32, #tpu.memory_space<hbm>>) dst(%arg6 : memref<128x128xf32, #tpu.memory_space<vmem>>)
      %run_scoped3A = arith.constant 4 : i32
      "tpu.region"() ({
        %run_scoped3A_230 = tpu.sem_alloc : memref<!tpu.dma_semaphore, #tpu.memory_space<semaphore_mem>>
        %dma_start3A_231 = arith.constant 0 : i32
        %dma_start3A_232 = arith.constant 0 : i32
        %dma_start3A_233 = tpu.memref_slice %arg5[%rem3A_103, %dma_start3A_231, %dma_start3A_232] : memref<2x8x128xi32, #tpu.memory_space<vmem>> -> memref<1x8x128xi32, #tpu.memory_space<vmem>>
        %dma_start3A_234 = tpu.memref_squeeze %dma_start3A_233 : memref<1x8x128xi32, #tpu.memory_space<vmem>> -> memref<8x128xi32, #tpu.memory_space<vmem>>
        %dma_start3A_235 = arith.constant 0 : i32
        %dma_start3A_236 = tpu.memref_slice %dma_start3A_234[%run_scoped3A, %dma_start3A_235] : memref<8x128xi32, #tpu.memory_space<vmem>> -> memref<1x128xi32, #tpu.memory_space<vmem>>
        %dma_start3A_237 = tpu.memref_squeeze %dma_start3A_236 : memref<1x128xi32, #tpu.memory_space<vmem>> -> memref<128xi32, #tpu.memory_space<vmem>>
        %dma_start3A_238 = arith.constant 0 : i32
        %dma_start3A_239 = arith.constant 0 : i32
        %dma_start3A_240 = tpu.memref_slice %arg8[%dma_start3A_238, %dma_start3A_239] : memref<10112x128xf32, #tpu.memory_space<vmem_shared>> -> memref<10112x128xf32, #tpu.memory_space<vmem_shared>>
        tpu.enqueue_indirect_dma source(%arg6 : memref<128x128xf32, #tpu.memory_space<vmem>>) target(%dma_start3A_240 : memref<10112x128xf32, #tpu.memory_space<vmem_shared>>) offsets(%dma_start3A_237 : memref<128xi32, #tpu.memory_space<vmem>>) semaphore(%run_scoped3A_230 : memref<!tpu.dma_semaphore, #tpu.memory_space<semaphore_mem>>) {add = true}
        %dma_wait3A_241 = arith.constant 0 : i32
        %dma_wait3A_242 = arith.constant 0 : i32
        %dma_wait3A_243 = tpu.memref_slice %arg5[%rem3A_103, %dma_wait3A_241, %dma_wait3A_242] : memref<2x8x128xi32, #tpu.memory_space<vmem>> -> memref<1x8x128xi32, #tpu.memory_space<vmem>>
        %dma_wait3A_244 = tpu.memref_squeeze %dma_wait3A_243 : memref<1x8x128xi32, #tpu.memory_space<vmem>> -> memref<8x128xi32, #tpu.memory_space<vmem>>
        %dma_wait3A_245 = arith.constant 0 : i32
        %dma_wait3A_246 = tpu.memref_slice %dma_wait3A_244[%run_scoped3A, %dma_wait3A_245] : memref<8x128xi32, #tpu.memory_space<vmem>> -> memref<1x128xi32, #tpu.memory_space<vmem>>
        %dma_wait3A_247 = tpu.memref_squeeze %dma_wait3A_246 : memref<1x128xi32, #tpu.memory_space<vmem>> -> memref<128xi32, #tpu.memory_space<vmem>>
        %dma_wait3A_248 = arith.constant 0 : i32
        %dma_wait3A_249 = arith.constant 0 : i32
        %dma_wait3A_250 = tpu.memref_slice %arg8[%dma_wait3A_248, %dma_wait3A_249] : memref<10112x128xf32, #tpu.memory_space<vmem_shared>> -> memref<10112x128xf32, #tpu.memory_space<vmem_shared>>
        tpu.wait_indirect_dma semaphore(%run_scoped3A_230 : memref<!tpu.dma_semaphore, #tpu.memory_space<semaphore_mem>>) src(%arg6 : memref<128x128xf32, #tpu.memory_space<vmem>>) dst(%dma_wait3A_250 : memref<10112x128xf32, #tpu.memory_space<vmem_shared>>)
        tpu.yield
      }) : () -> ()
      %dma_start3A_172 = arith.constant 2 : i32
      %dma_start3A_173 = arith.constant 0 : i32
      %dma_start3A_174 = arith.constant 0 : i32
      %dma_start3A_175 = tpu.memref_slice %arg5[%rem3A_103, %dma_start3A_173, %dma_start3A_174] : memref<2x8x128xi32, #tpu.memory_space<vmem>> -> memref<1x8x128xi32, #tpu.memory_space<vmem>>
      %dma_start3A_176 = tpu.memref_squeeze %dma_start3A_175 : memref<1x8x128xi32, #tpu.memory_space<vmem>> -> memref<8x128xi32, #tpu.memory_space<vmem>>
      %dma_start3A_177 = arith.constant 0 : i32
      %dma_start3A_178 = tpu.memref_slice %dma_start3A_176[%dma_start3A_172, %dma_start3A_177] : memref<8x128xi32, #tpu.memory_space<vmem>> -> memref<1x128xi32, #tpu.memory_space<vmem>>
      %dma_start3A_179 = tpu.memref_squeeze %dma_start3A_178 : memref<1x128xi32, #tpu.memory_space<vmem>> -> memref<128xi32, #tpu.memory_space<vmem>>
      %dma_start3A_180 = arith.constant 0 : i32
      %dma_start3A_181 = arith.constant 0 : i32
      %dma_start3A_182 = tpu.memref_slice %arg2[%dma_start3A_180, %dma_start3A_181] : memref<10000x128xf32, #tpu.memory_space<hbm>> -> memref<10000x128xf32, #tpu.memory_space<hbm>>
      tpu.enqueue_indirect_dma source(%dma_start3A_182 : memref<10000x128xf32, #tpu.memory_space<hbm>>) target(%arg6 : memref<128x128xf32, #tpu.memory_space<vmem>>) offsets(%dma_start3A_179 : memref<128xi32, #tpu.memory_space<vmem>>) semaphore(%arg9 : memref<!tpu.dma_semaphore, #tpu.memory_space<semaphore_mem>>)
      %dma_wait3A_183 = arith.constant 1 : i32
      %dma_wait3A_184 = arith.constant 0 : i32
      %dma_wait3A_185 = arith.constant 0 : i32
      %dma_wait3A_186 = tpu.memref_slice %arg5[%rem3A_103, %dma_wait3A_184, %dma_wait3A_185] : memref<2x8x128xi32, #tpu.memory_space<vmem>> -> memref<1x8x128xi32, #tpu.memory_space<vmem>>
      %dma_wait3A_187 = tpu.memref_squeeze %dma_wait3A_186 : memref<1x8x128xi32, #tpu.memory_space<vmem>> -> memref<8x128xi32, #tpu.memory_space<vmem>>
      %dma_wait3A_188 = arith.constant 0 : i32
      %dma_wait3A_189 = tpu.memref_slice %dma_wait3A_187[%dma_wait3A_183, %dma_wait3A_188] : memref<8x128xi32, #tpu.memory_space<vmem>> -> memref<1x128xi32, #tpu.memory_space<vmem>>
      %dma_wait3A_190 = tpu.memref_squeeze %dma_wait3A_189 : memref<1x128xi32, #tpu.memory_space<vmem>> -> memref<128xi32, #tpu.memory_space<vmem>>
      %dma_wait3A_191 = arith.constant 0 : i32
      %dma_wait3A_192 = arith.constant 0 : i32
      %dma_wait3A_193 = tpu.memref_slice %arg2[%dma_wait3A_191, %dma_wait3A_192] : memref<10000x128xf32, #tpu.memory_space<hbm>> -> memref<10000x128xf32, #tpu.memory_space<hbm>>
      tpu.wait_indirect_dma semaphore(%arg10 : memref<!tpu.dma_semaphore, #tpu.memory_space<semaphore_mem>>) src(%dma_wait3A_193 : memref<10000x128xf32, #tpu.memory_space<hbm>>) dst(%arg7 : memref<128x128xf32, #tpu.memory_space<vmem>>)
      %run_scoped3A_194 = arith.constant 5 : i32
      "tpu.region"() ({
        %run_scoped3A_230 = tpu.sem_alloc : memref<!tpu.dma_semaphore, #tpu.memory_space<semaphore_mem>>
        %dma_start3A_231 = arith.constant 0 : i32
        %dma_start3A_232 = arith.constant 0 : i32
        %dma_start3A_233 = tpu.memref_slice %arg5[%rem3A_103, %dma_start3A_231, %dma_start3A_232] : memref<2x8x128xi32, #tpu.memory_space<vmem>> -> memref<1x8x128xi32, #tpu.memory_space<vmem>>
        %dma_start3A_234 = tpu.memref_squeeze %dma_start3A_233 : memref<1x8x128xi32, #tpu.memory_space<vmem>> -> memref<8x128xi32, #tpu.memory_space<vmem>>
        %dma_start3A_235 = arith.constant 0 : i32
        %dma_start3A_236 = tpu.memref_slice %dma_start3A_234[%run_scoped3A_194, %dma_start3A_235] : memref<8x128xi32, #tpu.memory_space<vmem>> -> memref<1x128xi32, #tpu.memory_space<vmem>>
        %dma_start3A_237 = tpu.memref_squeeze %dma_start3A_236 : memref<1x128xi32, #tpu.memory_space<vmem>> -> memref<128xi32, #tpu.memory_space<vmem>>
        %dma_start3A_238 = arith.constant 0 : i32
        %dma_start3A_239 = arith.constant 0 : i32
        %dma_start3A_240 = tpu.memref_slice %arg8[%dma_start3A_238, %dma_start3A_239] : memref<10112x128xf32, #tpu.memory_space<vmem_shared>> -> memref<10112x128xf32, #tpu.memory_space<vmem_shared>>
        tpu.enqueue_indirect_dma source(%arg7 : memref<128x128xf32, #tpu.memory_space<vmem>>) target(%dma_start3A_240 : memref<10112x128xf32, #tpu.memory_space<vmem_shared>>) offsets(%dma_start3A_237 : memref<128xi32, #tpu.memory_space<vmem>>) semaphore(%run_scoped3A_230 : memref<!tpu.dma_semaphore, #tpu.memory_space<semaphore_mem>>) {add = true}
        %dma_wait3A_241 = arith.constant 0 : i32
        %dma_wait3A_242 = arith.constant 0 : i32
        %dma_wait3A_243 = tpu.memref_slice %arg5[%rem3A_103, %dma_wait3A_241, %dma_wait3A_242] : memref<2x8x128xi32, #tpu.memory_space<vmem>> -> memref<1x8x128xi32, #tpu.memory_space<vmem>>
        %dma_wait3A_244 = tpu.memref_squeeze %dma_wait3A_243 : memref<1x8x128xi32, #tpu.memory_space<vmem>> -> memref<8x128xi32, #tpu.memory_space<vmem>>
        %dma_wait3A_245 = arith.constant 0 : i32
        %dma_wait3A_246 = tpu.memref_slice %dma_wait3A_244[%run_scoped3A_194, %dma_wait3A_245] : memref<8x128xi32, #tpu.memory_space<vmem>> -> memref<1x128xi32, #tpu.memory_space<vmem>>
        %dma_wait3A_247 = tpu.memref_squeeze %dma_wait3A_246 : memref<1x128xi32, #tpu.memory_space<vmem>> -> memref<128xi32, #tpu.memory_space<vmem>>
        %dma_wait3A_248 = arith.constant 0 : i32
        %dma_wait3A_249 = arith.constant 0 : i32
        %dma_wait3A_250 = tpu.memref_slice %arg8[%dma_wait3A_248, %dma_wait3A_249] : memref<10112x128xf32, #tpu.memory_space<vmem_shared>> -> memref<10112x128xf32, #tpu.memory_space<vmem_shared>>
        tpu.wait_indirect_dma semaphore(%run_scoped3A_230 : memref<!tpu.dma_semaphore, #tpu.memory_space<semaphore_mem>>) src(%arg7 : memref<128x128xf32, #tpu.memory_space<vmem>>) dst(%dma_wait3A_250 : memref<10112x128xf32, #tpu.memory_space<vmem_shared>>)
        tpu.yield
      }) : () -> ()
      %dma_start3A_195 = arith.constant 3 : i32
      %dma_start3A_196 = arith.constant 0 : i32
      %dma_start3A_197 = arith.constant 0 : i32
      %dma_start3A_198 = tpu.memref_slice %arg5[%rem3A_103, %dma_start3A_196, %dma_start3A_197] : memref<2x8x128xi32, #tpu.memory_space<vmem>> -> memref<1x8x128xi32, #tpu.memory_space<vmem>>
      %dma_start3A_199 = tpu.memref_squeeze %dma_start3A_198 : memref<1x8x128xi32, #tpu.memory_space<vmem>> -> memref<8x128xi32, #tpu.memory_space<vmem>>
      %dma_start3A_200 = arith.constant 0 : i32
      %dma_start3A_201 = tpu.memref_slice %dma_start3A_199[%dma_start3A_195, %dma_start3A_200] : memref<8x128xi32, #tpu.memory_space<vmem>> -> memref<1x128xi32, #tpu.memory_space<vmem>>
      %dma_start3A_202 = tpu.memref_squeeze %dma_start3A_201 : memref<1x128xi32, #tpu.memory_space<vmem>> -> memref<128xi32, #tpu.memory_space<vmem>>
      %dma_start3A_203 = arith.constant 0 : i32
      %dma_start3A_204 = arith.constant 0 : i32
      %dma_start3A_205 = tpu.memref_slice %arg2[%dma_start3A_203, %dma_start3A_204] : memref<10000x128xf32, #tpu.memory_space<hbm>> -> memref<10000x128xf32, #tpu.memory_space<hbm>>
      tpu.enqueue_indirect_dma source(%dma_start3A_205 : memref<10000x128xf32, #tpu.memory_space<hbm>>) target(%arg7 : memref<128x128xf32, #tpu.memory_space<vmem>>) offsets(%dma_start3A_202 : memref<128xi32, #tpu.memory_space<vmem>>) semaphore(%arg10 : memref<!tpu.dma_semaphore, #tpu.memory_space<semaphore_mem>>)
      %dma_wait3A_206 = arith.constant 2 : i32
      %dma_wait3A_207 = arith.constant 0 : i32
      %dma_wait3A_208 = arith.constant 0 : i32
      %dma_wait3A_209 = tpu.memref_slice %arg5[%rem3A_103, %dma_wait3A_207, %dma_wait3A_208] : memref<2x8x128xi32, #tpu.memory_space<vmem>> -> memref<1x8x128xi32, #tpu.memory_space<vmem>>
      %dma_wait3A_210 = tpu.memref_squeeze %dma_wait3A_209 : memref<1x8x128xi32, #tpu.memory_space<vmem>> -> memref<8x128xi32, #tpu.memory_space<vmem>>
      %dma_wait3A_211 = arith.constant 0 : i32
      %dma_wait3A_212 = tpu.memref_slice %dma_wait3A_210[%dma_wait3A_206, %dma_wait3A_211] : memref<8x128xi32, #tpu.memory_space<vmem>> -> memref<1x128xi32, #tpu.memory_space<vmem>>
      %dma_wait3A_213 = tpu.memref_squeeze %dma_wait3A_212 : memref<1x128xi32, #tpu.memory_space<vmem>> -> memref<128xi32, #tpu.memory_space<vmem>>
      %dma_wait3A_214 = arith.constant 0 : i32
      %dma_wait3A_215 = arith.constant 0 : i32
      %dma_wait3A_216 = tpu.memref_slice %arg2[%dma_wait3A_214, %dma_wait3A_215] : memref<10000x128xf32, #tpu.memory_space<hbm>> -> memref<10000x128xf32, #tpu.memory_space<hbm>>
      tpu.wait_indirect_dma semaphore(%arg9 : memref<!tpu.dma_semaphore, #tpu.memory_space<semaphore_mem>>) src(%dma_wait3A_216 : memref<10000x128xf32, #tpu.memory_space<hbm>>) dst(%arg6 : memref<128x128xf32, #tpu.memory_space<vmem>>)
      %run_scoped3A_217 = arith.constant 6 : i32
      "tpu.region"() ({
        %run_scoped3A_230 = tpu.sem_alloc : memref<!tpu.dma_semaphore, #tpu.memory_space<semaphore_mem>>
        %dma_start3A_231 = arith.constant 0 : i32
        %dma_start3A_232 = arith.constant 0 : i32
        %dma_start3A_233 = tpu.memref_slice %arg5[%rem3A_103, %dma_start3A_231, %dma_start3A_232] : memref<2x8x128xi32, #tpu.memory_space<vmem>> -> memref<1x8x128xi32, #tpu.memory_space<vmem>>
        %dma_start3A_234 = tpu.memref_squeeze %dma_start3A_233 : memref<1x8x128xi32, #tpu.memory_space<vmem>> -> memref<8x128xi32, #tpu.memory_space<vmem>>
        %dma_start3A_235 = arith.constant 0 : i32
        %dma_start3A_236 = tpu.memref_slice %dma_start3A_234[%run_scoped3A_217, %dma_start3A_235] : memref<8x128xi32, #tpu.memory_space<vmem>> -> memref<1x128xi32, #tpu.memory_space<vmem>>
        %dma_start3A_237 = tpu.memref_squeeze %dma_start3A_236 : memref<1x128xi32, #tpu.memory_space<vmem>> -> memref<128xi32, #tpu.memory_space<vmem>>
        %dma_start3A_238 = arith.constant 0 : i32
        %dma_start3A_239 = arith.constant 0 : i32
        %dma_start3A_240 = tpu.memref_slice %arg8[%dma_start3A_238, %dma_start3A_239] : memref<10112x128xf32, #tpu.memory_space<vmem_shared>> -> memref<10112x128xf32, #tpu.memory_space<vmem_shared>>
        tpu.enqueue_indirect_dma source(%arg6 : memref<128x128xf32, #tpu.memory_space<vmem>>) target(%dma_start3A_240 : memref<10112x128xf32, #tpu.memory_space<vmem_shared>>) offsets(%dma_start3A_237 : memref<128xi32, #tpu.memory_space<vmem>>) semaphore(%run_scoped3A_230 : memref<!tpu.dma_semaphore, #tpu.memory_space<semaphore_mem>>) {add = true}
        %dma_wait3A_241 = arith.constant 0 : i32
        %dma_wait3A_242 = arith.constant 0 : i32
        %dma_wait3A_243 = tpu.memref_slice %arg5[%rem3A_103, %dma_wait3A_241, %dma_wait3A_242] : memref<2x8x128xi32, #tpu.memory_space<vmem>> -> memref<1x8x128xi32, #tpu.memory_space<vmem>>
        %dma_wait3A_244 = tpu.memref_squeeze %dma_wait3A_243 : memref<1x8x128xi32, #tpu.memory_space<vmem>> -> memref<8x128xi32, #tpu.memory_space<vmem>>
        %dma_wait3A_245 = arith.constant 0 : i32
        %dma_wait3A_246 = tpu.memref_slice %dma_wait3A_244[%run_scoped3A_217, %dma_wait3A_245] : memref<8x128xi32, #tpu.memory_space<vmem>> -> memref<1x128xi32, #tpu.memory_space<vmem>>
        %dma_wait3A_247 = tpu.memref_squeeze %dma_wait3A_246 : memref<1x128xi32, #tpu.memory_space<vmem>> -> memref<128xi32, #tpu.memory_space<vmem>>
        %dma_wait3A_248 = arith.constant 0 : i32
        %dma_wait3A_249 = arith.constant 0 : i32
        %dma_wait3A_250 = tpu.memref_slice %arg8[%dma_wait3A_248, %dma_wait3A_249] : memref<10112x128xf32, #tpu.memory_space<vmem_shared>> -> memref<10112x128xf32, #tpu.memory_space<vmem_shared>>
        tpu.wait_indirect_dma semaphore(%run_scoped3A_230 : memref<!tpu.dma_semaphore, #tpu.memory_space<semaphore_mem>>) src(%arg6 : memref<128x128xf32, #tpu.memory_space<vmem>>) dst(%dma_wait3A_250 : memref<10112x128xf32, #tpu.memory_space<vmem_shared>>)
        tpu.yield
      }) : () -> ()
      %dma_wait3A_218 = arith.constant 3 : i32
      %dma_wait3A_219 = arith.constant 0 : i32
      %dma_wait3A_220 = arith.constant 0 : i32
      %dma_wait3A_221 = tpu.memref_slice %arg5[%rem3A_103, %dma_wait3A_219, %dma_wait3A_220] : memref<2x8x128xi32, #tpu.memory_space<vmem>> -> memref<1x8x128xi32, #tpu.memory_space<vmem>>
      %dma_wait3A_222 = tpu.memref_squeeze %dma_wait3A_221 : memref<1x8x128xi32, #tpu.memory_space<vmem>> -> memref<8x128xi32, #tpu.memory_space<vmem>>
      %dma_wait3A_223 = arith.constant 0 : i32
      %dma_wait3A_224 = tpu.memref_slice %dma_wait3A_222[%dma_wait3A_218, %dma_wait3A_223] : memref<8x128xi32, #tpu.memory_space<vmem>> -> memref<1x128xi32, #tpu.memory_space<vmem>>
      %dma_wait3A_225 = tpu.memref_squeeze %dma_wait3A_224 : memref<1x128xi32, #tpu.memory_space<vmem>> -> memref<128xi32, #tpu.memory_space<vmem>>
      %dma_wait3A_226 = arith.constant 0 : i32
      %dma_wait3A_227 = arith.constant 0 : i32
      %dma_wait3A_228 = tpu.memref_slice %arg2[%dma_wait3A_226, %dma_wait3A_227] : memref<10000x128xf32, #tpu.memory_space<hbm>> -> memref<10000x128xf32, #tpu.memory_space<hbm>>
      tpu.wait_indirect_dma semaphore(%arg10 : memref<!tpu.dma_semaphore, #tpu.memory_space<semaphore_mem>>) src(%dma_wait3A_228 : memref<10000x128xf32, #tpu.memory_space<hbm>>) dst(%arg7 : memref<128x128xf32, #tpu.memory_space<vmem>>)
      %run_scoped3A_229 = arith.constant 7 : i32
      "tpu.region"() ({
        %run_scoped3A_230 = tpu.sem_alloc : memref<!tpu.dma_semaphore, #tpu.memory_space<semaphore_mem>>
        %dma_start3A_231 = arith.constant 0 : i32
        %dma_start3A_232 = arith.constant 0 : i32
        %dma_start3A_233 = tpu.memref_slice %arg5[%rem3A_103, %dma_start3A_231, %dma_start3A_232] : memref<2x8x128xi32, #tpu.memory_space<vmem>> -> memref<1x8x128xi32, #tpu.memory_space<vmem>>
        %dma_start3A_234 = tpu.memref_squeeze %dma_start3A_233 : memref<1x8x128xi32, #tpu.memory_space<vmem>> -> memref<8x128xi32, #tpu.memory_space<vmem>>
        %dma_start3A_235 = arith.constant 0 : i32
        %dma_start3A_236 = tpu.memref_slice %dma_start3A_234[%run_scoped3A_229, %dma_start3A_235] : memref<8x128xi32, #tpu.memory_space<vmem>> -> memref<1x128xi32, #tpu.memory_space<vmem>>
        %dma_start3A_237 = tpu.memref_squeeze %dma_start3A_236 : memref<1x128xi32, #tpu.memory_space<vmem>> -> memref<128xi32, #tpu.memory_space<vmem>>
        %dma_start3A_238 = arith.constant 0 : i32
        %dma_start3A_239 = arith.constant 0 : i32
        %dma_start3A_240 = tpu.memref_slice %arg8[%dma_start3A_238, %dma_start3A_239] : memref<10112x128xf32, #tpu.memory_space<vmem_shared>> -> memref<10112x128xf32, #tpu.memory_space<vmem_shared>>
        tpu.enqueue_indirect_dma source(%arg7 : memref<128x128xf32, #tpu.memory_space<vmem>>) target(%dma_start3A_240 : memref<10112x128xf32, #tpu.memory_space<vmem_shared>>) offsets(%dma_start3A_237 : memref<128xi32, #tpu.memory_space<vmem>>) semaphore(%run_scoped3A_230 : memref<!tpu.dma_semaphore, #tpu.memory_space<semaphore_mem>>) {add = true}
        %dma_wait3A_241 = arith.constant 0 : i32
        %dma_wait3A_242 = arith.constant 0 : i32
        %dma_wait3A_243 = tpu.memref_slice %arg5[%rem3A_103, %dma_wait3A_241, %dma_wait3A_242] : memref<2x8x128xi32, #tpu.memory_space<vmem>> -> memref<1x8x128xi32, #tpu.memory_space<vmem>>
        %dma_wait3A_244 = tpu.memref_squeeze %dma_wait3A_243 : memref<1x8x128xi32, #tpu.memory_space<vmem>> -> memref<8x128xi32, #tpu.memory_space<vmem>>
        %dma_wait3A_245 = arith.constant 0 : i32
        %dma_wait3A_246 = tpu.memref_slice %dma_wait3A_244[%run_scoped3A_229, %dma_wait3A_245] : memref<8x128xi32, #tpu.memory_space<vmem>> -> memref<1x128xi32, #tpu.memory_space<vmem>>
        %dma_wait3A_247 = tpu.memref_squeeze %dma_wait3A_246 : memref<1x128xi32, #tpu.memory_space<vmem>> -> memref<128xi32, #tpu.memory_space<vmem>>
        %dma_wait3A_248 = arith.constant 0 : i32
        %dma_wait3A_249 = arith.constant 0 : i32
        %dma_wait3A_250 = tpu.memref_slice %arg8[%dma_wait3A_248, %dma_wait3A_249] : memref<10112x128xf32, #tpu.memory_space<vmem_shared>> -> memref<10112x128xf32, #tpu.memory_space<vmem_shared>>
        tpu.wait_indirect_dma semaphore(%run_scoped3A_230 : memref<!tpu.dma_semaphore, #tpu.memory_space<semaphore_mem>>) src(%arg7 : memref<128x128xf32, #tpu.memory_space<vmem>>) dst(%dma_wait3A_250 : memref<10112x128xf32, #tpu.memory_space<vmem_shared>>)
        tpu.yield
      }) : () -> ()
    }
    %while3A_80 = arith.constant 1 : i32
    scf.for %while3A_101 = %while3A_78 to %while3A_74 step %while3A_80  : i32 {
      %rem3A_102 = arith.constant 2 : i32
      %rem3A_103 = arith.remsi %while3A_101, %rem3A_102 : i32
      %add3A_104 = arith.constant 1 : i32
      %add3A_105 = arith.addi %while3A_101, %add3A_104 : i32
      %rem3A_106 = arith.constant 2 : i32
      %rem3A_107 = arith.remsi %add3A_105, %rem3A_106 : i32
      %mul3A_108 = arith.constant 4 : i32
      %mul3A_109 = arith.muli %mul3A_108, %while3A_101 : i32
      %add3A_110 = arith.addi %add3A_31, %mul3A_109 : i32
      %mul3A_111 = arith.constant 2 : i32
      %mul3A_112 = arith.muli %mul3A_111, %add3A_110 : i32
      %dma_wait3A_113 = arith.constant 0 : i32
      %dma_wait3A_114 = arith.constant 0 : i32
      %dma_wait3A_115 = tpu.memref_slice %arg5[%rem3A_103, %dma_wait3A_113, %dma_wait3A_114] : memref<2x8x128xi32, #tpu.memory_space<vmem>> -> memref<1x8x128xi32, #tpu.memory_space<vmem>>
      %dma_wait3A_116 = tpu.memref_squeeze %dma_wait3A_115 : memref<1x8x128xi32, #tpu.memory_space<vmem>> -> memref<8x128xi32, #tpu.memory_space<vmem>>
      %dma_wait3A_117 = arith.constant 0 : i32
      %dma_wait3A_118 = tpu.memref_slice %arg3[%mul3A_112, %dma_wait3A_117] : memref<5120x128xi32, #tpu.memory_space<hbm>> -> memref<8x128xi32, #tpu.memory_space<hbm>>
      %dma_wait3A_119 = arith.constant 0 : i32
      %dma_wait3A_120 = arith.constant 0 : i32
      %dma_wait3A_121 = tpu.memref_slice %arg5[%rem3A_103, %dma_wait3A_119, %dma_wait3A_120] : memref<2x8x128xi32, #tpu.memory_space<vmem>> -> memref<1x8x128xi32, #tpu.memory_space<vmem>>
      %dma_wait3A_122 = tpu.memref_squeeze %dma_wait3A_121 : memref<1x8x128xi32, #tpu.memory_space<vmem>> -> memref<8x128xi32, #tpu.memory_space<vmem>>
      %dma_wait3A_123 = arith.constant 0 : i32
      %dma_wait3A_124 = tpu.memref_slice %arg3[%mul3A_112, %dma_wait3A_123] : memref<5120x128xi32, #tpu.memory_space<hbm>> -> memref<8x128xi32, #tpu.memory_space<hbm>>
      tpu.wait_dma2 semaphore(%arg11 : memref<!tpu.dma_semaphore, #tpu.memory_space<semaphore_mem>>) src(%dma_wait3A_124 : memref<8x128xi32, #tpu.memory_space<hbm>>) dst(%dma_wait3A_122 : memref<8x128xi32, #tpu.memory_space<vmem>>)
      %add3A_125 = arith.constant 8 : i32
      %add3A_126 = arith.addi %mul3A_112, %add3A_125 : i32
      %min3A = arith.minsi %add3A_126, %mul3A_57 : i32
      %dma_start3A_127 = arith.constant 0 : i32
      %dma_start3A_128 = arith.constant 0 : i32
      %dma_start3A_129 = tpu.memref_slice %arg5[%rem3A_107, %dma_start3A_127, %dma_start3A_128] : memref<2x8x128xi32, #tpu.memory_space<vmem>> -> memref<1x8x128xi32, #tpu.memory_space<vmem>>
      %dma_start3A_130 = tpu.memref_squeeze %dma_start3A_129 : memref<1x8x128xi32, #tpu.memory_space<vmem>> -> memref<8x128xi32, #tpu.memory_space<vmem>>
      %dma_start3A_131 = arith.constant 0 : i32
      %dma_start3A_132 = tpu.memref_slice %arg3[%min3A, %dma_start3A_131] : memref<5120x128xi32, #tpu.memory_space<hbm>> -> memref<8x128xi32, #tpu.memory_space<hbm>>
      %dma_start3A_133 = arith.constant 0 : i32
      %dma_start3A_134 = arith.constant 0 : i32
      %dma_start3A_135 = tpu.memref_slice %arg5[%rem3A_107, %dma_start3A_133, %dma_start3A_134] : memref<2x8x128xi32, #tpu.memory_space<vmem>> -> memref<1x8x128xi32, #tpu.memory_space<vmem>>
      %dma_start3A_136 = tpu.memref_squeeze %dma_start3A_135 : memref<1x8x128xi32, #tpu.memory_space<vmem>> -> memref<8x128xi32, #tpu.memory_space<vmem>>
      %dma_start3A_137 = arith.constant 0 : i32
      %dma_start3A_138 = tpu.memref_slice %arg3[%min3A, %dma_start3A_137] : memref<5120x128xi32, #tpu.memory_space<hbm>> -> memref<8x128xi32, #tpu.memory_space<hbm>>
      tpu.enqueue_dma source(%dma_start3A_138 : memref<8x128xi32, #tpu.memory_space<hbm>>) target(%dma_start3A_136 : memref<8x128xi32, #tpu.memory_space<vmem>>) target_semaphore(%arg11 : memref<!tpu.dma_semaphore, #tpu.memory_space<semaphore_mem>>)
      %dma_start3A_139 = arith.constant 0 : i32
      %dma_start3A_140 = arith.constant 0 : i32
      %dma_start3A_141 = arith.constant 0 : i32
      %dma_start3A_142 = tpu.memref_slice %arg5[%rem3A_103, %dma_start3A_140, %dma_start3A_141] : memref<2x8x128xi32, #tpu.memory_space<vmem>> -> memref<1x8x128xi32, #tpu.memory_space<vmem>>
      %dma_start3A_143 = tpu.memref_squeeze %dma_start3A_142 : memref<1x8x128xi32, #tpu.memory_space<vmem>> -> memref<8x128xi32, #tpu.memory_space<vmem>>
      %dma_start3A_144 = arith.constant 0 : i32
      %dma_start3A_145 = tpu.memref_slice %dma_start3A_143[%dma_start3A_139, %dma_start3A_144] : memref<8x128xi32, #tpu.memory_space<vmem>> -> memref<1x128xi32, #tpu.memory_space<vmem>>
      %dma_start3A_146 = tpu.memref_squeeze %dma_start3A_145 : memref<1x128xi32, #tpu.memory_space<vmem>> -> memref<128xi32, #tpu.memory_space<vmem>>
      %dma_start3A_147 = arith.constant 0 : i32
      %dma_start3A_148 = arith.constant 0 : i32
      %dma_start3A_149 = tpu.memref_slice %arg2[%dma_start3A_147, %dma_start3A_148] : memref<10000x128xf32, #tpu.memory_space<hbm>> -> memref<10000x128xf32, #tpu.memory_space<hbm>>
      tpu.enqueue_indirect_dma source(%dma_start3A_149 : memref<10000x128xf32, #tpu.memory_space<hbm>>) target(%arg6 : memref<128x128xf32, #tpu.memory_space<vmem>>) offsets(%dma_start3A_146 : memref<128xi32, #tpu.memory_space<vmem>>) semaphore(%arg9 : memref<!tpu.dma_semaphore, #tpu.memory_space<semaphore_mem>>)
      %dma_start3A_150 = arith.constant 1 : i32
      %dma_start3A_151 = arith.constant 0 : i32
      %dma_start3A_152 = arith.constant 0 : i32
      %dma_start3A_153 = tpu.memref_slice %arg5[%rem3A_103, %dma_start3A_151, %dma_start3A_152] : memref<2x8x128xi32, #tpu.memory_space<vmem>> -> memref<1x8x128xi32, #tpu.memory_space<vmem>>
      %dma_start3A_154 = tpu.memref_squeeze %dma_start3A_153 : memref<1x8x128xi32, #tpu.memory_space<vmem>> -> memref<8x128xi32, #tpu.memory_space<vmem>>
      %dma_start3A_155 = arith.constant 0 : i32
      %dma_start3A_156 = tpu.memref_slice %dma_start3A_154[%dma_start3A_150, %dma_start3A_155] : memref<8x128xi32, #tpu.memory_space<vmem>> -> memref<1x128xi32, #tpu.memory_space<vmem>>
      %dma_start3A_157 = tpu.memref_squeeze %dma_start3A_156 : memref<1x128xi32, #tpu.memory_space<vmem>> -> memref<128xi32, #tpu.memory_space<vmem>>
      %dma_start3A_158 = arith.constant 0 : i32
      %dma_start3A_159 = arith.constant 0 : i32
      %dma_start3A_160 = tpu.memref_slice %arg2[%dma_start3A_158, %dma_start3A_159] : memref<10000x128xf32, #tpu.memory_space<hbm>> -> memref<10000x128xf32, #tpu.memory_space<hbm>>
      tpu.enqueue_indirect_dma source(%dma_start3A_160 : memref<10000x128xf32, #tpu.memory_space<hbm>>) target(%arg7 : memref<128x128xf32, #tpu.memory_space<vmem>>) offsets(%dma_start3A_157 : memref<128xi32, #tpu.memory_space<vmem>>) semaphore(%arg10 : memref<!tpu.dma_semaphore, #tpu.memory_space<semaphore_mem>>)
      %dma_wait3A_161 = arith.constant 0 : i32
      %dma_wait3A_162 = arith.constant 0 : i32
      %dma_wait3A_163 = arith.constant 0 : i32
      %dma_wait3A_164 = tpu.memref_slice %arg5[%rem3A_103, %dma_wait3A_162, %dma_wait3A_163] : memref<2x8x128xi32, #tpu.memory_space<vmem>> -> memref<1x8x128xi32, #tpu.memory_space<vmem>>
      %dma_wait3A_165 = tpu.memref_squeeze %dma_wait3A_164 : memref<1x8x128xi32, #tpu.memory_space<vmem>> -> memref<8x128xi32, #tpu.memory_space<vmem>>
      %dma_wait3A_166 = arith.constant 0 : i32
      %dma_wait3A_167 = tpu.memref_slice %dma_wait3A_165[%dma_wait3A_161, %dma_wait3A_166] : memref<8x128xi32, #tpu.memory_space<vmem>> -> memref<1x128xi32, #tpu.memory_space<vmem>>
      %dma_wait3A_168 = tpu.memref_squeeze %dma_wait3A_167 : memref<1x128xi32, #tpu.memory_space<vmem>> -> memref<128xi32, #tpu.memory_space<vmem>>
      %dma_wait3A_169 = arith.constant 0 : i32
      %dma_wait3A_170 = arith.constant 0 : i32
      %dma_wait3A_171 = tpu.memref_slice %arg2[%dma_wait3A_169, %dma_wait3A_170] : memref<10000x128xf32, #tpu.memory_space<hbm>> -> memref<10000x128xf32, #tpu.memory_space<hbm>>
      tpu.wait_indirect_dma semaphore(%arg9 : memref<!tpu.dma_semaphore, #tpu.memory_space<semaphore_mem>>) src(%dma_wait3A_171 : memref<10000x128xf32, #tpu.memory_space<hbm>>) dst(%arg6 : memref<128x128xf32, #tpu.memory_space<vmem>>)
      %run_scoped3A = arith.constant 4 : i32
      "tpu.region"() ({
        %run_scoped3A_230 = tpu.sem_alloc : memref<!tpu.dma_semaphore, #tpu.memory_space<semaphore_mem>>
        %dma_start3A_231 = arith.constant 0 : i32
        %dma_start3A_232 = arith.constant 0 : i32
        %dma_start3A_233 = tpu.memref_slice %arg5[%rem3A_103, %dma_start3A_231, %dma_start3A_232] : memref<2x8x128xi32, #tpu.memory_space<vmem>> -> memref<1x8x128xi32, #tpu.memory_space<vmem>>
        %dma_start3A_234 = tpu.memref_squeeze %dma_start3A_233 : memref<1x8x128xi32, #tpu.memory_space<vmem>> -> memref<8x128xi32, #tpu.memory_space<vmem>>
        %dma_start3A_235 = arith.constant 0 : i32
        %dma_start3A_236 = tpu.memref_slice %dma_start3A_234[%run_scoped3A, %dma_start3A_235] : memref<8x128xi32, #tpu.memory_space<vmem>> -> memref<1x128xi32, #tpu.memory_space<vmem>>
        %dma_start3A_237 = tpu.memref_squeeze %dma_start3A_236 : memref<1x128xi32, #tpu.memory_space<vmem>> -> memref<128xi32, #tpu.memory_space<vmem>>
        %dma_start3A_238 = arith.constant 0 : i32
        %dma_start3A_239 = arith.constant 0 : i32
        %dma_start3A_240 = tpu.memref_slice %arg8[%dma_start3A_238, %dma_start3A_239] : memref<10112x128xf32, #tpu.memory_space<vmem_shared>> -> memref<10112x128xf32, #tpu.memory_space<vmem_shared>>
        tpu.enqueue_indirect_dma source(%arg6 : memref<128x128xf32, #tpu.memory_space<vmem>>) target(%dma_start3A_240 : memref<10112x128xf32, #tpu.memory_space<vmem_shared>>) offsets(%dma_start3A_237 : memref<128xi32, #tpu.memory_space<vmem>>) semaphore(%run_scoped3A_230 : memref<!tpu.dma_semaphore, #tpu.memory_space<semaphore_mem>>) {add = true}
        %dma_wait3A_241 = arith.constant 0 : i32
        %dma_wait3A_242 = arith.constant 0 : i32
        %dma_wait3A_243 = tpu.memref_slice %arg5[%rem3A_103, %dma_wait3A_241, %dma_wait3A_242] : memref<2x8x128xi32, #tpu.memory_space<vmem>> -> memref<1x8x128xi32, #tpu.memory_space<vmem>>
        %dma_wait3A_244 = tpu.memref_squeeze %dma_wait3A_243 : memref<1x8x128xi32, #tpu.memory_space<vmem>> -> memref<8x128xi32, #tpu.memory_space<vmem>>
        %dma_wait3A_245 = arith.constant 0 : i32
        %dma_wait3A_246 = tpu.memref_slice %dma_wait3A_244[%run_scoped3A, %dma_wait3A_245] : memref<8x128xi32, #tpu.memory_space<vmem>> -> memref<1x128xi32, #tpu.memory_space<vmem>>
        %dma_wait3A_247 = tpu.memref_squeeze %dma_wait3A_246 : memref<1x128xi32, #tpu.memory_space<vmem>> -> memref<128xi32, #tpu.memory_space<vmem>>
        %dma_wait3A_248 = arith.constant 0 : i32
        %dma_wait3A_249 = arith.constant 0 : i32
        %dma_wait3A_250 = tpu.memref_slice %arg8[%dma_wait3A_248, %dma_wait3A_249] : memref<10112x128xf32, #tpu.memory_space<vmem_shared>> -> memref<10112x128xf32, #tpu.memory_space<vmem_shared>>
        tpu.wait_indirect_dma semaphore(%run_scoped3A_230 : memref<!tpu.dma_semaphore, #tpu.memory_space<semaphore_mem>>) src(%arg6 : memref<128x128xf32, #tpu.memory_space<vmem>>) dst(%dma_wait3A_250 : memref<10112x128xf32, #tpu.memory_space<vmem_shared>>)
        tpu.yield
      }) : () -> ()
      %dma_start3A_172 = arith.constant 2 : i32
      %dma_start3A_173 = arith.constant 0 : i32
      %dma_start3A_174 = arith.constant 0 : i32
      %dma_start3A_175 = tpu.memref_slice %arg5[%rem3A_103, %dma_start3A_173, %dma_start3A_174] : memref<2x8x128xi32, #tpu.memory_space<vmem>> -> memref<1x8x128xi32, #tpu.memory_space<vmem>>
      %dma_start3A_176 = tpu.memref_squeeze %dma_start3A_175 : memref<1x8x128xi32, #tpu.memory_space<vmem>> -> memref<8x128xi32, #tpu.memory_space<vmem>>
      %dma_start3A_177 = arith.constant 0 : i32
      %dma_start3A_178 = tpu.memref_slice %dma_start3A_176[%dma_start3A_172, %dma_start3A_177] : memref<8x128xi32, #tpu.memory_space<vmem>> -> memref<1x128xi32, #tpu.memory_space<vmem>>
      %dma_start3A_179 = tpu.memref_squeeze %dma_start3A_178 : memref<1x128xi32, #tpu.memory_space<vmem>> -> memref<128xi32, #tpu.memory_space<vmem>>
      %dma_start3A_180 = arith.constant 0 : i32
      %dma_start3A_181 = arith.constant 0 : i32
      %dma_start3A_182 = tpu.memref_slice %arg2[%dma_start3A_180, %dma_start3A_181] : memref<10000x128xf32, #tpu.memory_space<hbm>> -> memref<10000x128xf32, #tpu.memory_space<hbm>>
      tpu.enqueue_indirect_dma source(%dma_start3A_182 : memref<10000x128xf32, #tpu.memory_space<hbm>>) target(%arg6 : memref<128x128xf32, #tpu.memory_space<vmem>>) offsets(%dma_start3A_179 : memref<128xi32, #tpu.memory_space<vmem>>) semaphore(%arg9 : memref<!tpu.dma_semaphore, #tpu.memory_space<semaphore_mem>>)
      %dma_wait3A_183 = arith.constant 1 : i32
      %dma_wait3A_184 = arith.constant 0 : i32
      %dma_wait3A_185 = arith.constant 0 : i32
      %dma_wait3A_186 = tpu.memref_slice %arg5[%rem3A_103, %dma_wait3A_184, %dma_wait3A_185] : memref<2x8x128xi32, #tpu.memory_space<vmem>> -> memref<1x8x128xi32, #tpu.memory_space<vmem>>
      %dma_wait3A_187 = tpu.memref_squeeze %dma_wait3A_186 : memref<1x8x128xi32, #tpu.memory_space<vmem>> -> memref<8x128xi32, #tpu.memory_space<vmem>>
      %dma_wait3A_188 = arith.constant 0 : i32
      %dma_wait3A_189 = tpu.memref_slice %dma_wait3A_187[%dma_wait3A_183, %dma_wait3A_188] : memref<8x128xi32, #tpu.memory_space<vmem>> -> memref<1x128xi32, #tpu.memory_space<vmem>>
      %dma_wait3A_190 = tpu.memref_squeeze %dma_wait3A_189 : memref<1x128xi32, #tpu.memory_space<vmem>> -> memref<128xi32, #tpu.memory_space<vmem>>
      %dma_wait3A_191 = arith.constant 0 : i32
      %dma_wait3A_192 = arith.constant 0 : i32
      %dma_wait3A_193 = tpu.memref_slice %arg2[%dma_wait3A_191, %dma_wait3A_192] : memref<10000x128xf32, #tpu.memory_space<hbm>> -> memref<10000x128xf32, #tpu.memory_space<hbm>>
      tpu.wait_indirect_dma semaphore(%arg10 : memref<!tpu.dma_semaphore, #tpu.memory_space<semaphore_mem>>) src(%dma_wait3A_193 : memref<10000x128xf32, #tpu.memory_space<hbm>>) dst(%arg7 : memref<128x128xf32, #tpu.memory_space<vmem>>)
      %run_scoped3A_194 = arith.constant 5 : i32
      "tpu.region"() ({
        %run_scoped3A_230 = tpu.sem_alloc : memref<!tpu.dma_semaphore, #tpu.memory_space<semaphore_mem>>
        %dma_start3A_231 = arith.constant 0 : i32
        %dma_start3A_232 = arith.constant 0 : i32
        %dma_start3A_233 = tpu.memref_slice %arg5[%rem3A_103, %dma_start3A_231, %dma_start3A_232] : memref<2x8x128xi32, #tpu.memory_space<vmem>> -> memref<1x8x128xi32, #tpu.memory_space<vmem>>
        %dma_start3A_234 = tpu.memref_squeeze %dma_start3A_233 : memref<1x8x128xi32, #tpu.memory_space<vmem>> -> memref<8x128xi32, #tpu.memory_space<vmem>>
        %dma_start3A_235 = arith.constant 0 : i32
        %dma_start3A_236 = tpu.memref_slice %dma_start3A_234[%run_scoped3A_194, %dma_start3A_235] : memref<8x128xi32, #tpu.memory_space<vmem>> -> memref<1x128xi32, #tpu.memory_space<vmem>>
        %dma_start3A_237 = tpu.memref_squeeze %dma_start3A_236 : memref<1x128xi32, #tpu.memory_space<vmem>> -> memref<128xi32, #tpu.memory_space<vmem>>
        %dma_start3A_238 = arith.constant 0 : i32
        %dma_start3A_239 = arith.constant 0 : i32
        %dma_start3A_240 = tpu.memref_slice %arg8[%dma_start3A_238, %dma_start3A_239] : memref<10112x128xf32, #tpu.memory_space<vmem_shared>> -> memref<10112x128xf32, #tpu.memory_space<vmem_shared>>
        tpu.enqueue_indirect_dma source(%arg7 : memref<128x128xf32, #tpu.memory_space<vmem>>) target(%dma_start3A_240 : memref<10112x128xf32, #tpu.memory_space<vmem_shared>>) offsets(%dma_start3A_237 : memref<128xi32, #tpu.memory_space<vmem>>) semaphore(%run_scoped3A_230 : memref<!tpu.dma_semaphore, #tpu.memory_space<semaphore_mem>>) {add = true}
        %dma_wait3A_241 = arith.constant 0 : i32
        %dma_wait3A_242 = arith.constant 0 : i32
        %dma_wait3A_243 = tpu.memref_slice %arg5[%rem3A_103, %dma_wait3A_241, %dma_wait3A_242] : memref<2x8x128xi32, #tpu.memory_space<vmem>> -> memref<1x8x128xi32, #tpu.memory_space<vmem>>
        %dma_wait3A_244 = tpu.memref_squeeze %dma_wait3A_243 : memref<1x8x128xi32, #tpu.memory_space<vmem>> -> memref<8x128xi32, #tpu.memory_space<vmem>>
        %dma_wait3A_245 = arith.constant 0 : i32
        %dma_wait3A_246 = tpu.memref_slice %dma_wait3A_244[%run_scoped3A_194, %dma_wait3A_245] : memref<8x128xi32, #tpu.memory_space<vmem>> -> memref<1x128xi32, #tpu.memory_space<vmem>>
        %dma_wait3A_247 = tpu.memref_squeeze %dma_wait3A_246 : memref<1x128xi32, #tpu.memory_space<vmem>> -> memref<128xi32, #tpu.memory_space<vmem>>
        %dma_wait3A_248 = arith.constant 0 : i32
        %dma_wait3A_249 = arith.constant 0 : i32
        %dma_wait3A_250 = tpu.memref_slice %arg8[%dma_wait3A_248, %dma_wait3A_249] : memref<10112x128xf32, #tpu.memory_space<vmem_shared>> -> memref<10112x128xf32, #tpu.memory_space<vmem_shared>>
        tpu.wait_indirect_dma semaphore(%run_scoped3A_230 : memref<!tpu.dma_semaphore, #tpu.memory_space<semaphore_mem>>) src(%arg7 : memref<128x128xf32, #tpu.memory_space<vmem>>) dst(%dma_wait3A_250 : memref<10112x128xf32, #tpu.memory_space<vmem_shared>>)
        tpu.yield
      }) : () -> ()
      %dma_start3A_195 = arith.constant 3 : i32
      %dma_start3A_196 = arith.constant 0 : i32
      %dma_start3A_197 = arith.constant 0 : i32
      %dma_start3A_198 = tpu.memref_slice %arg5[%rem3A_103, %dma_start3A_196, %dma_start3A_197] : memref<2x8x128xi32, #tpu.memory_space<vmem>> -> memref<1x8x128xi32, #tpu.memory_space<vmem>>
      %dma_start3A_199 = tpu.memref_squeeze %dma_start3A_198 : memref<1x8x128xi32, #tpu.memory_space<vmem>> -> memref<8x128xi32, #tpu.memory_space<vmem>>
      %dma_start3A_200 = arith.constant 0 : i32
      %dma_start3A_201 = tpu.memref_slice %dma_start3A_199[%dma_start3A_195, %dma_start3A_200] : memref<8x128xi32, #tpu.memory_space<vmem>> -> memref<1x128xi32, #tpu.memory_space<vmem>>
      %dma_start3A_202 = tpu.memref_squeeze %dma_start3A_201 : memref<1x128xi32, #tpu.memory_space<vmem>> -> memref<128xi32, #tpu.memory_space<vmem>>
      %dma_start3A_203 = arith.constant 0 : i32
      %dma_start3A_204 = arith.constant 0 : i32
      %dma_start3A_205 = tpu.memref_slice %arg2[%dma_start3A_203, %dma_start3A_204] : memref<10000x128xf32, #tpu.memory_space<hbm>> -> memref<10000x128xf32, #tpu.memory_space<hbm>>
      tpu.enqueue_indirect_dma source(%dma_start3A_205 : memref<10000x128xf32, #tpu.memory_space<hbm>>) target(%arg7 : memref<128x128xf32, #tpu.memory_space<vmem>>) offsets(%dma_start3A_202 : memref<128xi32, #tpu.memory_space<vmem>>) semaphore(%arg10 : memref<!tpu.dma_semaphore, #tpu.memory_space<semaphore_mem>>)
      %dma_wait3A_206 = arith.constant 2 : i32
      %dma_wait3A_207 = arith.constant 0 : i32
      %dma_wait3A_208 = arith.constant 0 : i32
      %dma_wait3A_209 = tpu.memref_slice %arg5[%rem3A_103, %dma_wait3A_207, %dma_wait3A_208] : memref<2x8x128xi32, #tpu.memory_space<vmem>> -> memref<1x8x128xi32, #tpu.memory_space<vmem>>
      %dma_wait3A_210 = tpu.memref_squeeze %dma_wait3A_209 : memref<1x8x128xi32, #tpu.memory_space<vmem>> -> memref<8x128xi32, #tpu.memory_space<vmem>>
      %dma_wait3A_211 = arith.constant 0 : i32
      %dma_wait3A_212 = tpu.memref_slice %dma_wait3A_210[%dma_wait3A_206, %dma_wait3A_211] : memref<8x128xi32, #tpu.memory_space<vmem>> -> memref<1x128xi32, #tpu.memory_space<vmem>>
      %dma_wait3A_213 = tpu.memref_squeeze %dma_wait3A_212 : memref<1x128xi32, #tpu.memory_space<vmem>> -> memref<128xi32, #tpu.memory_space<vmem>>
      %dma_wait3A_214 = arith.constant 0 : i32
      %dma_wait3A_215 = arith.constant 0 : i32
      %dma_wait3A_216 = tpu.memref_slice %arg2[%dma_wait3A_214, %dma_wait3A_215] : memref<10000x128xf32, #tpu.memory_space<hbm>> -> memref<10000x128xf32, #tpu.memory_space<hbm>>
      tpu.wait_indirect_dma semaphore(%arg9 : memref<!tpu.dma_semaphore, #tpu.memory_space<semaphore_mem>>) src(%dma_wait3A_216 : memref<10000x128xf32, #tpu.memory_space<hbm>>) dst(%arg6 : memref<128x128xf32, #tpu.memory_space<vmem>>)
      %run_scoped3A_217 = arith.constant 6 : i32
      "tpu.region"() ({
        %run_scoped3A_230 = tpu.sem_alloc : memref<!tpu.dma_semaphore, #tpu.memory_space<semaphore_mem>>
        %dma_start3A_231 = arith.constant 0 : i32
        %dma_start3A_232 = arith.constant 0 : i32
        %dma_start3A_233 = tpu.memref_slice %arg5[%rem3A_103, %dma_start3A_231, %dma_start3A_232] : memref<2x8x128xi32, #tpu.memory_space<vmem>> -> memref<1x8x128xi32, #tpu.memory_space<vmem>>
        %dma_start3A_234 = tpu.memref_squeeze %dma_start3A_233 : memref<1x8x128xi32, #tpu.memory_space<vmem>> -> memref<8x128xi32, #tpu.memory_space<vmem>>
        %dma_start3A_235 = arith.constant 0 : i32
        %dma_start3A_236 = tpu.memref_slice %dma_start3A_234[%run_scoped3A_217, %dma_start3A_235] : memref<8x128xi32, #tpu.memory_space<vmem>> -> memref<1x128xi32, #tpu.memory_space<vmem>>
        %dma_start3A_237 = tpu.memref_squeeze %dma_start3A_236 : memref<1x128xi32, #tpu.memory_space<vmem>> -> memref<128xi32, #tpu.memory_space<vmem>>
        %dma_start3A_238 = arith.constant 0 : i32
        %dma_start3A_239 = arith.constant 0 : i32
        %dma_start3A_240 = tpu.memref_slice %arg8[%dma_start3A_238, %dma_start3A_239] : memref<10112x128xf32, #tpu.memory_space<vmem_shared>> -> memref<10112x128xf32, #tpu.memory_space<vmem_shared>>
        tpu.enqueue_indirect_dma source(%arg6 : memref<128x128xf32, #tpu.memory_space<vmem>>) target(%dma_start3A_240 : memref<10112x128xf32, #tpu.memory_space<vmem_shared>>) offsets(%dma_start3A_237 : memref<128xi32, #tpu.memory_space<vmem>>) semaphore(%run_scoped3A_230 : memref<!tpu.dma_semaphore, #tpu.memory_space<semaphore_mem>>) {add = true}
        %dma_wait3A_241 = arith.constant 0 : i32
        %dma_wait3A_242 = arith.constant 0 : i32
        %dma_wait3A_243 = tpu.memref_slice %arg5[%rem3A_103, %dma_wait3A_241, %dma_wait3A_242] : memref<2x8x128xi32, #tpu.memory_space<vmem>> -> memref<1x8x128xi32, #tpu.memory_space<vmem>>
        %dma_wait3A_244 = tpu.memref_squeeze %dma_wait3A_243 : memref<1x8x128xi32, #tpu.memory_space<vmem>> -> memref<8x128xi32, #tpu.memory_space<vmem>>
        %dma_wait3A_245 = arith.constant 0 : i32
        %dma_wait3A_246 = tpu.memref_slice %dma_wait3A_244[%run_scoped3A_217, %dma_wait3A_245] : memref<8x128xi32, #tpu.memory_space<vmem>> -> memref<1x128xi32, #tpu.memory_space<vmem>>
        %dma_wait3A_247 = tpu.memref_squeeze %dma_wait3A_246 : memref<1x128xi32, #tpu.memory_space<vmem>> -> memref<128xi32, #tpu.memory_space<vmem>>
        %dma_wait3A_248 = arith.constant 0 : i32
        %dma_wait3A_249 = arith.constant 0 : i32
        %dma_wait3A_250 = tpu.memref_slice %arg8[%dma_wait3A_248, %dma_wait3A_249] : memref<10112x128xf32, #tpu.memory_space<vmem_shared>> -> memref<10112x128xf32, #tpu.memory_space<vmem_shared>>
        tpu.wait_indirect_dma semaphore(%run_scoped3A_230 : memref<!tpu.dma_semaphore, #tpu.memory_space<semaphore_mem>>) src(%arg6 : memref<128x128xf32, #tpu.memory_space<vmem>>) dst(%dma_wait3A_250 : memref<10112x128xf32, #tpu.memory_space<vmem_shared>>)
        tpu.yield
      }) : () -> ()
      %dma_wait3A_218 = arith.constant 3 : i32
      %dma_wait3A_219 = arith.constant 0 : i32
      %dma_wait3A_220 = arith.constant 0 : i32
      %dma_wait3A_221 = tpu.memref_slice %arg5[%rem3A_103, %dma_wait3A_219, %dma_wait3A_220] : memref<2x8x128xi32, #tpu.memory_space<vmem>> -> memref<1x8x128xi32, #tpu.memory_space<vmem>>
      %dma_wait3A_222 = tpu.memref_squeeze %dma_wait3A_221 : memref<1x8x128xi32, #tpu.memory_space<vmem>> -> memref<8x128xi32, #tpu.memory_space<vmem>>
      %dma_wait3A_223 = arith.constant 0 : i32
      %dma_wait3A_224 = tpu.memref_slice %dma_wait3A_222[%dma_wait3A_218, %dma_wait3A_223] : memref<8x128xi32, #tpu.memory_space<vmem>> -> memref<1x128xi32, #tpu.memory_space<vmem>>
      %dma_wait3A_225 = tpu.memref_squeeze %dma_wait3A_224 : memref<1x128xi32, #tpu.memory_space<vmem>> -> memref<128xi32, #tpu.memory_space<vmem>>
      %dma_wait3A_226 = arith.constant 0 : i32
      %dma_wait3A_227 = arith.constant 0 : i32
      %dma_wait3A_228 = tpu.memref_slice %arg2[%dma_wait3A_226, %dma_wait3A_227] : memref<10000x128xf32, #tpu.memory_space<hbm>> -> memref<10000x128xf32, #tpu.memory_space<hbm>>
      tpu.wait_indirect_dma semaphore(%arg10 : memref<!tpu.dma_semaphore, #tpu.memory_space<semaphore_mem>>) src(%dma_wait3A_228 : memref<10000x128xf32, #tpu.memory_space<hbm>>) dst(%arg7 : memref<128x128xf32, #tpu.memory_space<vmem>>)
      %run_scoped3A_229 = arith.constant 7 : i32
      "tpu.region"() ({
        %run_scoped3A_230 = tpu.sem_alloc : memref<!tpu.dma_semaphore, #tpu.memory_space<semaphore_mem>>
        %dma_start3A_231 = arith.constant 0 : i32
        %dma_start3A_232 = arith.constant 0 : i32
        %dma_start3A_233 = tpu.memref_slice %arg5[%rem3A_103, %dma_start3A_231, %dma_start3A_232] : memref<2x8x128xi32, #tpu.memory_space<vmem>> -> memref<1x8x128xi32, #tpu.memory_space<vmem>>
        %dma_start3A_234 = tpu.memref_squeeze %dma_start3A_233 : memref<1x8x128xi32, #tpu.memory_space<vmem>> -> memref<8x128xi32, #tpu.memory_space<vmem>>
        %dma_start3A_235 = arith.constant 0 : i32
        %dma_start3A_236 = tpu.memref_slice %dma_start3A_234[%run_scoped3A_229, %dma_start3A_235] : memref<8x128xi32, #tpu.memory_space<vmem>> -> memref<1x128xi32, #tpu.memory_space<vmem>>
        %dma_start3A_237 = tpu.memref_squeeze %dma_start3A_236 : memref<1x128xi32, #tpu.memory_space<vmem>> -> memref<128xi32, #tpu.memory_space<vmem>>
        %dma_start3A_238 = arith.constant 0 : i32
        %dma_start3A_239 = arith.constant 0 : i32
        %dma_start3A_240 = tpu.memref_slice %arg8[%dma_start3A_238, %dma_start3A_239] : memref<10112x128xf32, #tpu.memory_space<vmem_shared>> -> memref<10112x128xf32, #tpu.memory_space<vmem_shared>>
        tpu.enqueue_indirect_dma source(%arg7 : memref<128x128xf32, #tpu.memory_space<vmem>>) target(%dma_start3A_240 : memref<10112x128xf32, #tpu.memory_space<vmem_shared>>) offsets(%dma_start3A_237 : memref<128xi32, #tpu.memory_space<vmem>>) semaphore(%run_scoped3A_230 : memref<!tpu.dma_semaphore, #tpu.memory_space<semaphore_mem>>) {add = true}
        %dma_wait3A_241 = arith.constant 0 : i32
        %dma_wait3A_242 = arith.constant 0 : i32
        %dma_wait3A_243 = tpu.memref_slice %arg5[%rem3A_103, %dma_wait3A_241, %dma_wait3A_242] : memref<2x8x128xi32, #tpu.memory_space<vmem>> -> memref<1x8x128xi32, #tpu.memory_space<vmem>>
        %dma_wait3A_244 = tpu.memref_squeeze %dma_wait3A_243 : memref<1x8x128xi32, #tpu.memory_space<vmem>> -> memref<8x128xi32, #tpu.memory_space<vmem>>
        %dma_wait3A_245 = arith.constant 0 : i32
        %dma_wait3A_246 = tpu.memref_slice %dma_wait3A_244[%run_scoped3A_229, %dma_wait3A_245] : memref<8x128xi32, #tpu.memory_space<vmem>> -> memref<1x128xi32, #tpu.memory_space<vmem>>
        %dma_wait3A_247 = tpu.memref_squeeze %dma_wait3A_246 : memref<1x128xi32, #tpu.memory_space<vmem>> -> memref<128xi32, #tpu.memory_space<vmem>>
        %dma_wait3A_248 = arith.constant 0 : i32
        %dma_wait3A_249 = arith.constant 0 : i32
        %dma_wait3A_250 = tpu.memref_slice %arg8[%dma_wait3A_248, %dma_wait3A_249] : memref<10112x128xf32, #tpu.memory_space<vmem_shared>> -> memref<10112x128xf32, #tpu.memory_space<vmem_shared>>
        tpu.wait_indirect_dma semaphore(%run_scoped3A_230 : memref<!tpu.dma_semaphore, #tpu.memory_space<semaphore_mem>>) src(%arg7 : memref<128x128xf32, #tpu.memory_space<vmem>>) dst(%dma_wait3A_250 : memref<10112x128xf32, #tpu.memory_space<vmem_shared>>)
        tpu.yield
      }) : () -> ()
    }
    %mul3A_81 = arith.constant 2 : i32
    %mul3A_82 = arith.muli %mul3A_81, %add3A_31 : i32
    %rem3A_83 = arith.constant 2 : i32
    %rem3A_84 = arith.remsi %select_n3A_50, %rem3A_83 : i32
    %dma_wait3A = arith.constant 0 : i32
    %dma_wait3A_85 = arith.constant 0 : i32
    %dma_wait3A_86 = tpu.memref_slice %arg5[%rem3A_84, %dma_wait3A, %dma_wait3A_85] : memref<2x8x128xi32, #tpu.memory_space<vmem>> -> memref<1x8x128xi32, #tpu.memory_space<vmem>>
    %dma_wait3A_87 = tpu.memref_squeeze %dma_wait3A_86 : memref<1x8x128xi32, #tpu.memory_space<vmem>> -> memref<8x128xi32, #tpu.memory_space<vmem>>
    %dma_wait3A_88 = arith.constant 0 : i32
    %dma_wait3A_89 = tpu.memref_slice %arg3[%mul3A_82, %dma_wait3A_88] : memref<5120x128xi32, #tpu.memory_space<hbm>> -> memref<8x128xi32, #tpu.memory_space<hbm>>
    %dma_wait3A_90 = arith.constant 0 : i32
    %dma_wait3A_91 = arith.constant 0 : i32
    %dma_wait3A_92 = tpu.memref_slice %arg5[%rem3A_84, %dma_wait3A_90, %dma_wait3A_91] : memref<2x8x128xi32, #tpu.memory_space<vmem>> -> memref<1x8x128xi32, #tpu.memory_space<vmem>>
    %dma_wait3A_93 = tpu.memref_squeeze %dma_wait3A_92 : memref<1x8x128xi32, #tpu.memory_space<vmem>> -> memref<8x128xi32, #tpu.memory_space<vmem>>
    %dma_wait3A_94 = arith.constant 0 : i32
    %dma_wait3A_95 = tpu.memref_slice %arg3[%mul3A_82, %dma_wait3A_94] : memref<5120x128xi32, #tpu.memory_space<hbm>> -> memref<8x128xi32, #tpu.memory_space<hbm>>
    tpu.wait_dma2 semaphore(%arg11 : memref<!tpu.dma_semaphore, #tpu.memory_space<semaphore_mem>>) src(%dma_wait3A_95 : memref<8x128xi32, #tpu.memory_space<hbm>>) dst(%dma_wait3A_93 : memref<8x128xi32, #tpu.memory_space<vmem>>)
    %barrier3A_96 = arith.constant 0 : index
    tpu.barrier barrier_id(%barrier3A_96)
    %mul3A_97 = arith.constant 632 : i32
    %mul3A_98 = arith.muli %arg1, %mul3A_97 : i32
    %mul3A_99 = arith.constant 632 : i32
    %mul3A_100 = arith.muli %arg1, %mul3A_99 : i32
    "tpu.region"() ({
      %run_scoped3A = tpu.sem_alloc : memref<!tpu.dma_semaphore, #tpu.memory_space<semaphore_mem>>
      %dma_start3A_101 = arith.constant 0 : i32
      %dma_start3A_102 = arith.constant 0 : i32
      %dma_start3A_103 = tpu.memref_slice %arg4[%arg0, %dma_start3A_101, %dma_start3A_102] : memref<2x10112x128xf32, #tpu.memory_space<hbm>> -> memref<1x10112x128xf32, #tpu.memory_space<hbm>>
      %dma_start3A_104 = tpu.memref_squeeze %dma_start3A_103 : memref<1x10112x128xf32, #tpu.memory_space<hbm>> -> memref<10112x128xf32, #tpu.memory_space<hbm>>
      %dma_start3A_105 = arith.constant 0 : i32
      %dma_start3A_106 = tpu.memref_slice %dma_start3A_104[%mul3A_100, %dma_start3A_105] : memref<10112x128xf32, #tpu.memory_space<hbm>> -> memref<632x128xf32, #tpu.memory_space<hbm>>
      %dma_start3A_107 = arith.constant 0 : i32
      %dma_start3A_108 = tpu.memref_slice %arg8[%mul3A_98, %dma_start3A_107] : memref<10112x128xf32, #tpu.memory_space<vmem_shared>> -> memref<632x128xf32, #tpu.memory_space<vmem_shared>>
      tpu.enqueue_dma source(%dma_start3A_108 : memref<632x128xf32, #tpu.memory_space<vmem_shared>>) target(%dma_start3A_106 : memref<632x128xf32, #tpu.memory_space<hbm>>) target_semaphore(%run_scoped3A : memref<!tpu.dma_semaphore, #tpu.memory_space<semaphore_mem>>)
      %dma_wait3A_109 = arith.constant 0 : i32
      %dma_wait3A_110 = arith.constant 0 : i32
      %dma_wait3A_111 = tpu.memref_slice %arg4[%arg0, %dma_wait3A_109, %dma_wait3A_110] : memref<2x10112x128xf32, #tpu.memory_space<hbm>> -> memref<1x10112x128xf32, #tpu.memory_space<hbm>>
      %dma_wait3A_112 = tpu.memref_squeeze %dma_wait3A_111 : memref<1x10112x128xf32, #tpu.memory_space<hbm>> -> memref<10112x128xf32, #tpu.memory_space<hbm>>
      %dma_wait3A_113 = arith.constant 0 : i32
      %dma_wait3A_114 = tpu.memref_slice %dma_wait3A_112[%mul3A_100, %dma_wait3A_113] : memref<10112x128xf32, #tpu.memory_space<hbm>> -> memref<632x128xf32, #tpu.memory_space<hbm>>
      %dma_wait3A_115 = arith.constant 0 : i32
      %dma_wait3A_116 = tpu.memref_slice %arg8[%mul3A_98, %dma_wait3A_115] : memref<10112x128xf32, #tpu.memory_space<vmem_shared>> -> memref<632x128xf32, #tpu.memory_space<vmem_shared>>
      tpu.wait_dma2 semaphore(%run_scoped3A : memref<!tpu.dma_semaphore, #tpu.memory_space<semaphore_mem>>) src(%dma_wait3A_116 : memref<632x128xf32, #tpu.memory_space<vmem_shared>>) dst(%dma_wait3A_114 : memref<632x128xf32, #tpu.memory_space<hbm>>)
      tpu.yield
    }) : () -> ()
    return
  }
}

#map = affine_map<(d0, d1) -> (0, 0)>
#map1 = affine_map<(d0, d1) -> (0, 0, 0)>
module attributes {stable_mosaic.version = 14 : i64} {
  func.func @agg_kernel(%arg0: i32, %arg1: i32, %arg2: memref<10000x128xf32, #tpu.memory_space<hbm>>, %arg3: memref<5120x128xi32, #tpu.memory_space<hbm>>, %arg4: memref<2x10112x128xf32, #tpu.memory_space<hbm>>, %arg5: memref<2x8x128xi32, #tpu.memory_space<vmem>>, %arg6: memref<128x128xf32, #tpu.memory_space<vmem>>, %arg7: memref<128x128xf32, #tpu.memory_space<vmem>>, %arg8: memref<10112x128xf32, #tpu.memory_space<vmem_shared>>, %arg9: memref<!tpu.dma_semaphore, #tpu.memory_space<semaphore_mem>>, %arg10: memref<!tpu.dma_semaphore, #tpu.memory_space<semaphore_mem>>, %arg11: memref<!tpu.dma_semaphore, #tpu.memory_space<semaphore_mem>>) attributes {dimension_semantics = [#tpu.dimension_semantics<core_parallel>, #tpu.dimension_semantics<subcore_parallel>], iteration_bounds = array<i64: 2, 16>, scalar_prefetch = 0 : i64, scratch_operands = 7 : i64, tpu.core_type = #tpu.core_type<sc_vector_subcore>, window_params = [{transform_indices = #map}, {transform_indices = #map}, {transform_indices = #map1}]} {
    %scan3A = arith.constant 0 : i32
    %scan3A_0 = arith.constant 0 : i32
    %scan3A_1 = arith.constant 128 : i32
    %scan3A_2 = arith.addi %scan3A_0, %scan3A_1 : i32
    %scan3A_3 = arith.constant 1 : i32
    scf.for %scan3A_101 = %scan3A_0 to %scan3A_2 step %scan3A_3  : i32 {
      %broadcast_in_dim3A = arith.constant 0.000000e+00 : f32
      %broadcast_in_dim3A_102 = vector.broadcast %broadcast_in_dim3A : f32 to vector<16xf32>
      %swap3A = arith.index_cast %scan3A_101 : i32 to index
      %swap3A_103 = arith.constant 0 : index
      %swap3A_104 = tpu.vector_load %arg6[%swap3A, %swap3A_103] {strides = array<i32>} : memref<128x128xf32, #tpu.memory_space<vmem>>, vector<1x16xf32>,
      %swap3A_105 = vector.shape_cast %swap3A_104 : vector<1x16xf32> to vector<16xf32>
      %swap3A_106 = vector.shape_cast %broadcast_in_dim3A_102 : vector<16xf32> to vector<1x16xf32>
      tpu.vector_store %arg6[%swap3A, %swap3A_103], %swap3A_106 {strides = array<i32>} : memref<128x128xf32, #tpu.memory_space<vmem>>, vector<1x16xf32>,
      %broadcast_in_dim3A_107 = arith.constant 0.000000e+00 : f32
      %broadcast_in_dim3A_108 = vector.broadcast %broadcast_in_dim3A_107 : f32 to vector<16xf32>
      %swap3A_109 = arith.index_cast %scan3A_101 : i32 to index
      %swap3A_110 = arith.constant 16 : index
      %swap3A_111 = tpu.vector_load %arg6[%swap3A_109, %swap3A_110] {strides = array<i32>} : memref<128x128xf32, #tpu.memory_space<vmem>>, vector<1x16xf32>,
      %swap3A_112 = vector.shape_cast %swap3A_111 : vector<1x16xf32> to vector<16xf32>
      %swap3A_113 = vector.shape_cast %broadcast_in_dim3A_108 : vector<16xf32> to vector<1x16xf32>
      tpu.vector_store %arg6[%swap3A_109, %swap3A_110], %swap3A_113 {strides = array<i32>} : memref<128x128xf32, #tpu.memory_space<vmem>>, vector<1x16xf32>,
      %broadcast_in_dim3A_114 = arith.constant 0.000000e+00 : f32
      %broadcast_in_dim3A_115 = vector.broadcast %broadcast_in_dim3A_114 : f32 to vector<16xf32>
      %swap3A_116 = arith.index_cast %scan3A_101 : i32 to index
      %swap3A_117 = arith.constant 32 : index
      %swap3A_118 = tpu.vector_load %arg6[%swap3A_116, %swap3A_117] {strides = array<i32>} : memref<128x128xf32, #tpu.memory_space<vmem>>, vector<1x16xf32>,
      %swap3A_119 = vector.shape_cast %swap3A_118 : vector<1x16xf32> to vector<16xf32>
      %swap3A_120 = vector.shape_cast %broadcast_in_dim3A_115 : vector<16xf32> to vector<1x16xf32>
      tpu.vector_store %arg6[%swap3A_116, %swap3A_117], %swap3A_120 {strides = array<i32>} : memref<128x128xf32, #tpu.memory_space<vmem>>, vector<1x16xf32>,
      %broadcast_in_dim3A_121 = arith.constant 0.000000e+00 : f32
      %broadcast_in_dim3A_122 = vector.broadcast %broadcast_in_dim3A_121 : f32 to vector<16xf32>
      %swap3A_123 = arith.index_cast %scan3A_101 : i32 to index
      %swap3A_124 = arith.constant 48 : index
      %swap3A_125 = tpu.vector_load %arg6[%swap3A_123, %swap3A_124] {strides = array<i32>} : memref<128x128xf32, #tpu.memory_space<vmem>>, vector<1x16xf32>,
      %swap3A_126 = vector.shape_cast %swap3A_125 : vector<1x16xf32> to vector<16xf32>
      %swap3A_127 = vector.shape_cast %broadcast_in_dim3A_122 : vector<16xf32> to vector<1x16xf32>
      tpu.vector_store %arg6[%swap3A_123, %swap3A_124], %swap3A_127 {strides = array<i32>} : memref<128x128xf32, #tpu.memory_space<vmem>>, vector<1x16xf32>,
      %broadcast_in_dim3A_128 = arith.constant 0.000000e+00 : f32
      %broadcast_in_dim3A_129 = vector.broadcast %broadcast_in_dim3A_128 : f32 to vector<16xf32>
      %swap3A_130 = arith.index_cast %scan3A_101 : i32 to index
      %swap3A_131 = arith.constant 64 : index
      %swap3A_132 = tpu.vector_load %arg6[%swap3A_130, %swap3A_131] {strides = array<i32>} : memref<128x128xf32, #tpu.memory_space<vmem>>, vector<1x16xf32>,
      %swap3A_133 = vector.shape_cast %swap3A_132 : vector<1x16xf32> to vector<16xf32>
      %swap3A_134 = vector.shape_cast %broadcast_in_dim3A_129 : vector<16xf32> to vector<1x16xf32>
      tpu.vector_store %arg6[%swap3A_130, %swap3A_131], %swap3A_134 {strides = array<i32>} : memref<128x128xf32, #tpu.memory_space<vmem>>, vector<1x16xf32>,
      %broadcast_in_dim3A_135 = arith.constant 0.000000e+00 : f32
      %broadcast_in_dim3A_136 = vector.broadcast %broadcast_in_dim3A_135 : f32 to vector<16xf32>
      %swap3A_137 = arith.index_cast %scan3A_101 : i32 to index
      %swap3A_138 = arith.constant 80 : index
      %swap3A_139 = tpu.vector_load %arg6[%swap3A_137, %swap3A_138] {strides = array<i32>} : memref<128x128xf32, #tpu.memory_space<vmem>>, vector<1x16xf32>,
      %swap3A_140 = vector.shape_cast %swap3A_139 : vector<1x16xf32> to vector<16xf32>
      %swap3A_141 = vector.shape_cast %broadcast_in_dim3A_136 : vector<16xf32> to vector<1x16xf32>
      tpu.vector_store %arg6[%swap3A_137, %swap3A_138], %swap3A_141 {strides = array<i32>} : memref<128x128xf32, #tpu.memory_space<vmem>>, vector<1x16xf32>,
      %broadcast_in_dim3A_142 = arith.constant 0.000000e+00 : f32
      %broadcast_in_dim3A_143 = vector.broadcast %broadcast_in_dim3A_142 : f32 to vector<16xf32>
      %swap3A_144 = arith.index_cast %scan3A_101 : i32 to index
      %swap3A_145 = arith.constant 96 : index
      %swap3A_146 = tpu.vector_load %arg6[%swap3A_144, %swap3A_145] {strides = array<i32>} : memref<128x128xf32, #tpu.memory_space<vmem>>, vector<1x16xf32>,
      %swap3A_147 = vector.shape_cast %swap3A_146 : vector<1x16xf32> to vector<16xf32>
      %swap3A_148 = vector.shape_cast %broadcast_in_dim3A_143 : vector<16xf32> to vector<1x16xf32>
      tpu.vector_store %arg6[%swap3A_144, %swap3A_145], %swap3A_148 {strides = array<i32>} : memref<128x128xf32, #tpu.memory_space<vmem>>, vector<1x16xf32>,
      %broadcast_in_dim3A_149 = arith.constant 0.000000e+00 : f32
      %broadcast_in_dim3A_150 = vector.broadcast %broadcast_in_dim3A_149 : f32 to vector<16xf32>
      %swap3A_151 = arith.index_cast %scan3A_101 : i32 to index
      %swap3A_152 = arith.constant 112 : index
      %swap3A_153 = tpu.vector_load %arg6[%swap3A_151, %swap3A_152] {strides = array<i32>} : memref<128x128xf32, #tpu.memory_space<vmem>>, vector<1x16xf32>,
      %swap3A_154 = vector.shape_cast %swap3A_153 : vector<1x16xf32> to vector<16xf32>
      %swap3A_155 = vector.shape_cast %broadcast_in_dim3A_150 : vector<16xf32> to vector<1x16xf32>
      tpu.vector_store %arg6[%swap3A_151, %swap3A_152], %swap3A_155 {strides = array<i32>} : memref<128x128xf32, #tpu.memory_space<vmem>>, vector<1x16xf32>,
    }
    %scan3A_4 = arith.constant 128 : i32
    %mul3A = arith.constant 632 : i32
    %mul3A_5 = arith.muli %arg1, %mul3A : i32
    %add3A = arith.constant 0 : i32
    %add3A_6 = arith.addi %mul3A_5, %add3A : i32
    "tpu.region"() ({
      %run_scoped3A = tpu.sem_alloc : memref<!tpu.dma_semaphore, #tpu.memory_space<semaphore_mem>>
      %dma_start3A_101 = arith.constant 0 : i32
      %dma_start3A_102 = tpu.memref_slice %arg8[%add3A_6, %dma_start3A_101] : memref<10112x128xf32, #tpu.memory_space<vmem_shared>> -> memref<128x128xf32, #tpu.memory_space<vmem_shared>>
      %dma_start3A_103 = arith.constant 0 : i32
      %dma_start3A_104 = tpu.memref_slice %arg8[%add3A_6, %dma_start3A_103] : memref<10112x128xf32, #tpu.memory_space<vmem_shared>> -> memref<128x128xf32, #tpu.memory_space<vmem_shared>>
      tpu.enqueue_dma source(%arg6 : memref<128x128xf32, #tpu.memory_space<vmem>>) target(%dma_start3A_104 : memref<128x128xf32, #tpu.memory_space<vmem_shared>>) target_semaphore(%run_scoped3A : memref<!tpu.dma_semaphore, #tpu.memory_space<semaphore_mem>>)
      %dma_wait3A_105 = arith.constant 0 : i32
      %dma_wait3A_106 = tpu.memref_slice %arg8[%add3A_6, %dma_wait3A_105] : memref<10112x128xf32, #tpu.memory_space<vmem_shared>> -> memref<128x128xf32, #tpu.memory_space<vmem_shared>>
      %dma_wait3A_107 = arith.constant 0 : i32
      %dma_wait3A_108 = tpu.memref_slice %arg8[%add3A_6, %dma_wait3A_107] : memref<10112x128xf32, #tpu.memory_space<vmem_shared>> -> memref<128x128xf32, #tpu.memory_space<vmem_shared>>
      tpu.wait_dma2 semaphore(%run_scoped3A : memref<!tpu.dma_semaphore, #tpu.memory_space<semaphore_mem>>) src(%arg6 : memref<128x128xf32, #tpu.memory_space<vmem>>) dst(%dma_wait3A_108 : memref<128x128xf32, #tpu.memory_space<vmem_shared>>)
      tpu.yield
    }) : () -> ()
    %mul3A_7 = arith.constant 632 : i32
    %mul3A_8 = arith.muli %arg1, %mul3A_7 : i32
    %add3A_9 = arith.constant 128 : i32
    %add3A_10 = arith.addi %mul3A_8, %add3A_9 : i32
    "tpu.region"() ({
      %run_scoped3A = tpu.sem_alloc : memref<!tpu.dma_semaphore, #tpu.memory_space<semaphore_mem>>
      %dma_start3A_101 = arith.constant 0 : i32
      %dma_start3A_102 = tpu.memref_slice %arg8[%add3A_10, %dma_start3A_101] : memref<10112x128xf32, #tpu.memory_space<vmem_shared>> -> memref<128x128xf32, #tpu.memory_space<vmem_shared>>
      %dma_start3A_103 = arith.constant 0 : i32
      %dma_start3A_104 = tpu.memref_slice %arg8[%add3A_10, %dma_start3A_103] : memref<10112x128xf32, #tpu.memory_space<vmem_shared>> -> memref<128x128xf32, #tpu.memory_space<vmem_shared>>
      tpu.enqueue_dma source(%arg6 : memref<128x128xf32, #tpu.memory_space<vmem>>) target(%dma_start3A_104 : memref<128x128xf32, #tpu.memory_space<vmem_shared>>) target_semaphore(%run_scoped3A : memref<!tpu.dma_semaphore, #tpu.memory_space<semaphore_mem>>)
      %dma_wait3A_105 = arith.constant 0 : i32
      %dma_wait3A_106 = tpu.memref_slice %arg8[%add3A_10, %dma_wait3A_105] : memref<10112x128xf32, #tpu.memory_space<vmem_shared>> -> memref<128x128xf32, #tpu.memory_space<vmem_shared>>
      %dma_wait3A_107 = arith.constant 0 : i32
      %dma_wait3A_108 = tpu.memref_slice %arg8[%add3A_10, %dma_wait3A_107] : memref<10112x128xf32, #tpu.memory_space<vmem_shared>> -> memref<128x128xf32, #tpu.memory_space<vmem_shared>>
      tpu.wait_dma2 semaphore(%run_scoped3A : memref<!tpu.dma_semaphore, #tpu.memory_space<semaphore_mem>>) src(%arg6 : memref<128x128xf32, #tpu.memory_space<vmem>>) dst(%dma_wait3A_108 : memref<128x128xf32, #tpu.memory_space<vmem_shared>>)
      tpu.yield
    }) : () -> ()
    %mul3A_11 = arith.constant 632 : i32
    %mul3A_12 = arith.muli %arg1, %mul3A_11 : i32
    %add3A_13 = arith.constant 256 : i32
    %add3A_14 = arith.addi %mul3A_12, %add3A_13 : i32
    "tpu.region"() ({
      %run_scoped3A = tpu.sem_alloc : memref<!tpu.dma_semaphore, #tpu.memory_space<semaphore_mem>>
      %dma_start3A_101 = arith.constant 0 : i32
      %dma_start3A_102 = tpu.memref_slice %arg8[%add3A_14, %dma_start3A_101] : memref<10112x128xf32, #tpu.memory_space<vmem_shared>> -> memref<128x128xf32, #tpu.memory_space<vmem_shared>>
      %dma_start3A_103 = arith.constant 0 : i32
      %dma_start3A_104 = tpu.memref_slice %arg8[%add3A_14, %dma_start3A_103] : memref<10112x128xf32, #tpu.memory_space<vmem_shared>> -> memref<128x128xf32, #tpu.memory_space<vmem_shared>>
      tpu.enqueue_dma source(%arg6 : memref<128x128xf32, #tpu.memory_space<vmem>>) target(%dma_start3A_104 : memref<128x128xf32, #tpu.memory_space<vmem_shared>>) target_semaphore(%run_scoped3A : memref<!tpu.dma_semaphore, #tpu.memory_space<semaphore_mem>>)
      %dma_wait3A_105 = arith.constant 0 : i32
      %dma_wait3A_106 = tpu.memref_slice %arg8[%add3A_14, %dma_wait3A_105] : memref<10112x128xf32, #tpu.memory_space<vmem_shared>> -> memref<128x128xf32, #tpu.memory_space<vmem_shared>>
      %dma_wait3A_107 = arith.constant 0 : i32
      %dma_wait3A_108 = tpu.memref_slice %arg8[%add3A_14, %dma_wait3A_107] : memref<10112x128xf32, #tpu.memory_space<vmem_shared>> -> memref<128x128xf32, #tpu.memory_space<vmem_shared>>
      tpu.wait_dma2 semaphore(%run_scoped3A : memref<!tpu.dma_semaphore, #tpu.memory_space<semaphore_mem>>) src(%arg6 : memref<128x128xf32, #tpu.memory_space<vmem>>) dst(%dma_wait3A_108 : memref<128x128xf32, #tpu.memory_space<vmem_shared>>)
      tpu.yield
    }) : () -> ()
    %mul3A_15 = arith.constant 632 : i32
    %mul3A_16 = arith.muli %arg1, %mul3A_15 : i32
    %add3A_17 = arith.constant 384 : i32
    %add3A_18 = arith.addi %mul3A_16, %add3A_17 : i32
    "tpu.region"() ({
      %run_scoped3A = tpu.sem_alloc : memref<!tpu.dma_semaphore, #tpu.memory_space<semaphore_mem>>
      %dma_start3A_101 = arith.constant 0 : i32
      %dma_start3A_102 = tpu.memref_slice %arg8[%add3A_18, %dma_start3A_101] : memref<10112x128xf32, #tpu.memory_space<vmem_shared>> -> memref<128x128xf32, #tpu.memory_space<vmem_shared>>
      %dma_start3A_103 = arith.constant 0 : i32
      %dma_start3A_104 = tpu.memref_slice %arg8[%add3A_18, %dma_start3A_103] : memref<10112x128xf32, #tpu.memory_space<vmem_shared>> -> memref<128x128xf32, #tpu.memory_space<vmem_shared>>
      tpu.enqueue_dma source(%arg6 : memref<128x128xf32, #tpu.memory_space<vmem>>) target(%dma_start3A_104 : memref<128x128xf32, #tpu.memory_space<vmem_shared>>) target_semaphore(%run_scoped3A : memref<!tpu.dma_semaphore, #tpu.memory_space<semaphore_mem>>)
      %dma_wait3A_105 = arith.constant 0 : i32
      %dma_wait3A_106 = tpu.memref_slice %arg8[%add3A_18, %dma_wait3A_105] : memref<10112x128xf32, #tpu.memory_space<vmem_shared>> -> memref<128x128xf32, #tpu.memory_space<vmem_shared>>
      %dma_wait3A_107 = arith.constant 0 : i32
      %dma_wait3A_108 = tpu.memref_slice %arg8[%add3A_18, %dma_wait3A_107] : memref<10112x128xf32, #tpu.memory_space<vmem_shared>> -> memref<128x128xf32, #tpu.memory_space<vmem_shared>>
      tpu.wait_dma2 semaphore(%run_scoped3A : memref<!tpu.dma_semaphore, #tpu.memory_space<semaphore_mem>>) src(%arg6 : memref<128x128xf32, #tpu.memory_space<vmem>>) dst(%dma_wait3A_108 : memref<128x128xf32, #tpu.memory_space<vmem_shared>>)
      tpu.yield
    }) : () -> ()
    %mul3A_19 = arith.constant 632 : i32
    %mul3A_20 = arith.muli %arg1, %mul3A_19 : i32
    %add3A_21 = arith.constant 632 : i32
    %add3A_22 = arith.addi %mul3A_20, %add3A_21 : i32
    %sub3A = arith.constant 120 : i32
    %sub3A_23 = arith.subi %add3A_22, %sub3A : i32
    "tpu.region"() ({
      %run_scoped3A = tpu.sem_alloc : memref<!tpu.dma_semaphore, #tpu.memory_space<semaphore_mem>>
      %dma_start3A_101 = arith.constant 0 : i32
      %dma_start3A_102 = arith.constant 0 : i32
      %dma_start3A_103 = tpu.memref_slice %arg6[%dma_start3A_101, %dma_start3A_102] : memref<128x128xf32, #tpu.memory_space<vmem>> -> memref<120x128xf32, #tpu.memory_space<vmem>>
      %dma_start3A_104 = arith.constant 0 : i32
      %dma_start3A_105 = tpu.memref_slice %arg8[%sub3A_23, %dma_start3A_104] : memref<10112x128xf32, #tpu.memory_space<vmem_shared>> -> memref<120x128xf32, #tpu.memory_space<vmem_shared>>
      %dma_start3A_106 = arith.constant 0 : i32
      %dma_start3A_107 = tpu.memref_slice %arg8[%sub3A_23, %dma_start3A_106] : memref<10112x128xf32, #tpu.memory_space<vmem_shared>> -> memref<120x128xf32, #tpu.memory_space<vmem_shared>>
      %dma_start3A_108 = arith.constant 0 : i32
      %dma_start3A_109 = arith.constant 0 : i32
      %dma_start3A_110 = tpu.memref_slice %arg6[%dma_start3A_108, %dma_start3A_109] : memref<128x128xf32, #tpu.memory_space<vmem>> -> memref<120x128xf32, #tpu.memory_space<vmem>>
      tpu.enqueue_dma source(%dma_start3A_110 : memref<120x128xf32, #tpu.memory_space<vmem>>) target(%dma_start3A_107 : memref<120x128xf32, #tpu.memory_space<vmem_shared>>) target_semaphore(%run_scoped3A : memref<!tpu.dma_semaphore, #tpu.memory_space<semaphore_mem>>)
      %dma_wait3A_111 = arith.constant 0 : i32
      %dma_wait3A_112 = arith.constant 0 : i32
      %dma_wait3A_113 = tpu.memref_slice %arg6[%dma_wait3A_111, %dma_wait3A_112] : memref<128x128xf32, #tpu.memory_space<vmem>> -> memref<120x128xf32, #tpu.memory_space<vmem>>
      %dma_wait3A_114 = arith.constant 0 : i32
      %dma_wait3A_115 = tpu.memref_slice %arg8[%sub3A_23, %dma_wait3A_114] : memref<10112x128xf32, #tpu.memory_space<vmem_shared>> -> memref<120x128xf32, #tpu.memory_space<vmem_shared>>
      %dma_wait3A_116 = arith.constant 0 : i32
      %dma_wait3A_117 = tpu.memref_slice %arg8[%sub3A_23, %dma_wait3A_116] : memref<10112x128xf32, #tpu.memory_space<vmem_shared>> -> memref<120x128xf32, #tpu.memory_space<vmem_shared>>
      %dma_wait3A_118 = arith.constant 0 : i32
      %dma_wait3A_119 = arith.constant 0 : i32
      %dma_wait3A_120 = tpu.memref_slice %arg6[%dma_wait3A_118, %dma_wait3A_119] : memref<128x128xf32, #tpu.memory_space<vmem>> -> memref<120x128xf32, #tpu.memory_space<vmem>>
      tpu.wait_dma2 semaphore(%run_scoped3A : memref<!tpu.dma_semaphore, #tpu.memory_space<semaphore_mem>>) src(%dma_wait3A_120 : memref<120x128xf32, #tpu.memory_space<vmem>>) dst(%dma_wait3A_117 : memref<120x128xf32, #tpu.memory_space<vmem_shared>>)
      tpu.yield
    }) : () -> ()
    %barrier3A = arith.constant 0 : index
    tpu.barrier barrier_id(%barrier3A)
    %eq3A = arith.constant 0 : i32
    %eq3A_24 = arith.cmpi eq, %arg0, %eq3A : i32
    %jit3A = arith.constant 80 : i32
    %jit3A_25 = arith.constant 80 : i32
    %select_n3A = arith.select %eq3A_24, %jit3A, %jit3A_25 : i32
    %mul3A_26 = arith.constant 16 : i32
    %mul3A_27 = arith.muli %arg0, %mul3A_26 : i32
    %mul3A_28 = arith.constant 80 : i32
    %mul3A_29 = arith.muli %mul3A_27, %mul3A_28 : i32
    %mul3A_30 = arith.muli %arg1, %select_n3A : i32
    %add3A_31 = arith.addi %mul3A_29, %mul3A_30 : i32
    %jit3A_32 = arith.constant 4 : i32
    %div3A = arith.divsi %select_n3A, %jit3A_32 : i32
    %sign3A = arith.constant 0 : i32
    %sign3A_33 = arith.cmpi sgt, %select_n3A, %sign3A : i32
    %sign3A_34 = arith.extui %sign3A_33 : i1 to i32
    %sign3A_35 = arith.constant 0 : i32
    %sign3A_36 = arith.cmpi slt, %select_n3A, %sign3A_35 : i32
    %sign3A_37 = arith.extui %sign3A_36 : i1 to i32
    %sign3A_38 = arith.subi %sign3A_34, %sign3A_37 : i32
    %sign3A_39 = arith.constant 0 : i32
    %sign3A_40 = arith.cmpi sgt, %jit3A_32, %sign3A_39 : i32
    %sign3A_41 = arith.extui %sign3A_40 : i1 to i32
    %sign3A_42 = arith.constant 0 : i32
    %sign3A_43 = arith.cmpi slt, %jit3A_32, %sign3A_42 : i32
    %sign3A_44 = arith.extui %sign3A_43 : i1 to i32
    %sign3A_45 = arith.subi %sign3A_41, %sign3A_44 : i32
    %ne3A = arith.cmpi ne, %sign3A_38, %sign3A_45 : i32
    %rem3A = arith.remsi %select_n3A, %jit3A_32 : i32
    %ne3A_46 = arith.constant 0 : i32
    %ne3A_47 = arith.cmpi ne, %rem3A, %ne3A_46 : i32
    %and3A = arith.andi %ne3A, %ne3A_47 : i1
    %sub3A_48 = arith.constant 1 : i32
    %sub3A_49 = arith.subi %div3A, %sub3A_48 : i32
    %select_n3A_50 = arith.select %and3A, %sub3A_49, %div3A : i32
    %sub3A_51 = arith.constant 1 : i32
    %sub3A_52 = arith.subi %select_n3A_50, %sub3A_51 : i32
    %mul3A_53 = arith.constant 4 : i32
    %mul3A_54 = arith.muli %mul3A_53, %sub3A_52 : i32
    %add3A_55 = arith.addi %add3A_31, %mul3A_54 : i32
    %mul3A_56 = arith.constant 2 : i32
    %mul3A_57 = arith.muli %mul3A_56, %add3A_55 : i32
    %mul3A_58 = arith.constant 2 : i32
    %mul3A_59 = arith.muli %mul3A_58, %add3A_31 : i32
    %dma_start3A = arith.constant 0 : i32
    %dma_start3A_60 = arith.constant 0 : i32
    %dma_start3A_61 = arith.constant 0 : i32
    %dma_start3A_62 = tpu.memref_slice %arg5[%dma_start3A, %dma_start3A_60, %dma_start3A_61] : memref<2x8x128xi32, #tpu.memory_space<vmem>> -> memref<1x8x128xi32, #tpu.memory_space<vmem>>
    %dma_start3A_63 = tpu.memref_squeeze %dma_start3A_62 : memref<1x8x128xi32, #tpu.memory_space<vmem>> -> memref<8x128xi32, #tpu.memory_space<vmem>>
    %dma_start3A_64 = arith.constant 0 : i32
    %dma_start3A_65 = tpu.memref_slice %arg3[%mul3A_59, %dma_start3A_64] : memref<5120x128xi32, #tpu.memory_space<hbm>> -> memref<8x128xi32, #tpu.memory_space<hbm>>
    %dma_start3A_66 = arith.constant 0 : i32
    %dma_start3A_67 = arith.constant 0 : i32
    %dma_start3A_68 = tpu.memref_slice %arg5[%dma_start3A, %dma_start3A_66, %dma_start3A_67] : memref<2x8x128xi32, #tpu.memory_space<vmem>> -> memref<1x8x128xi32, #tpu.memory_space<vmem>>
    %dma_start3A_69 = tpu.memref_squeeze %dma_start3A_68 : memref<1x8x128xi32, #tpu.memory_space<vmem>> -> memref<8x128xi32, #tpu.memory_space<vmem>>
    %dma_start3A_70 = arith.constant 0 : i32
    %dma_start3A_71 = tpu.memref_slice %arg3[%mul3A_59, %dma_start3A_70] : memref<5120x128xi32, #tpu.memory_space<hbm>> -> memref<8x128xi32, #tpu.memory_space<hbm>>
    tpu.enqueue_dma source(%dma_start3A_71 : memref<8x128xi32, #tpu.memory_space<hbm>>) target(%dma_start3A_69 : memref<8x128xi32, #tpu.memory_space<vmem>>) target_semaphore(%arg11 : memref<!tpu.dma_semaphore, #tpu.memory_space<semaphore_mem>>)
    %while3A = arith.constant 0 : i32
    %while3A_72 = arith.constant 0 : i32
    %while3A_73 = arith.subi %select_n3A_50, %while3A_72 : i32
    %while3A_74 = arith.addi %while3A_72, %while3A_73 : i32
    %while3A_75 = arith.constant 1 : i32
    %while3A_76 = arith.divsi %while3A_73, %while3A_75 : i32
    %while3A_77 = arith.muli %while3A_76, %while3A_75 : i32
    %while3A_78 = arith.addi %while3A_72, %while3A_77 : i32
    %while3A_79 = arith.constant 1 : i32
    scf.for %while3A_101 = %while3A_72 to %while3A_78 step %while3A_79  : i32 {
      %rem3A_102 = arith.constant 2 : i32
      %rem3A_103 = arith.remsi %while3A_101, %rem3A_102 : i32
      %add3A_104 = arith.constant 1 : i32
      %add3A_105 = arith.addi %while3A_101, %add3A_104 : i32
      %rem3A_106 = arith.constant 2 : i32
      %rem3A_107 = arith.remsi %add3A_105, %rem3A_106 : i32
      %mul3A_108 = arith.constant 4 : i32
      %mul3A_109 = arith.muli %mul3A_108, %while3A_101 : i32
      %add3A_110 = arith.addi %add3A_31, %mul3A_109 : i32
      %mul3A_111 = arith.constant 2 : i32
      %mul3A_112 = arith.muli %mul3A_111, %add3A_110 : i32
      %dma_wait3A_113 = arith.constant 0 : i32
      %dma_wait3A_114 = arith.constant 0 : i32
      %dma_wait3A_115 = tpu.memref_slice %arg5[%rem3A_103, %dma_wait3A_113, %dma_wait3A_114] : memref<2x8x128xi32, #tpu.memory_space<vmem>> -> memref<1x8x128xi32, #tpu.memory_space<vmem>>
      %dma_wait3A_116 = tpu.memref_squeeze %dma_wait3A_115 : memref<1x8x128xi32, #tpu.memory_space<vmem>> -> memref<8x128xi32, #tpu.memory_space<vmem>>
      %dma_wait3A_117 = arith.constant 0 : i32
      %dma_wait3A_118 = tpu.memref_slice %arg3[%mul3A_112, %dma_wait3A_117] : memref<5120x128xi32, #tpu.memory_space<hbm>> -> memref<8x128xi32, #tpu.memory_space<hbm>>
      %dma_wait3A_119 = arith.constant 0 : i32
      %dma_wait3A_120 = arith.constant 0 : i32
      %dma_wait3A_121 = tpu.memref_slice %arg5[%rem3A_103, %dma_wait3A_119, %dma_wait3A_120] : memref<2x8x128xi32, #tpu.memory_space<vmem>> -> memref<1x8x128xi32, #tpu.memory_space<vmem>>
      %dma_wait3A_122 = tpu.memref_squeeze %dma_wait3A_121 : memref<1x8x128xi32, #tpu.memory_space<vmem>> -> memref<8x128xi32, #tpu.memory_space<vmem>>
      %dma_wait3A_123 = arith.constant 0 : i32
      %dma_wait3A_124 = tpu.memref_slice %arg3[%mul3A_112, %dma_wait3A_123] : memref<5120x128xi32, #tpu.memory_space<hbm>> -> memref<8x128xi32, #tpu.memory_space<hbm>>
      tpu.wait_dma2 semaphore(%arg11 : memref<!tpu.dma_semaphore, #tpu.memory_space<semaphore_mem>>) src(%dma_wait3A_124 : memref<8x128xi32, #tpu.memory_space<hbm>>) dst(%dma_wait3A_122 : memref<8x128xi32, #tpu.memory_space<vmem>>)
      %add3A_125 = arith.constant 8 : i32
      %add3A_126 = arith.addi %mul3A_112, %add3A_125 : i32
      %min3A = arith.minsi %add3A_126, %mul3A_57 : i32
      %dma_start3A_127 = arith.constant 0 : i32
      %dma_start3A_128 = arith.constant 0 : i32
      %dma_start3A_129 = tpu.memref_slice %arg5[%rem3A_107, %dma_start3A_127, %dma_start3A_128] : memref<2x8x128xi32, #tpu.memory_space<vmem>> -> memref<1x8x128xi32, #tpu.memory_space<vmem>>
      %dma_start3A_130 = tpu.memref_squeeze %dma_start3A_129 : memref<1x8x128xi32, #tpu.memory_space<vmem>> -> memref<8x128xi32, #tpu.memory_space<vmem>>
      %dma_start3A_131 = arith.constant 0 : i32
      %dma_start3A_132 = tpu.memref_slice %arg3[%min3A, %dma_start3A_131] : memref<5120x128xi32, #tpu.memory_space<hbm>> -> memref<8x128xi32, #tpu.memory_space<hbm>>
      %dma_start3A_133 = arith.constant 0 : i32
      %dma_start3A_134 = arith.constant 0 : i32
      %dma_start3A_135 = tpu.memref_slice %arg5[%rem3A_107, %dma_start3A_133, %dma_start3A_134] : memref<2x8x128xi32, #tpu.memory_space<vmem>> -> memref<1x8x128xi32, #tpu.memory_space<vmem>>
      %dma_start3A_136 = tpu.memref_squeeze %dma_start3A_135 : memref<1x8x128xi32, #tpu.memory_space<vmem>> -> memref<8x128xi32, #tpu.memory_space<vmem>>
      %dma_start3A_137 = arith.constant 0 : i32
      %dma_start3A_138 = tpu.memref_slice %arg3[%min3A, %dma_start3A_137] : memref<5120x128xi32, #tpu.memory_space<hbm>> -> memref<8x128xi32, #tpu.memory_space<hbm>>
      tpu.enqueue_dma source(%dma_start3A_138 : memref<8x128xi32, #tpu.memory_space<hbm>>) target(%dma_start3A_136 : memref<8x128xi32, #tpu.memory_space<vmem>>) target_semaphore(%arg11 : memref<!tpu.dma_semaphore, #tpu.memory_space<semaphore_mem>>)
      %dma_start3A_139 = arith.constant 0 : i32
      %dma_start3A_140 = arith.constant 0 : i32
      %dma_start3A_141 = arith.constant 0 : i32
      %dma_start3A_142 = tpu.memref_slice %arg5[%rem3A_103, %dma_start3A_140, %dma_start3A_141] : memref<2x8x128xi32, #tpu.memory_space<vmem>> -> memref<1x8x128xi32, #tpu.memory_space<vmem>>
      %dma_start3A_143 = tpu.memref_squeeze %dma_start3A_142 : memref<1x8x128xi32, #tpu.memory_space<vmem>> -> memref<8x128xi32, #tpu.memory_space<vmem>>
      %dma_start3A_144 = arith.constant 0 : i32
      %dma_start3A_145 = tpu.memref_slice %dma_start3A_143[%dma_start3A_139, %dma_start3A_144] : memref<8x128xi32, #tpu.memory_space<vmem>> -> memref<1x128xi32, #tpu.memory_space<vmem>>
      %dma_start3A_146 = tpu.memref_squeeze %dma_start3A_145 : memref<1x128xi32, #tpu.memory_space<vmem>> -> memref<128xi32, #tpu.memory_space<vmem>>
      %dma_start3A_147 = arith.constant 0 : i32
      %dma_start3A_148 = arith.constant 0 : i32
      %dma_start3A_149 = tpu.memref_slice %arg2[%dma_start3A_147, %dma_start3A_148] : memref<10000x128xf32, #tpu.memory_space<hbm>> -> memref<10000x128xf32, #tpu.memory_space<hbm>>
      tpu.enqueue_indirect_dma source(%dma_start3A_149 : memref<10000x128xf32, #tpu.memory_space<hbm>>) target(%arg6 : memref<128x128xf32, #tpu.memory_space<vmem>>) offsets(%dma_start3A_146 : memref<128xi32, #tpu.memory_space<vmem>>) semaphore(%arg9 : memref<!tpu.dma_semaphore, #tpu.memory_space<semaphore_mem>>)
      %dma_start3A_150 = arith.constant 1 : i32
      %dma_start3A_151 = arith.constant 0 : i32
      %dma_start3A_152 = arith.constant 0 : i32
      %dma_start3A_153 = tpu.memref_slice %arg5[%rem3A_103, %dma_start3A_151, %dma_start3A_152] : memref<2x8x128xi32, #tpu.memory_space<vmem>> -> memref<1x8x128xi32, #tpu.memory_space<vmem>>
      %dma_start3A_154 = tpu.memref_squeeze %dma_start3A_153 : memref<1x8x128xi32, #tpu.memory_space<vmem>> -> memref<8x128xi32, #tpu.memory_space<vmem>>
      %dma_start3A_155 = arith.constant 0 : i32
      %dma_start3A_156 = tpu.memref_slice %dma_start3A_154[%dma_start3A_150, %dma_start3A_155] : memref<8x128xi32, #tpu.memory_space<vmem>> -> memref<1x128xi32, #tpu.memory_space<vmem>>
      %dma_start3A_157 = tpu.memref_squeeze %dma_start3A_156 : memref<1x128xi32, #tpu.memory_space<vmem>> -> memref<128xi32, #tpu.memory_space<vmem>>
      %dma_start3A_158 = arith.constant 0 : i32
      %dma_start3A_159 = arith.constant 0 : i32
      %dma_start3A_160 = tpu.memref_slice %arg2[%dma_start3A_158, %dma_start3A_159] : memref<10000x128xf32, #tpu.memory_space<hbm>> -> memref<10000x128xf32, #tpu.memory_space<hbm>>
      tpu.enqueue_indirect_dma source(%dma_start3A_160 : memref<10000x128xf32, #tpu.memory_space<hbm>>) target(%arg7 : memref<128x128xf32, #tpu.memory_space<vmem>>) offsets(%dma_start3A_157 : memref<128xi32, #tpu.memory_space<vmem>>) semaphore(%arg10 : memref<!tpu.dma_semaphore, #tpu.memory_space<semaphore_mem>>)
      %dma_wait3A_161 = arith.constant 0 : i32
      %dma_wait3A_162 = arith.constant 0 : i32
      %dma_wait3A_163 = arith.constant 0 : i32
      %dma_wait3A_164 = tpu.memref_slice %arg5[%rem3A_103, %dma_wait3A_162, %dma_wait3A_163] : memref<2x8x128xi32, #tpu.memory_space<vmem>> -> memref<1x8x128xi32, #tpu.memory_space<vmem>>
      %dma_wait3A_165 = tpu.memref_squeeze %dma_wait3A_164 : memref<1x8x128xi32, #tpu.memory_space<vmem>> -> memref<8x128xi32, #tpu.memory_space<vmem>>
      %dma_wait3A_166 = arith.constant 0 : i32
      %dma_wait3A_167 = tpu.memref_slice %dma_wait3A_165[%dma_wait3A_161, %dma_wait3A_166] : memref<8x128xi32, #tpu.memory_space<vmem>> -> memref<1x128xi32, #tpu.memory_space<vmem>>
      %dma_wait3A_168 = tpu.memref_squeeze %dma_wait3A_167 : memref<1x128xi32, #tpu.memory_space<vmem>> -> memref<128xi32, #tpu.memory_space<vmem>>
      %dma_wait3A_169 = arith.constant 0 : i32
      %dma_wait3A_170 = arith.constant 0 : i32
      %dma_wait3A_171 = tpu.memref_slice %arg2[%dma_wait3A_169, %dma_wait3A_170] : memref<10000x128xf32, #tpu.memory_space<hbm>> -> memref<10000x128xf32, #tpu.memory_space<hbm>>
      tpu.wait_indirect_dma semaphore(%arg9 : memref<!tpu.dma_semaphore, #tpu.memory_space<semaphore_mem>>) src(%dma_wait3A_171 : memref<10000x128xf32, #tpu.memory_space<hbm>>) dst(%arg6 : memref<128x128xf32, #tpu.memory_space<vmem>>)
      %run_scoped3A = arith.constant 4 : i32
      "tpu.region"() ({
        %run_scoped3A_230 = tpu.sem_alloc : memref<!tpu.dma_semaphore, #tpu.memory_space<semaphore_mem>>
        %dma_start3A_231 = arith.constant 0 : i32
        %dma_start3A_232 = arith.constant 0 : i32
        %dma_start3A_233 = tpu.memref_slice %arg5[%rem3A_103, %dma_start3A_231, %dma_start3A_232] : memref<2x8x128xi32, #tpu.memory_space<vmem>> -> memref<1x8x128xi32, #tpu.memory_space<vmem>>
        %dma_start3A_234 = tpu.memref_squeeze %dma_start3A_233 : memref<1x8x128xi32, #tpu.memory_space<vmem>> -> memref<8x128xi32, #tpu.memory_space<vmem>>
        %dma_start3A_235 = arith.constant 0 : i32
        %dma_start3A_236 = tpu.memref_slice %dma_start3A_234[%run_scoped3A, %dma_start3A_235] : memref<8x128xi32, #tpu.memory_space<vmem>> -> memref<1x128xi32, #tpu.memory_space<vmem>>
        %dma_start3A_237 = tpu.memref_squeeze %dma_start3A_236 : memref<1x128xi32, #tpu.memory_space<vmem>> -> memref<128xi32, #tpu.memory_space<vmem>>
        %dma_start3A_238 = arith.constant 0 : i32
        %dma_start3A_239 = arith.constant 0 : i32
        %dma_start3A_240 = tpu.memref_slice %arg8[%dma_start3A_238, %dma_start3A_239] : memref<10112x128xf32, #tpu.memory_space<vmem_shared>> -> memref<10112x128xf32, #tpu.memory_space<vmem_shared>>
        tpu.enqueue_indirect_dma source(%arg6 : memref<128x128xf32, #tpu.memory_space<vmem>>) target(%dma_start3A_240 : memref<10112x128xf32, #tpu.memory_space<vmem_shared>>) offsets(%dma_start3A_237 : memref<128xi32, #tpu.memory_space<vmem>>) semaphore(%run_scoped3A_230 : memref<!tpu.dma_semaphore, #tpu.memory_space<semaphore_mem>>) {add = true}
        %dma_wait3A_241 = arith.constant 0 : i32
        %dma_wait3A_242 = arith.constant 0 : i32
        %dma_wait3A_243 = tpu.memref_slice %arg5[%rem3A_103, %dma_wait3A_241, %dma_wait3A_242] : memref<2x8x128xi32, #tpu.memory_space<vmem>> -> memref<1x8x128xi32, #tpu.memory_space<vmem>>
        %dma_wait3A_244 = tpu.memref_squeeze %dma_wait3A_243 : memref<1x8x128xi32, #tpu.memory_space<vmem>> -> memref<8x128xi32, #tpu.memory_space<vmem>>
        %dma_wait3A_245 = arith.constant 0 : i32
        %dma_wait3A_246 = tpu.memref_slice %dma_wait3A_244[%run_scoped3A, %dma_wait3A_245] : memref<8x128xi32, #tpu.memory_space<vmem>> -> memref<1x128xi32, #tpu.memory_space<vmem>>
        %dma_wait3A_247 = tpu.memref_squeeze %dma_wait3A_246 : memref<1x128xi32, #tpu.memory_space<vmem>> -> memref<128xi32, #tpu.memory_space<vmem>>
        %dma_wait3A_248 = arith.constant 0 : i32
        %dma_wait3A_249 = arith.constant 0 : i32
        %dma_wait3A_250 = tpu.memref_slice %arg8[%dma_wait3A_248, %dma_wait3A_249] : memref<10112x128xf32, #tpu.memory_space<vmem_shared>> -> memref<10112x128xf32, #tpu.memory_space<vmem_shared>>
        tpu.wait_indirect_dma semaphore(%run_scoped3A_230 : memref<!tpu.dma_semaphore, #tpu.memory_space<semaphore_mem>>) src(%arg6 : memref<128x128xf32, #tpu.memory_space<vmem>>) dst(%dma_wait3A_250 : memref<10112x128xf32, #tpu.memory_space<vmem_shared>>)
        tpu.yield
      }) : () -> ()
      %dma_start3A_172 = arith.constant 2 : i32
      %dma_start3A_173 = arith.constant 0 : i32
      %dma_start3A_174 = arith.constant 0 : i32
      %dma_start3A_175 = tpu.memref_slice %arg5[%rem3A_103, %dma_start3A_173, %dma_start3A_174] : memref<2x8x128xi32, #tpu.memory_space<vmem>> -> memref<1x8x128xi32, #tpu.memory_space<vmem>>
      %dma_start3A_176 = tpu.memref_squeeze %dma_start3A_175 : memref<1x8x128xi32, #tpu.memory_space<vmem>> -> memref<8x128xi32, #tpu.memory_space<vmem>>
      %dma_start3A_177 = arith.constant 0 : i32
      %dma_start3A_178 = tpu.memref_slice %dma_start3A_176[%dma_start3A_172, %dma_start3A_177] : memref<8x128xi32, #tpu.memory_space<vmem>> -> memref<1x128xi32, #tpu.memory_space<vmem>>
      %dma_start3A_179 = tpu.memref_squeeze %dma_start3A_178 : memref<1x128xi32, #tpu.memory_space<vmem>> -> memref<128xi32, #tpu.memory_space<vmem>>
      %dma_start3A_180 = arith.constant 0 : i32
      %dma_start3A_181 = arith.constant 0 : i32
      %dma_start3A_182 = tpu.memref_slice %arg2[%dma_start3A_180, %dma_start3A_181] : memref<10000x128xf32, #tpu.memory_space<hbm>> -> memref<10000x128xf32, #tpu.memory_space<hbm>>
      tpu.enqueue_indirect_dma source(%dma_start3A_182 : memref<10000x128xf32, #tpu.memory_space<hbm>>) target(%arg6 : memref<128x128xf32, #tpu.memory_space<vmem>>) offsets(%dma_start3A_179 : memref<128xi32, #tpu.memory_space<vmem>>) semaphore(%arg9 : memref<!tpu.dma_semaphore, #tpu.memory_space<semaphore_mem>>)
      %dma_wait3A_183 = arith.constant 1 : i32
      %dma_wait3A_184 = arith.constant 0 : i32
      %dma_wait3A_185 = arith.constant 0 : i32
      %dma_wait3A_186 = tpu.memref_slice %arg5[%rem3A_103, %dma_wait3A_184, %dma_wait3A_185] : memref<2x8x128xi32, #tpu.memory_space<vmem>> -> memref<1x8x128xi32, #tpu.memory_space<vmem>>
      %dma_wait3A_187 = tpu.memref_squeeze %dma_wait3A_186 : memref<1x8x128xi32, #tpu.memory_space<vmem>> -> memref<8x128xi32, #tpu.memory_space<vmem>>
      %dma_wait3A_188 = arith.constant 0 : i32
      %dma_wait3A_189 = tpu.memref_slice %dma_wait3A_187[%dma_wait3A_183, %dma_wait3A_188] : memref<8x128xi32, #tpu.memory_space<vmem>> -> memref<1x128xi32, #tpu.memory_space<vmem>>
      %dma_wait3A_190 = tpu.memref_squeeze %dma_wait3A_189 : memref<1x128xi32, #tpu.memory_space<vmem>> -> memref<128xi32, #tpu.memory_space<vmem>>
      %dma_wait3A_191 = arith.constant 0 : i32
      %dma_wait3A_192 = arith.constant 0 : i32
      %dma_wait3A_193 = tpu.memref_slice %arg2[%dma_wait3A_191, %dma_wait3A_192] : memref<10000x128xf32, #tpu.memory_space<hbm>> -> memref<10000x128xf32, #tpu.memory_space<hbm>>
      tpu.wait_indirect_dma semaphore(%arg10 : memref<!tpu.dma_semaphore, #tpu.memory_space<semaphore_mem>>) src(%dma_wait3A_193 : memref<10000x128xf32, #tpu.memory_space<hbm>>) dst(%arg7 : memref<128x128xf32, #tpu.memory_space<vmem>>)
      %run_scoped3A_194 = arith.constant 5 : i32
      "tpu.region"() ({
        %run_scoped3A_230 = tpu.sem_alloc : memref<!tpu.dma_semaphore, #tpu.memory_space<semaphore_mem>>
        %dma_start3A_231 = arith.constant 0 : i32
        %dma_start3A_232 = arith.constant 0 : i32
        %dma_start3A_233 = tpu.memref_slice %arg5[%rem3A_103, %dma_start3A_231, %dma_start3A_232] : memref<2x8x128xi32, #tpu.memory_space<vmem>> -> memref<1x8x128xi32, #tpu.memory_space<vmem>>
        %dma_start3A_234 = tpu.memref_squeeze %dma_start3A_233 : memref<1x8x128xi32, #tpu.memory_space<vmem>> -> memref<8x128xi32, #tpu.memory_space<vmem>>
        %dma_start3A_235 = arith.constant 0 : i32
        %dma_start3A_236 = tpu.memref_slice %dma_start3A_234[%run_scoped3A_194, %dma_start3A_235] : memref<8x128xi32, #tpu.memory_space<vmem>> -> memref<1x128xi32, #tpu.memory_space<vmem>>
        %dma_start3A_237 = tpu.memref_squeeze %dma_start3A_236 : memref<1x128xi32, #tpu.memory_space<vmem>> -> memref<128xi32, #tpu.memory_space<vmem>>
        %dma_start3A_238 = arith.constant 0 : i32
        %dma_start3A_239 = arith.constant 0 : i32
        %dma_start3A_240 = tpu.memref_slice %arg8[%dma_start3A_238, %dma_start3A_239] : memref<10112x128xf32, #tpu.memory_space<vmem_shared>> -> memref<10112x128xf32, #tpu.memory_space<vmem_shared>>
        tpu.enqueue_indirect_dma source(%arg7 : memref<128x128xf32, #tpu.memory_space<vmem>>) target(%dma_start3A_240 : memref<10112x128xf32, #tpu.memory_space<vmem_shared>>) offsets(%dma_start3A_237 : memref<128xi32, #tpu.memory_space<vmem>>) semaphore(%run_scoped3A_230 : memref<!tpu.dma_semaphore, #tpu.memory_space<semaphore_mem>>) {add = true}
        %dma_wait3A_241 = arith.constant 0 : i32
        %dma_wait3A_242 = arith.constant 0 : i32
        %dma_wait3A_243 = tpu.memref_slice %arg5[%rem3A_103, %dma_wait3A_241, %dma_wait3A_242] : memref<2x8x128xi32, #tpu.memory_space<vmem>> -> memref<1x8x128xi32, #tpu.memory_space<vmem>>
        %dma_wait3A_244 = tpu.memref_squeeze %dma_wait3A_243 : memref<1x8x128xi32, #tpu.memory_space<vmem>> -> memref<8x128xi32, #tpu.memory_space<vmem>>
        %dma_wait3A_245 = arith.constant 0 : i32
        %dma_wait3A_246 = tpu.memref_slice %dma_wait3A_244[%run_scoped3A_194, %dma_wait3A_245] : memref<8x128xi32, #tpu.memory_space<vmem>> -> memref<1x128xi32, #tpu.memory_space<vmem>>
        %dma_wait3A_247 = tpu.memref_squeeze %dma_wait3A_246 : memref<1x128xi32, #tpu.memory_space<vmem>> -> memref<128xi32, #tpu.memory_space<vmem>>
        %dma_wait3A_248 = arith.constant 0 : i32
        %dma_wait3A_249 = arith.constant 0 : i32
        %dma_wait3A_250 = tpu.memref_slice %arg8[%dma_wait3A_248, %dma_wait3A_249] : memref<10112x128xf32, #tpu.memory_space<vmem_shared>> -> memref<10112x128xf32, #tpu.memory_space<vmem_shared>>
        tpu.wait_indirect_dma semaphore(%run_scoped3A_230 : memref<!tpu.dma_semaphore, #tpu.memory_space<semaphore_mem>>) src(%arg7 : memref<128x128xf32, #tpu.memory_space<vmem>>) dst(%dma_wait3A_250 : memref<10112x128xf32, #tpu.memory_space<vmem_shared>>)
        tpu.yield
      }) : () -> ()
      %dma_start3A_195 = arith.constant 3 : i32
      %dma_start3A_196 = arith.constant 0 : i32
      %dma_start3A_197 = arith.constant 0 : i32
      %dma_start3A_198 = tpu.memref_slice %arg5[%rem3A_103, %dma_start3A_196, %dma_start3A_197] : memref<2x8x128xi32, #tpu.memory_space<vmem>> -> memref<1x8x128xi32, #tpu.memory_space<vmem>>
      %dma_start3A_199 = tpu.memref_squeeze %dma_start3A_198 : memref<1x8x128xi32, #tpu.memory_space<vmem>> -> memref<8x128xi32, #tpu.memory_space<vmem>>
      %dma_start3A_200 = arith.constant 0 : i32
      %dma_start3A_201 = tpu.memref_slice %dma_start3A_199[%dma_start3A_195, %dma_start3A_200] : memref<8x128xi32, #tpu.memory_space<vmem>> -> memref<1x128xi32, #tpu.memory_space<vmem>>
      %dma_start3A_202 = tpu.memref_squeeze %dma_start3A_201 : memref<1x128xi32, #tpu.memory_space<vmem>> -> memref<128xi32, #tpu.memory_space<vmem>>
      %dma_start3A_203 = arith.constant 0 : i32
      %dma_start3A_204 = arith.constant 0 : i32
      %dma_start3A_205 = tpu.memref_slice %arg2[%dma_start3A_203, %dma_start3A_204] : memref<10000x128xf32, #tpu.memory_space<hbm>> -> memref<10000x128xf32, #tpu.memory_space<hbm>>
      tpu.enqueue_indirect_dma source(%dma_start3A_205 : memref<10000x128xf32, #tpu.memory_space<hbm>>) target(%arg7 : memref<128x128xf32, #tpu.memory_space<vmem>>) offsets(%dma_start3A_202 : memref<128xi32, #tpu.memory_space<vmem>>) semaphore(%arg10 : memref<!tpu.dma_semaphore, #tpu.memory_space<semaphore_mem>>)
      %dma_wait3A_206 = arith.constant 2 : i32
      %dma_wait3A_207 = arith.constant 0 : i32
      %dma_wait3A_208 = arith.constant 0 : i32
      %dma_wait3A_209 = tpu.memref_slice %arg5[%rem3A_103, %dma_wait3A_207, %dma_wait3A_208] : memref<2x8x128xi32, #tpu.memory_space<vmem>> -> memref<1x8x128xi32, #tpu.memory_space<vmem>>
      %dma_wait3A_210 = tpu.memref_squeeze %dma_wait3A_209 : memref<1x8x128xi32, #tpu.memory_space<vmem>> -> memref<8x128xi32, #tpu.memory_space<vmem>>
      %dma_wait3A_211 = arith.constant 0 : i32
      %dma_wait3A_212 = tpu.memref_slice %dma_wait3A_210[%dma_wait3A_206, %dma_wait3A_211] : memref<8x128xi32, #tpu.memory_space<vmem>> -> memref<1x128xi32, #tpu.memory_space<vmem>>
      %dma_wait3A_213 = tpu.memref_squeeze %dma_wait3A_212 : memref<1x128xi32, #tpu.memory_space<vmem>> -> memref<128xi32, #tpu.memory_space<vmem>>
      %dma_wait3A_214 = arith.constant 0 : i32
      %dma_wait3A_215 = arith.constant 0 : i32
      %dma_wait3A_216 = tpu.memref_slice %arg2[%dma_wait3A_214, %dma_wait3A_215] : memref<10000x128xf32, #tpu.memory_space<hbm>> -> memref<10000x128xf32, #tpu.memory_space<hbm>>
      tpu.wait_indirect_dma semaphore(%arg9 : memref<!tpu.dma_semaphore, #tpu.memory_space<semaphore_mem>>) src(%dma_wait3A_216 : memref<10000x128xf32, #tpu.memory_space<hbm>>) dst(%arg6 : memref<128x128xf32, #tpu.memory_space<vmem>>)
      %run_scoped3A_217 = arith.constant 6 : i32
      "tpu.region"() ({
        %run_scoped3A_230 = tpu.sem_alloc : memref<!tpu.dma_semaphore, #tpu.memory_space<semaphore_mem>>
        %dma_start3A_231 = arith.constant 0 : i32
        %dma_start3A_232 = arith.constant 0 : i32
        %dma_start3A_233 = tpu.memref_slice %arg5[%rem3A_103, %dma_start3A_231, %dma_start3A_232] : memref<2x8x128xi32, #tpu.memory_space<vmem>> -> memref<1x8x128xi32, #tpu.memory_space<vmem>>
        %dma_start3A_234 = tpu.memref_squeeze %dma_start3A_233 : memref<1x8x128xi32, #tpu.memory_space<vmem>> -> memref<8x128xi32, #tpu.memory_space<vmem>>
        %dma_start3A_235 = arith.constant 0 : i32
        %dma_start3A_236 = tpu.memref_slice %dma_start3A_234[%run_scoped3A_217, %dma_start3A_235] : memref<8x128xi32, #tpu.memory_space<vmem>> -> memref<1x128xi32, #tpu.memory_space<vmem>>
        %dma_start3A_237 = tpu.memref_squeeze %dma_start3A_236 : memref<1x128xi32, #tpu.memory_space<vmem>> -> memref<128xi32, #tpu.memory_space<vmem>>
        %dma_start3A_238 = arith.constant 0 : i32
        %dma_start3A_239 = arith.constant 0 : i32
        %dma_start3A_240 = tpu.memref_slice %arg8[%dma_start3A_238, %dma_start3A_239] : memref<10112x128xf32, #tpu.memory_space<vmem_shared>> -> memref<10112x128xf32, #tpu.memory_space<vmem_shared>>
        tpu.enqueue_indirect_dma source(%arg6 : memref<128x128xf32, #tpu.memory_space<vmem>>) target(%dma_start3A_240 : memref<10112x128xf32, #tpu.memory_space<vmem_shared>>) offsets(%dma_start3A_237 : memref<128xi32, #tpu.memory_space<vmem>>) semaphore(%run_scoped3A_230 : memref<!tpu.dma_semaphore, #tpu.memory_space<semaphore_mem>>) {add = true}
        %dma_wait3A_241 = arith.constant 0 : i32
        %dma_wait3A_242 = arith.constant 0 : i32
        %dma_wait3A_243 = tpu.memref_slice %arg5[%rem3A_103, %dma_wait3A_241, %dma_wait3A_242] : memref<2x8x128xi32, #tpu.memory_space<vmem>> -> memref<1x8x128xi32, #tpu.memory_space<vmem>>
        %dma_wait3A_244 = tpu.memref_squeeze %dma_wait3A_243 : memref<1x8x128xi32, #tpu.memory_space<vmem>> -> memref<8x128xi32, #tpu.memory_space<vmem>>
        %dma_wait3A_245 = arith.constant 0 : i32
        %dma_wait3A_246 = tpu.memref_slice %dma_wait3A_244[%run_scoped3A_217, %dma_wait3A_245] : memref<8x128xi32, #tpu.memory_space<vmem>> -> memref<1x128xi32, #tpu.memory_space<vmem>>
        %dma_wait3A_247 = tpu.memref_squeeze %dma_wait3A_246 : memref<1x128xi32, #tpu.memory_space<vmem>> -> memref<128xi32, #tpu.memory_space<vmem>>
        %dma_wait3A_248 = arith.constant 0 : i32
        %dma_wait3A_249 = arith.constant 0 : i32
        %dma_wait3A_250 = tpu.memref_slice %arg8[%dma_wait3A_248, %dma_wait3A_249] : memref<10112x128xf32, #tpu.memory_space<vmem_shared>> -> memref<10112x128xf32, #tpu.memory_space<vmem_shared>>
        tpu.wait_indirect_dma semaphore(%run_scoped3A_230 : memref<!tpu.dma_semaphore, #tpu.memory_space<semaphore_mem>>) src(%arg6 : memref<128x128xf32, #tpu.memory_space<vmem>>) dst(%dma_wait3A_250 : memref<10112x128xf32, #tpu.memory_space<vmem_shared>>)
        tpu.yield
      }) : () -> ()
      %dma_wait3A_218 = arith.constant 3 : i32
      %dma_wait3A_219 = arith.constant 0 : i32
      %dma_wait3A_220 = arith.constant 0 : i32
      %dma_wait3A_221 = tpu.memref_slice %arg5[%rem3A_103, %dma_wait3A_219, %dma_wait3A_220] : memref<2x8x128xi32, #tpu.memory_space<vmem>> -> memref<1x8x128xi32, #tpu.memory_space<vmem>>
      %dma_wait3A_222 = tpu.memref_squeeze %dma_wait3A_221 : memref<1x8x128xi32, #tpu.memory_space<vmem>> -> memref<8x128xi32, #tpu.memory_space<vmem>>
      %dma_wait3A_223 = arith.constant 0 : i32
      %dma_wait3A_224 = tpu.memref_slice %dma_wait3A_222[%dma_wait3A_218, %dma_wait3A_223] : memref<8x128xi32, #tpu.memory_space<vmem>> -> memref<1x128xi32, #tpu.memory_space<vmem>>
      %dma_wait3A_225 = tpu.memref_squeeze %dma_wait3A_224 : memref<1x128xi32, #tpu.memory_space<vmem>> -> memref<128xi32, #tpu.memory_space<vmem>>
      %dma_wait3A_226 = arith.constant 0 : i32
      %dma_wait3A_227 = arith.constant 0 : i32
      %dma_wait3A_228 = tpu.memref_slice %arg2[%dma_wait3A_226, %dma_wait3A_227] : memref<10000x128xf32, #tpu.memory_space<hbm>> -> memref<10000x128xf32, #tpu.memory_space<hbm>>
      tpu.wait_indirect_dma semaphore(%arg10 : memref<!tpu.dma_semaphore, #tpu.memory_space<semaphore_mem>>) src(%dma_wait3A_228 : memref<10000x128xf32, #tpu.memory_space<hbm>>) dst(%arg7 : memref<128x128xf32, #tpu.memory_space<vmem>>)
      %run_scoped3A_229 = arith.constant 7 : i32
      "tpu.region"() ({
        %run_scoped3A_230 = tpu.sem_alloc : memref<!tpu.dma_semaphore, #tpu.memory_space<semaphore_mem>>
        %dma_start3A_231 = arith.constant 0 : i32
        %dma_start3A_232 = arith.constant 0 : i32
        %dma_start3A_233 = tpu.memref_slice %arg5[%rem3A_103, %dma_start3A_231, %dma_start3A_232] : memref<2x8x128xi32, #tpu.memory_space<vmem>> -> memref<1x8x128xi32, #tpu.memory_space<vmem>>
        %dma_start3A_234 = tpu.memref_squeeze %dma_start3A_233 : memref<1x8x128xi32, #tpu.memory_space<vmem>> -> memref<8x128xi32, #tpu.memory_space<vmem>>
        %dma_start3A_235 = arith.constant 0 : i32
        %dma_start3A_236 = tpu.memref_slice %dma_start3A_234[%run_scoped3A_229, %dma_start3A_235] : memref<8x128xi32, #tpu.memory_space<vmem>> -> memref<1x128xi32, #tpu.memory_space<vmem>>
        %dma_start3A_237 = tpu.memref_squeeze %dma_start3A_236 : memref<1x128xi32, #tpu.memory_space<vmem>> -> memref<128xi32, #tpu.memory_space<vmem>>
        %dma_start3A_238 = arith.constant 0 : i32
        %dma_start3A_239 = arith.constant 0 : i32
        %dma_start3A_240 = tpu.memref_slice %arg8[%dma_start3A_238, %dma_start3A_239] : memref<10112x128xf32, #tpu.memory_space<vmem_shared>> -> memref<10112x128xf32, #tpu.memory_space<vmem_shared>>
        tpu.enqueue_indirect_dma source(%arg7 : memref<128x128xf32, #tpu.memory_space<vmem>>) target(%dma_start3A_240 : memref<10112x128xf32, #tpu.memory_space<vmem_shared>>) offsets(%dma_start3A_237 : memref<128xi32, #tpu.memory_space<vmem>>) semaphore(%run_scoped3A_230 : memref<!tpu.dma_semaphore, #tpu.memory_space<semaphore_mem>>) {add = true}
        %dma_wait3A_241 = arith.constant 0 : i32
        %dma_wait3A_242 = arith.constant 0 : i32
        %dma_wait3A_243 = tpu.memref_slice %arg5[%rem3A_103, %dma_wait3A_241, %dma_wait3A_242] : memref<2x8x128xi32, #tpu.memory_space<vmem>> -> memref<1x8x128xi32, #tpu.memory_space<vmem>>
        %dma_wait3A_244 = tpu.memref_squeeze %dma_wait3A_243 : memref<1x8x128xi32, #tpu.memory_space<vmem>> -> memref<8x128xi32, #tpu.memory_space<vmem>>
        %dma_wait3A_245 = arith.constant 0 : i32
        %dma_wait3A_246 = tpu.memref_slice %dma_wait3A_244[%run_scoped3A_229, %dma_wait3A_245] : memref<8x128xi32, #tpu.memory_space<vmem>> -> memref<1x128xi32, #tpu.memory_space<vmem>>
        %dma_wait3A_247 = tpu.memref_squeeze %dma_wait3A_246 : memref<1x128xi32, #tpu.memory_space<vmem>> -> memref<128xi32, #tpu.memory_space<vmem>>
        %dma_wait3A_248 = arith.constant 0 : i32
        %dma_wait3A_249 = arith.constant 0 : i32
        %dma_wait3A_250 = tpu.memref_slice %arg8[%dma_wait3A_248, %dma_wait3A_249] : memref<10112x128xf32, #tpu.memory_space<vmem_shared>> -> memref<10112x128xf32, #tpu.memory_space<vmem_shared>>
        tpu.wait_indirect_dma semaphore(%run_scoped3A_230 : memref<!tpu.dma_semaphore, #tpu.memory_space<semaphore_mem>>) src(%arg7 : memref<128x128xf32, #tpu.memory_space<vmem>>) dst(%dma_wait3A_250 : memref<10112x128xf32, #tpu.memory_space<vmem_shared>>)
        tpu.yield
      }) : () -> ()
    }
    %while3A_80 = arith.constant 1 : i32
    scf.for %while3A_101 = %while3A_78 to %while3A_74 step %while3A_80  : i32 {
      %rem3A_102 = arith.constant 2 : i32
      %rem3A_103 = arith.remsi %while3A_101, %rem3A_102 : i32
      %add3A_104 = arith.constant 1 : i32
      %add3A_105 = arith.addi %while3A_101, %add3A_104 : i32
      %rem3A_106 = arith.constant 2 : i32
      %rem3A_107 = arith.remsi %add3A_105, %rem3A_106 : i32
      %mul3A_108 = arith.constant 4 : i32
      %mul3A_109 = arith.muli %mul3A_108, %while3A_101 : i32
      %add3A_110 = arith.addi %add3A_31, %mul3A_109 : i32
      %mul3A_111 = arith.constant 2 : i32
      %mul3A_112 = arith.muli %mul3A_111, %add3A_110 : i32
      %dma_wait3A_113 = arith.constant 0 : i32
      %dma_wait3A_114 = arith.constant 0 : i32
      %dma_wait3A_115 = tpu.memref_slice %arg5[%rem3A_103, %dma_wait3A_113, %dma_wait3A_114] : memref<2x8x128xi32, #tpu.memory_space<vmem>> -> memref<1x8x128xi32, #tpu.memory_space<vmem>>
      %dma_wait3A_116 = tpu.memref_squeeze %dma_wait3A_115 : memref<1x8x128xi32, #tpu.memory_space<vmem>> -> memref<8x128xi32, #tpu.memory_space<vmem>>
      %dma_wait3A_117 = arith.constant 0 : i32
      %dma_wait3A_118 = tpu.memref_slice %arg3[%mul3A_112, %dma_wait3A_117] : memref<5120x128xi32, #tpu.memory_space<hbm>> -> memref<8x128xi32, #tpu.memory_space<hbm>>
      %dma_wait3A_119 = arith.constant 0 : i32
      %dma_wait3A_120 = arith.constant 0 : i32
      %dma_wait3A_121 = tpu.memref_slice %arg5[%rem3A_103, %dma_wait3A_119, %dma_wait3A_120] : memref<2x8x128xi32, #tpu.memory_space<vmem>> -> memref<1x8x128xi32, #tpu.memory_space<vmem>>
      %dma_wait3A_122 = tpu.memref_squeeze %dma_wait3A_121 : memref<1x8x128xi32, #tpu.memory_space<vmem>> -> memref<8x128xi32, #tpu.memory_space<vmem>>
      %dma_wait3A_123 = arith.constant 0 : i32
      %dma_wait3A_124 = tpu.memref_slice %arg3[%mul3A_112, %dma_wait3A_123] : memref<5120x128xi32, #tpu.memory_space<hbm>> -> memref<8x128xi32, #tpu.memory_space<hbm>>
      tpu.wait_dma2 semaphore(%arg11 : memref<!tpu.dma_semaphore, #tpu.memory_space<semaphore_mem>>) src(%dma_wait3A_124 : memref<8x128xi32, #tpu.memory_space<hbm>>) dst(%dma_wait3A_122 : memref<8x128xi32, #tpu.memory_space<vmem>>)
      %add3A_125 = arith.constant 8 : i32
      %add3A_126 = arith.addi %mul3A_112, %add3A_125 : i32
      %min3A = arith.minsi %add3A_126, %mul3A_57 : i32
      %dma_start3A_127 = arith.constant 0 : i32
      %dma_start3A_128 = arith.constant 0 : i32
      %dma_start3A_129 = tpu.memref_slice %arg5[%rem3A_107, %dma_start3A_127, %dma_start3A_128] : memref<2x8x128xi32, #tpu.memory_space<vmem>> -> memref<1x8x128xi32, #tpu.memory_space<vmem>>
      %dma_start3A_130 = tpu.memref_squeeze %dma_start3A_129 : memref<1x8x128xi32, #tpu.memory_space<vmem>> -> memref<8x128xi32, #tpu.memory_space<vmem>>
      %dma_start3A_131 = arith.constant 0 : i32
      %dma_start3A_132 = tpu.memref_slice %arg3[%min3A, %dma_start3A_131] : memref<5120x128xi32, #tpu.memory_space<hbm>> -> memref<8x128xi32, #tpu.memory_space<hbm>>
      %dma_start3A_133 = arith.constant 0 : i32
      %dma_start3A_134 = arith.constant 0 : i32
      %dma_start3A_135 = tpu.memref_slice %arg5[%rem3A_107, %dma_start3A_133, %dma_start3A_134] : memref<2x8x128xi32, #tpu.memory_space<vmem>> -> memref<1x8x128xi32, #tpu.memory_space<vmem>>
      %dma_start3A_136 = tpu.memref_squeeze %dma_start3A_135 : memref<1x8x128xi32, #tpu.memory_space<vmem>> -> memref<8x128xi32, #tpu.memory_space<vmem>>
      %dma_start3A_137 = arith.constant 0 : i32
      %dma_start3A_138 = tpu.memref_slice %arg3[%min3A, %dma_start3A_137] : memref<5120x128xi32, #tpu.memory_space<hbm>> -> memref<8x128xi32, #tpu.memory_space<hbm>>
      tpu.enqueue_dma source(%dma_start3A_138 : memref<8x128xi32, #tpu.memory_space<hbm>>) target(%dma_start3A_136 : memref<8x128xi32, #tpu.memory_space<vmem>>) target_semaphore(%arg11 : memref<!tpu.dma_semaphore, #tpu.memory_space<semaphore_mem>>)
      %dma_start3A_139 = arith.constant 0 : i32
      %dma_start3A_140 = arith.constant 0 : i32
      %dma_start3A_141 = arith.constant 0 : i32
      %dma_start3A_142 = tpu.memref_slice %arg5[%rem3A_103, %dma_start3A_140, %dma_start3A_141] : memref<2x8x128xi32, #tpu.memory_space<vmem>> -> memref<1x8x128xi32, #tpu.memory_space<vmem>>
      %dma_start3A_143 = tpu.memref_squeeze %dma_start3A_142 : memref<1x8x128xi32, #tpu.memory_space<vmem>> -> memref<8x128xi32, #tpu.memory_space<vmem>>
      %dma_start3A_144 = arith.constant 0 : i32
      %dma_start3A_145 = tpu.memref_slice %dma_start3A_143[%dma_start3A_139, %dma_start3A_144] : memref<8x128xi32, #tpu.memory_space<vmem>> -> memref<1x128xi32, #tpu.memory_space<vmem>>
      %dma_start3A_146 = tpu.memref_squeeze %dma_start3A_145 : memref<1x128xi32, #tpu.memory_space<vmem>> -> memref<128xi32, #tpu.memory_space<vmem>>
      %dma_start3A_147 = arith.constant 0 : i32
      %dma_start3A_148 = arith.constant 0 : i32
      %dma_start3A_149 = tpu.memref_slice %arg2[%dma_start3A_147, %dma_start3A_148] : memref<10000x128xf32, #tpu.memory_space<hbm>> -> memref<10000x128xf32, #tpu.memory_space<hbm>>
      tpu.enqueue_indirect_dma source(%dma_start3A_149 : memref<10000x128xf32, #tpu.memory_space<hbm>>) target(%arg6 : memref<128x128xf32, #tpu.memory_space<vmem>>) offsets(%dma_start3A_146 : memref<128xi32, #tpu.memory_space<vmem>>) semaphore(%arg9 : memref<!tpu.dma_semaphore, #tpu.memory_space<semaphore_mem>>)
      %dma_start3A_150 = arith.constant 1 : i32
      %dma_start3A_151 = arith.constant 0 : i32
      %dma_start3A_152 = arith.constant 0 : i32
      %dma_start3A_153 = tpu.memref_slice %arg5[%rem3A_103, %dma_start3A_151, %dma_start3A_152] : memref<2x8x128xi32, #tpu.memory_space<vmem>> -> memref<1x8x128xi32, #tpu.memory_space<vmem>>
      %dma_start3A_154 = tpu.memref_squeeze %dma_start3A_153 : memref<1x8x128xi32, #tpu.memory_space<vmem>> -> memref<8x128xi32, #tpu.memory_space<vmem>>
      %dma_start3A_155 = arith.constant 0 : i32
      %dma_start3A_156 = tpu.memref_slice %dma_start3A_154[%dma_start3A_150, %dma_start3A_155] : memref<8x128xi32, #tpu.memory_space<vmem>> -> memref<1x128xi32, #tpu.memory_space<vmem>>
      %dma_start3A_157 = tpu.memref_squeeze %dma_start3A_156 : memref<1x128xi32, #tpu.memory_space<vmem>> -> memref<128xi32, #tpu.memory_space<vmem>>
      %dma_start3A_158 = arith.constant 0 : i32
      %dma_start3A_159 = arith.constant 0 : i32
      %dma_start3A_160 = tpu.memref_slice %arg2[%dma_start3A_158, %dma_start3A_159] : memref<10000x128xf32, #tpu.memory_space<hbm>> -> memref<10000x128xf32, #tpu.memory_space<hbm>>
      tpu.enqueue_indirect_dma source(%dma_start3A_160 : memref<10000x128xf32, #tpu.memory_space<hbm>>) target(%arg7 : memref<128x128xf32, #tpu.memory_space<vmem>>) offsets(%dma_start3A_157 : memref<128xi32, #tpu.memory_space<vmem>>) semaphore(%arg10 : memref<!tpu.dma_semaphore, #tpu.memory_space<semaphore_mem>>)
      %dma_wait3A_161 = arith.constant 0 : i32
      %dma_wait3A_162 = arith.constant 0 : i32
      %dma_wait3A_163 = arith.constant 0 : i32
      %dma_wait3A_164 = tpu.memref_slice %arg5[%rem3A_103, %dma_wait3A_162, %dma_wait3A_163] : memref<2x8x128xi32, #tpu.memory_space<vmem>> -> memref<1x8x128xi32, #tpu.memory_space<vmem>>
      %dma_wait3A_165 = tpu.memref_squeeze %dma_wait3A_164 : memref<1x8x128xi32, #tpu.memory_space<vmem>> -> memref<8x128xi32, #tpu.memory_space<vmem>>
      %dma_wait3A_166 = arith.constant 0 : i32
      %dma_wait3A_167 = tpu.memref_slice %dma_wait3A_165[%dma_wait3A_161, %dma_wait3A_166] : memref<8x128xi32, #tpu.memory_space<vmem>> -> memref<1x128xi32, #tpu.memory_space<vmem>>
      %dma_wait3A_168 = tpu.memref_squeeze %dma_wait3A_167 : memref<1x128xi32, #tpu.memory_space<vmem>> -> memref<128xi32, #tpu.memory_space<vmem>>
      %dma_wait3A_169 = arith.constant 0 : i32
      %dma_wait3A_170 = arith.constant 0 : i32
      %dma_wait3A_171 = tpu.memref_slice %arg2[%dma_wait3A_169, %dma_wait3A_170] : memref<10000x128xf32, #tpu.memory_space<hbm>> -> memref<10000x128xf32, #tpu.memory_space<hbm>>
      tpu.wait_indirect_dma semaphore(%arg9 : memref<!tpu.dma_semaphore, #tpu.memory_space<semaphore_mem>>) src(%dma_wait3A_171 : memref<10000x128xf32, #tpu.memory_space<hbm>>) dst(%arg6 : memref<128x128xf32, #tpu.memory_space<vmem>>)
      %run_scoped3A = arith.constant 4 : i32
      "tpu.region"() ({
        %run_scoped3A_230 = tpu.sem_alloc : memref<!tpu.dma_semaphore, #tpu.memory_space<semaphore_mem>>
        %dma_start3A_231 = arith.constant 0 : i32
        %dma_start3A_232 = arith.constant 0 : i32
        %dma_start3A_233 = tpu.memref_slice %arg5[%rem3A_103, %dma_start3A_231, %dma_start3A_232] : memref<2x8x128xi32, #tpu.memory_space<vmem>> -> memref<1x8x128xi32, #tpu.memory_space<vmem>>
        %dma_start3A_234 = tpu.memref_squeeze %dma_start3A_233 : memref<1x8x128xi32, #tpu.memory_space<vmem>> -> memref<8x128xi32, #tpu.memory_space<vmem>>
        %dma_start3A_235 = arith.constant 0 : i32
        %dma_start3A_236 = tpu.memref_slice %dma_start3A_234[%run_scoped3A, %dma_start3A_235] : memref<8x128xi32, #tpu.memory_space<vmem>> -> memref<1x128xi32, #tpu.memory_space<vmem>>
        %dma_start3A_237 = tpu.memref_squeeze %dma_start3A_236 : memref<1x128xi32, #tpu.memory_space<vmem>> -> memref<128xi32, #tpu.memory_space<vmem>>
        %dma_start3A_238 = arith.constant 0 : i32
        %dma_start3A_239 = arith.constant 0 : i32
        %dma_start3A_240 = tpu.memref_slice %arg8[%dma_start3A_238, %dma_start3A_239] : memref<10112x128xf32, #tpu.memory_space<vmem_shared>> -> memref<10112x128xf32, #tpu.memory_space<vmem_shared>>
        tpu.enqueue_indirect_dma source(%arg6 : memref<128x128xf32, #tpu.memory_space<vmem>>) target(%dma_start3A_240 : memref<10112x128xf32, #tpu.memory_space<vmem_shared>>) offsets(%dma_start3A_237 : memref<128xi32, #tpu.memory_space<vmem>>) semaphore(%run_scoped3A_230 : memref<!tpu.dma_semaphore, #tpu.memory_space<semaphore_mem>>) {add = true}
        %dma_wait3A_241 = arith.constant 0 : i32
        %dma_wait3A_242 = arith.constant 0 : i32
        %dma_wait3A_243 = tpu.memref_slice %arg5[%rem3A_103, %dma_wait3A_241, %dma_wait3A_242] : memref<2x8x128xi32, #tpu.memory_space<vmem>> -> memref<1x8x128xi32, #tpu.memory_space<vmem>>
        %dma_wait3A_244 = tpu.memref_squeeze %dma_wait3A_243 : memref<1x8x128xi32, #tpu.memory_space<vmem>> -> memref<8x128xi32, #tpu.memory_space<vmem>>
        %dma_wait3A_245 = arith.constant 0 : i32
        %dma_wait3A_246 = tpu.memref_slice %dma_wait3A_244[%run_scoped3A, %dma_wait3A_245] : memref<8x128xi32, #tpu.memory_space<vmem>> -> memref<1x128xi32, #tpu.memory_space<vmem>>
        %dma_wait3A_247 = tpu.memref_squeeze %dma_wait3A_246 : memref<1x128xi32, #tpu.memory_space<vmem>> -> memref<128xi32, #tpu.memory_space<vmem>>
        %dma_wait3A_248 = arith.constant 0 : i32
        %dma_wait3A_249 = arith.constant 0 : i32
        %dma_wait3A_250 = tpu.memref_slice %arg8[%dma_wait3A_248, %dma_wait3A_249] : memref<10112x128xf32, #tpu.memory_space<vmem_shared>> -> memref<10112x128xf32, #tpu.memory_space<vmem_shared>>
        tpu.wait_indirect_dma semaphore(%run_scoped3A_230 : memref<!tpu.dma_semaphore, #tpu.memory_space<semaphore_mem>>) src(%arg6 : memref<128x128xf32, #tpu.memory_space<vmem>>) dst(%dma_wait3A_250 : memref<10112x128xf32, #tpu.memory_space<vmem_shared>>)
        tpu.yield
      }) : () -> ()
      %dma_start3A_172 = arith.constant 2 : i32
      %dma_start3A_173 = arith.constant 0 : i32
      %dma_start3A_174 = arith.constant 0 : i32
      %dma_start3A_175 = tpu.memref_slice %arg5[%rem3A_103, %dma_start3A_173, %dma_start3A_174] : memref<2x8x128xi32, #tpu.memory_space<vmem>> -> memref<1x8x128xi32, #tpu.memory_space<vmem>>
      %dma_start3A_176 = tpu.memref_squeeze %dma_start3A_175 : memref<1x8x128xi32, #tpu.memory_space<vmem>> -> memref<8x128xi32, #tpu.memory_space<vmem>>
      %dma_start3A_177 = arith.constant 0 : i32
      %dma_start3A_178 = tpu.memref_slice %dma_start3A_176[%dma_start3A_172, %dma_start3A_177] : memref<8x128xi32, #tpu.memory_space<vmem>> -> memref<1x128xi32, #tpu.memory_space<vmem>>
      %dma_start3A_179 = tpu.memref_squeeze %dma_start3A_178 : memref<1x128xi32, #tpu.memory_space<vmem>> -> memref<128xi32, #tpu.memory_space<vmem>>
      %dma_start3A_180 = arith.constant 0 : i32
      %dma_start3A_181 = arith.constant 0 : i32
      %dma_start3A_182 = tpu.memref_slice %arg2[%dma_start3A_180, %dma_start3A_181] : memref<10000x128xf32, #tpu.memory_space<hbm>> -> memref<10000x128xf32, #tpu.memory_space<hbm>>
      tpu.enqueue_indirect_dma source(%dma_start3A_182 : memref<10000x128xf32, #tpu.memory_space<hbm>>) target(%arg6 : memref<128x128xf32, #tpu.memory_space<vmem>>) offsets(%dma_start3A_179 : memref<128xi32, #tpu.memory_space<vmem>>) semaphore(%arg9 : memref<!tpu.dma_semaphore, #tpu.memory_space<semaphore_mem>>)
      %dma_wait3A_183 = arith.constant 1 : i32
      %dma_wait3A_184 = arith.constant 0 : i32
      %dma_wait3A_185 = arith.constant 0 : i32
      %dma_wait3A_186 = tpu.memref_slice %arg5[%rem3A_103, %dma_wait3A_184, %dma_wait3A_185] : memref<2x8x128xi32, #tpu.memory_space<vmem>> -> memref<1x8x128xi32, #tpu.memory_space<vmem>>
      %dma_wait3A_187 = tpu.memref_squeeze %dma_wait3A_186 : memref<1x8x128xi32, #tpu.memory_space<vmem>> -> memref<8x128xi32, #tpu.memory_space<vmem>>
      %dma_wait3A_188 = arith.constant 0 : i32
      %dma_wait3A_189 = tpu.memref_slice %dma_wait3A_187[%dma_wait3A_183, %dma_wait3A_188] : memref<8x128xi32, #tpu.memory_space<vmem>> -> memref<1x128xi32, #tpu.memory_space<vmem>>
      %dma_wait3A_190 = tpu.memref_squeeze %dma_wait3A_189 : memref<1x128xi32, #tpu.memory_space<vmem>> -> memref<128xi32, #tpu.memory_space<vmem>>
      %dma_wait3A_191 = arith.constant 0 : i32
      %dma_wait3A_192 = arith.constant 0 : i32
      %dma_wait3A_193 = tpu.memref_slice %arg2[%dma_wait3A_191, %dma_wait3A_192] : memref<10000x128xf32, #tpu.memory_space<hbm>> -> memref<10000x128xf32, #tpu.memory_space<hbm>>
      tpu.wait_indirect_dma semaphore(%arg10 : memref<!tpu.dma_semaphore, #tpu.memory_space<semaphore_mem>>) src(%dma_wait3A_193 : memref<10000x128xf32, #tpu.memory_space<hbm>>) dst(%arg7 : memref<128x128xf32, #tpu.memory_space<vmem>>)
      %run_scoped3A_194 = arith.constant 5 : i32
      "tpu.region"() ({
        %run_scoped3A_230 = tpu.sem_alloc : memref<!tpu.dma_semaphore, #tpu.memory_space<semaphore_mem>>
        %dma_start3A_231 = arith.constant 0 : i32
        %dma_start3A_232 = arith.constant 0 : i32
        %dma_start3A_233 = tpu.memref_slice %arg5[%rem3A_103, %dma_start3A_231, %dma_start3A_232] : memref<2x8x128xi32, #tpu.memory_space<vmem>> -> memref<1x8x128xi32, #tpu.memory_space<vmem>>
        %dma_start3A_234 = tpu.memref_squeeze %dma_start3A_233 : memref<1x8x128xi32, #tpu.memory_space<vmem>> -> memref<8x128xi32, #tpu.memory_space<vmem>>
        %dma_start3A_235 = arith.constant 0 : i32
        %dma_start3A_236 = tpu.memref_slice %dma_start3A_234[%run_scoped3A_194, %dma_start3A_235] : memref<8x128xi32, #tpu.memory_space<vmem>> -> memref<1x128xi32, #tpu.memory_space<vmem>>
        %dma_start3A_237 = tpu.memref_squeeze %dma_start3A_236 : memref<1x128xi32, #tpu.memory_space<vmem>> -> memref<128xi32, #tpu.memory_space<vmem>>
        %dma_start3A_238 = arith.constant 0 : i32
        %dma_start3A_239 = arith.constant 0 : i32
        %dma_start3A_240 = tpu.memref_slice %arg8[%dma_start3A_238, %dma_start3A_239] : memref<10112x128xf32, #tpu.memory_space<vmem_shared>> -> memref<10112x128xf32, #tpu.memory_space<vmem_shared>>
        tpu.enqueue_indirect_dma source(%arg7 : memref<128x128xf32, #tpu.memory_space<vmem>>) target(%dma_start3A_240 : memref<10112x128xf32, #tpu.memory_space<vmem_shared>>) offsets(%dma_start3A_237 : memref<128xi32, #tpu.memory_space<vmem>>) semaphore(%run_scoped3A_230 : memref<!tpu.dma_semaphore, #tpu.memory_space<semaphore_mem>>) {add = true}
        %dma_wait3A_241 = arith.constant 0 : i32
        %dma_wait3A_242 = arith.constant 0 : i32
        %dma_wait3A_243 = tpu.memref_slice %arg5[%rem3A_103, %dma_wait3A_241, %dma_wait3A_242] : memref<2x8x128xi32, #tpu.memory_space<vmem>> -> memref<1x8x128xi32, #tpu.memory_space<vmem>>
        %dma_wait3A_244 = tpu.memref_squeeze %dma_wait3A_243 : memref<1x8x128xi32, #tpu.memory_space<vmem>> -> memref<8x128xi32, #tpu.memory_space<vmem>>
        %dma_wait3A_245 = arith.constant 0 : i32
        %dma_wait3A_246 = tpu.memref_slice %dma_wait3A_244[%run_scoped3A_194, %dma_wait3A_245] : memref<8x128xi32, #tpu.memory_space<vmem>> -> memref<1x128xi32, #tpu.memory_space<vmem>>
        %dma_wait3A_247 = tpu.memref_squeeze %dma_wait3A_246 : memref<1x128xi32, #tpu.memory_space<vmem>> -> memref<128xi32, #tpu.memory_space<vmem>>
        %dma_wait3A_248 = arith.constant 0 : i32
        %dma_wait3A_249 = arith.constant 0 : i32
        %dma_wait3A_250 = tpu.memref_slice %arg8[%dma_wait3A_248, %dma_wait3A_249] : memref<10112x128xf32, #tpu.memory_space<vmem_shared>> -> memref<10112x128xf32, #tpu.memory_space<vmem_shared>>
        tpu.wait_indirect_dma semaphore(%run_scoped3A_230 : memref<!tpu.dma_semaphore, #tpu.memory_space<semaphore_mem>>) src(%arg7 : memref<128x128xf32, #tpu.memory_space<vmem>>) dst(%dma_wait3A_250 : memref<10112x128xf32, #tpu.memory_space<vmem_shared>>)
        tpu.yield
      }) : () -> ()
      %dma_start3A_195 = arith.constant 3 : i32
      %dma_start3A_196 = arith.constant 0 : i32
      %dma_start3A_197 = arith.constant 0 : i32
      %dma_start3A_198 = tpu.memref_slice %arg5[%rem3A_103, %dma_start3A_196, %dma_start3A_197] : memref<2x8x128xi32, #tpu.memory_space<vmem>> -> memref<1x8x128xi32, #tpu.memory_space<vmem>>
      %dma_start3A_199 = tpu.memref_squeeze %dma_start3A_198 : memref<1x8x128xi32, #tpu.memory_space<vmem>> -> memref<8x128xi32, #tpu.memory_space<vmem>>
      %dma_start3A_200 = arith.constant 0 : i32
      %dma_start3A_201 = tpu.memref_slice %dma_start3A_199[%dma_start3A_195, %dma_start3A_200] : memref<8x128xi32, #tpu.memory_space<vmem>> -> memref<1x128xi32, #tpu.memory_space<vmem>>
      %dma_start3A_202 = tpu.memref_squeeze %dma_start3A_201 : memref<1x128xi32, #tpu.memory_space<vmem>> -> memref<128xi32, #tpu.memory_space<vmem>>
      %dma_start3A_203 = arith.constant 0 : i32
      %dma_start3A_204 = arith.constant 0 : i32
      %dma_start3A_205 = tpu.memref_slice %arg2[%dma_start3A_203, %dma_start3A_204] : memref<10000x128xf32, #tpu.memory_space<hbm>> -> memref<10000x128xf32, #tpu.memory_space<hbm>>
      tpu.enqueue_indirect_dma source(%dma_start3A_205 : memref<10000x128xf32, #tpu.memory_space<hbm>>) target(%arg7 : memref<128x128xf32, #tpu.memory_space<vmem>>) offsets(%dma_start3A_202 : memref<128xi32, #tpu.memory_space<vmem>>) semaphore(%arg10 : memref<!tpu.dma_semaphore, #tpu.memory_space<semaphore_mem>>)
      %dma_wait3A_206 = arith.constant 2 : i32
      %dma_wait3A_207 = arith.constant 0 : i32
      %dma_wait3A_208 = arith.constant 0 : i32
      %dma_wait3A_209 = tpu.memref_slice %arg5[%rem3A_103, %dma_wait3A_207, %dma_wait3A_208] : memref<2x8x128xi32, #tpu.memory_space<vmem>> -> memref<1x8x128xi32, #tpu.memory_space<vmem>>
      %dma_wait3A_210 = tpu.memref_squeeze %dma_wait3A_209 : memref<1x8x128xi32, #tpu.memory_space<vmem>> -> memref<8x128xi32, #tpu.memory_space<vmem>>
      %dma_wait3A_211 = arith.constant 0 : i32
      %dma_wait3A_212 = tpu.memref_slice %dma_wait3A_210[%dma_wait3A_206, %dma_wait3A_211] : memref<8x128xi32, #tpu.memory_space<vmem>> -> memref<1x128xi32, #tpu.memory_space<vmem>>
      %dma_wait3A_213 = tpu.memref_squeeze %dma_wait3A_212 : memref<1x128xi32, #tpu.memory_space<vmem>> -> memref<128xi32, #tpu.memory_space<vmem>>
      %dma_wait3A_214 = arith.constant 0 : i32
      %dma_wait3A_215 = arith.constant 0 : i32
      %dma_wait3A_216 = tpu.memref_slice %arg2[%dma_wait3A_214, %dma_wait3A_215] : memref<10000x128xf32, #tpu.memory_space<hbm>> -> memref<10000x128xf32, #tpu.memory_space<hbm>>
      tpu.wait_indirect_dma semaphore(%arg9 : memref<!tpu.dma_semaphore, #tpu.memory_space<semaphore_mem>>) src(%dma_wait3A_216 : memref<10000x128xf32, #tpu.memory_space<hbm>>) dst(%arg6 : memref<128x128xf32, #tpu.memory_space<vmem>>)
      %run_scoped3A_217 = arith.constant 6 : i32
      "tpu.region"() ({
        %run_scoped3A_230 = tpu.sem_alloc : memref<!tpu.dma_semaphore, #tpu.memory_space<semaphore_mem>>
        %dma_start3A_231 = arith.constant 0 : i32
        %dma_start3A_232 = arith.constant 0 : i32
        %dma_start3A_233 = tpu.memref_slice %arg5[%rem3A_103, %dma_start3A_231, %dma_start3A_232] : memref<2x8x128xi32, #tpu.memory_space<vmem>> -> memref<1x8x128xi32, #tpu.memory_space<vmem>>
        %dma_start3A_234 = tpu.memref_squeeze %dma_start3A_233 : memref<1x8x128xi32, #tpu.memory_space<vmem>> -> memref<8x128xi32, #tpu.memory_space<vmem>>
        %dma_start3A_235 = arith.constant 0 : i32
        %dma_start3A_236 = tpu.memref_slice %dma_start3A_234[%run_scoped3A_217, %dma_start3A_235] : memref<8x128xi32, #tpu.memory_space<vmem>> -> memref<1x128xi32, #tpu.memory_space<vmem>>
        %dma_start3A_237 = tpu.memref_squeeze %dma_start3A_236 : memref<1x128xi32, #tpu.memory_space<vmem>> -> memref<128xi32, #tpu.memory_space<vmem>>
        %dma_start3A_238 = arith.constant 0 : i32
        %dma_start3A_239 = arith.constant 0 : i32
        %dma_start3A_240 = tpu.memref_slice %arg8[%dma_start3A_238, %dma_start3A_239] : memref<10112x128xf32, #tpu.memory_space<vmem_shared>> -> memref<10112x128xf32, #tpu.memory_space<vmem_shared>>
        tpu.enqueue_indirect_dma source(%arg6 : memref<128x128xf32, #tpu.memory_space<vmem>>) target(%dma_start3A_240 : memref<10112x128xf32, #tpu.memory_space<vmem_shared>>) offsets(%dma_start3A_237 : memref<128xi32, #tpu.memory_space<vmem>>) semaphore(%run_scoped3A_230 : memref<!tpu.dma_semaphore, #tpu.memory_space<semaphore_mem>>) {add = true}
        %dma_wait3A_241 = arith.constant 0 : i32
        %dma_wait3A_242 = arith.constant 0 : i32
        %dma_wait3A_243 = tpu.memref_slice %arg5[%rem3A_103, %dma_wait3A_241, %dma_wait3A_242] : memref<2x8x128xi32, #tpu.memory_space<vmem>> -> memref<1x8x128xi32, #tpu.memory_space<vmem>>
        %dma_wait3A_244 = tpu.memref_squeeze %dma_wait3A_243 : memref<1x8x128xi32, #tpu.memory_space<vmem>> -> memref<8x128xi32, #tpu.memory_space<vmem>>
        %dma_wait3A_245 = arith.constant 0 : i32
        %dma_wait3A_246 = tpu.memref_slice %dma_wait3A_244[%run_scoped3A_217, %dma_wait3A_245] : memref<8x128xi32, #tpu.memory_space<vmem>> -> memref<1x128xi32, #tpu.memory_space<vmem>>
        %dma_wait3A_247 = tpu.memref_squeeze %dma_wait3A_246 : memref<1x128xi32, #tpu.memory_space<vmem>> -> memref<128xi32, #tpu.memory_space<vmem>>
        %dma_wait3A_248 = arith.constant 0 : i32
        %dma_wait3A_249 = arith.constant 0 : i32
        %dma_wait3A_250 = tpu.memref_slice %arg8[%dma_wait3A_248, %dma_wait3A_249] : memref<10112x128xf32, #tpu.memory_space<vmem_shared>> -> memref<10112x128xf32, #tpu.memory_space<vmem_shared>>
        tpu.wait_indirect_dma semaphore(%run_scoped3A_230 : memref<!tpu.dma_semaphore, #tpu.memory_space<semaphore_mem>>) src(%arg6 : memref<128x128xf32, #tpu.memory_space<vmem>>) dst(%dma_wait3A_250 : memref<10112x128xf32, #tpu.memory_space<vmem_shared>>)
        tpu.yield
      }) : () -> ()
      %dma_wait3A_218 = arith.constant 3 : i32
      %dma_wait3A_219 = arith.constant 0 : i32
      %dma_wait3A_220 = arith.constant 0 : i32
      %dma_wait3A_221 = tpu.memref_slice %arg5[%rem3A_103, %dma_wait3A_219, %dma_wait3A_220] : memref<2x8x128xi32, #tpu.memory_space<vmem>> -> memref<1x8x128xi32, #tpu.memory_space<vmem>>
      %dma_wait3A_222 = tpu.memref_squeeze %dma_wait3A_221 : memref<1x8x128xi32, #tpu.memory_space<vmem>> -> memref<8x128xi32, #tpu.memory_space<vmem>>
      %dma_wait3A_223 = arith.constant 0 : i32
      %dma_wait3A_224 = tpu.memref_slice %dma_wait3A_222[%dma_wait3A_218, %dma_wait3A_223] : memref<8x128xi32, #tpu.memory_space<vmem>> -> memref<1x128xi32, #tpu.memory_space<vmem>>
      %dma_wait3A_225 = tpu.memref_squeeze %dma_wait3A_224 : memref<1x128xi32, #tpu.memory_space<vmem>> -> memref<128xi32, #tpu.memory_space<vmem>>
      %dma_wait3A_226 = arith.constant 0 : i32
      %dma_wait3A_227 = arith.constant 0 : i32
      %dma_wait3A_228 = tpu.memref_slice %arg2[%dma_wait3A_226, %dma_wait3A_227] : memref<10000x128xf32, #tpu.memory_space<hbm>> -> memref<10000x128xf32, #tpu.memory_space<hbm>>
      tpu.wait_indirect_dma semaphore(%arg10 : memref<!tpu.dma_semaphore, #tpu.memory_space<semaphore_mem>>) src(%dma_wait3A_228 : memref<10000x128xf32, #tpu.memory_space<hbm>>) dst(%arg7 : memref<128x128xf32, #tpu.memory_space<vmem>>)
      %run_scoped3A_229 = arith.constant 7 : i32
      "tpu.region"() ({
        %run_scoped3A_230 = tpu.sem_alloc : memref<!tpu.dma_semaphore, #tpu.memory_space<semaphore_mem>>
        %dma_start3A_231 = arith.constant 0 : i32
        %dma_start3A_232 = arith.constant 0 : i32
        %dma_start3A_233 = tpu.memref_slice %arg5[%rem3A_103, %dma_start3A_231, %dma_start3A_232] : memref<2x8x128xi32, #tpu.memory_space<vmem>> -> memref<1x8x128xi32, #tpu.memory_space<vmem>>
        %dma_start3A_234 = tpu.memref_squeeze %dma_start3A_233 : memref<1x8x128xi32, #tpu.memory_space<vmem>> -> memref<8x128xi32, #tpu.memory_space<vmem>>
        %dma_start3A_235 = arith.constant 0 : i32
        %dma_start3A_236 = tpu.memref_slice %dma_start3A_234[%run_scoped3A_229, %dma_start3A_235] : memref<8x128xi32, #tpu.memory_space<vmem>> -> memref<1x128xi32, #tpu.memory_space<vmem>>
        %dma_start3A_237 = tpu.memref_squeeze %dma_start3A_236 : memref<1x128xi32, #tpu.memory_space<vmem>> -> memref<128xi32, #tpu.memory_space<vmem>>
        %dma_start3A_238 = arith.constant 0 : i32
        %dma_start3A_239 = arith.constant 0 : i32
        %dma_start3A_240 = tpu.memref_slice %arg8[%dma_start3A_238, %dma_start3A_239] : memref<10112x128xf32, #tpu.memory_space<vmem_shared>> -> memref<10112x128xf32, #tpu.memory_space<vmem_shared>>
        tpu.enqueue_indirect_dma source(%arg7 : memref<128x128xf32, #tpu.memory_space<vmem>>) target(%dma_start3A_240 : memref<10112x128xf32, #tpu.memory_space<vmem_shared>>) offsets(%dma_start3A_237 : memref<128xi32, #tpu.memory_space<vmem>>) semaphore(%run_scoped3A_230 : memref<!tpu.dma_semaphore, #tpu.memory_space<semaphore_mem>>) {add = true}
        %dma_wait3A_241 = arith.constant 0 : i32
        %dma_wait3A_242 = arith.constant 0 : i32
        %dma_wait3A_243 = tpu.memref_slice %arg5[%rem3A_103, %dma_wait3A_241, %dma_wait3A_242] : memref<2x8x128xi32, #tpu.memory_space<vmem>> -> memref<1x8x128xi32, #tpu.memory_space<vmem>>
        %dma_wait3A_244 = tpu.memref_squeeze %dma_wait3A_243 : memref<1x8x128xi32, #tpu.memory_space<vmem>> -> memref<8x128xi32, #tpu.memory_space<vmem>>
        %dma_wait3A_245 = arith.constant 0 : i32
        %dma_wait3A_246 = tpu.memref_slice %dma_wait3A_244[%run_scoped3A_229, %dma_wait3A_245] : memref<8x128xi32, #tpu.memory_space<vmem>> -> memref<1x128xi32, #tpu.memory_space<vmem>>
        %dma_wait3A_247 = tpu.memref_squeeze %dma_wait3A_246 : memref<1x128xi32, #tpu.memory_space<vmem>> -> memref<128xi32, #tpu.memory_space<vmem>>
        %dma_wait3A_248 = arith.constant 0 : i32
        %dma_wait3A_249 = arith.constant 0 : i32
        %dma_wait3A_250 = tpu.memref_slice %arg8[%dma_wait3A_248, %dma_wait3A_249] : memref<10112x128xf32, #tpu.memory_space<vmem_shared>> -> memref<10112x128xf32, #tpu.memory_space<vmem_shared>>
        tpu.wait_indirect_dma semaphore(%run_scoped3A_230 : memref<!tpu.dma_semaphore, #tpu.memory_space<semaphore_mem>>) src(%arg7 : memref<128x128xf32, #tpu.memory_space<vmem>>) dst(%dma_wait3A_250 : memref<10112x128xf32, #tpu.memory_space<vmem_shared>>)
        tpu.yield
      }) : () -> ()
    }
    %mul3A_81 = arith.constant 2 : i32
    %mul3A_82 = arith.muli %mul3A_81, %add3A_31 : i32
    %rem3A_83 = arith.constant 2 : i32
    %rem3A_84 = arith.remsi %select_n3A_50, %rem3A_83 : i32
    %dma_wait3A = arith.constant 0 : i32
    %dma_wait3A_85 = arith.constant 0 : i32
    %dma_wait3A_86 = tpu.memref_slice %arg5[%rem3A_84, %dma_wait3A, %dma_wait3A_85] : memref<2x8x128xi32, #tpu.memory_space<vmem>> -> memref<1x8x128xi32, #tpu.memory_space<vmem>>
    %dma_wait3A_87 = tpu.memref_squeeze %dma_wait3A_86 : memref<1x8x128xi32, #tpu.memory_space<vmem>> -> memref<8x128xi32, #tpu.memory_space<vmem>>
    %dma_wait3A_88 = arith.constant 0 : i32
    %dma_wait3A_89 = tpu.memref_slice %arg3[%mul3A_82, %dma_wait3A_88] : memref<5120x128xi32, #tpu.memory_space<hbm>> -> memref<8x128xi32, #tpu.memory_space<hbm>>
    %dma_wait3A_90 = arith.constant 0 : i32
    %dma_wait3A_91 = arith.constant 0 : i32
    %dma_wait3A_92 = tpu.memref_slice %arg5[%rem3A_84, %dma_wait3A_90, %dma_wait3A_91] : memref<2x8x128xi32, #tpu.memory_space<vmem>> -> memref<1x8x128xi32, #tpu.memory_space<vmem>>
    %dma_wait3A_93 = tpu.memref_squeeze %dma_wait3A_92 : memref<1x8x128xi32, #tpu.memory_space<vmem>> -> memref<8x128xi32, #tpu.memory_space<vmem>>
    %dma_wait3A_94 = arith.constant 0 : i32
    %dma_wait3A_95 = tpu.memref_slice %arg3[%mul3A_82, %dma_wait3A_94] : memref<5120x128xi32, #tpu.memory_space<hbm>> -> memref<8x128xi32, #tpu.memory_space<hbm>>
    tpu.wait_dma2 semaphore(%arg11 : memref<!tpu.dma_semaphore, #tpu.memory_space<semaphore_mem>>) src(%dma_wait3A_95 : memref<8x128xi32, #tpu.memory_space<hbm>>) dst(%dma_wait3A_93 : memref<8x128xi32, #tpu.memory_space<vmem>>)
    %barrier3A_96 = arith.constant 0 : index
    tpu.barrier barrier_id(%barrier3A_96)
    %mul3A_97 = arith.constant 632 : i32
    %mul3A_98 = arith.muli %arg1, %mul3A_97 : i32
    %mul3A_99 = arith.constant 632 : i32
    %mul3A_100 = arith.muli %arg1, %mul3A_99 : i32
    "tpu.region"() ({
      %run_scoped3A = tpu.sem_alloc : memref<!tpu.dma_semaphore, #tpu.memory_space<semaphore_mem>>
      %dma_start3A_101 = arith.constant 0 : i32
      %dma_start3A_102 = arith.constant 0 : i32
      %dma_start3A_103 = tpu.memref_slice %arg4[%arg0, %dma_start3A_101, %dma_start3A_102] : memref<2x10112x128xf32, #tpu.memory_space<hbm>> -> memref<1x10112x128xf32, #tpu.memory_space<hbm>>
      %dma_start3A_104 = tpu.memref_squeeze %dma_start3A_103 : memref<1x10112x128xf32, #tpu.memory_space<hbm>> -> memref<10112x128xf32, #tpu.memory_space<hbm>>
      %dma_start3A_105 = arith.constant 0 : i32
      %dma_start3A_106 = tpu.memref_slice %dma_start3A_104[%mul3A_100, %dma_start3A_105] : memref<10112x128xf32, #tpu.memory_space<hbm>> -> memref<632x128xf32, #tpu.memory_space<hbm>>
      %dma_start3A_107 = arith.constant 0 : i32
      %dma_start3A_108 = tpu.memref_slice %arg8[%mul3A_98, %dma_start3A_107] : memref<10112x128xf32, #tpu.memory_space<vmem_shared>> -> memref<632x128xf32, #tpu.memory_space<vmem_shared>>
      tpu.enqueue_dma source(%dma_start3A_108 : memref<632x128xf32, #tpu.memory_space<vmem_shared>>) target(%dma_start3A_106 : memref<632x128xf32, #tpu.memory_space<hbm>>) target_semaphore(%run_scoped3A : memref<!tpu.dma_semaphore, #tpu.memory_space<semaphore_mem>>)
      %dma_wait3A_109 = arith.constant 0 : i32
      %dma_wait3A_110 = arith.constant 0 : i32
      %dma_wait3A_111 = tpu.memref_slice %arg4[%arg0, %dma_wait3A_109, %dma_wait3A_110] : memref<2x10112x128xf32, #tpu.memory_space<hbm>> -> memref<1x10112x128xf32, #tpu.memory_space<hbm>>
      %dma_wait3A_112 = tpu.memref_squeeze %dma_wait3A_111 : memref<1x10112x128xf32, #tpu.memory_space<hbm>> -> memref<10112x128xf32, #tpu.memory_space<hbm>>
      %dma_wait3A_113 = arith.constant 0 : i32
      %dma_wait3A_114 = tpu.memref_slice %dma_wait3A_112[%mul3A_100, %dma_wait3A_113] : memref<10112x128xf32, #tpu.memory_space<hbm>> -> memref<632x128xf32, #tpu.memory_space<hbm>>
      %dma_wait3A_115 = arith.constant 0 : i32
      %dma_wait3A_116 = tpu.memref_slice %arg8[%mul3A_98, %dma_wait3A_115] : memref<10112x128xf32, #tpu.memory_space<vmem_shared>> -> memref<632x128xf32, #tpu.memory_space<vmem_shared>>
      tpu.wait_dma2 semaphore(%run_scoped3A : memref<!tpu.dma_semaphore, #tpu.memory_space<semaphore_mem>>) src(%dma_wait3A_116 : memref<632x128xf32, #tpu.memory_space<vmem_shared>>) dst(%dma_wait3A_114 : memref<632x128xf32, #tpu.memory_space<hbm>>)
      tpu.yield
    }) : () -> ()
    return
  }
}

module attributes {stable_mosaic.version = 14 : i64} {
  func.func @_tc1a_body(%arg0: i32, %arg1: memref<1000x128xf32, #tpu.memory_space<vmem>>, %arg2: memref<128x128xf32, #tpu.memory_space<vmem>>, %arg3: memref<1x128xf32, #tpu.memory_space<vmem>>, %arg4: memref<1000x128xf32, #tpu.memory_space<vmem>>) attributes {dimension_semantics = [#tpu.dimension_semantics<arbitrary>], iteration_bounds = array<i64: 10>, scalar_prefetch = 0 : i64, scratch_operands = 0 : i64, tpu.core_type = #tpu.core_type<tc>, window_params = [{transform_indices = @transform_0, window_bounds = array<i64: 1000, 128>}, {pipeline_mode = #tpu.pipeline_mode<synchronous>, transform_indices = @transform_1, window_bounds = array<i64: 128, 128>}, {pipeline_mode = #tpu.pipeline_mode<synchronous>, transform_indices = @transform_2, window_bounds = array<i64: 1, 128>}, {transform_indices = @transform_3, window_bounds = array<i64: 1000, 128>}]} {
    %get3A = arith.constant 0 : index
    %get3A_0 = arith.constant 0 : index
    %get3A_1 = vector.load %arg1[%get3A, %get3A_0] : memref<1000x128xf32, #tpu.memory_space<vmem>>, vector<1000x128xf32>
    %get3A_2 = arith.constant 0 : index
    %get3A_3 = arith.constant 0 : index
    %get3A_4 = vector.load %arg2[%get3A_2, %get3A_3] : memref<128x128xf32, #tpu.memory_space<vmem>>, vector<128x128xf32>
    %dot_general3A = arith.constant dense<0.000000e+00> : vector<1000x128xf32>
    %dot_general3A_5 = tpu.matmul %get3A_1, %get3A_4, %dot_general3A {dimension_numbers = #tpu.dot_dimension_numbers<[1], [0], [0], [1], [0, 0, 1, 1], [], []>, transpose_lhs_hint = false} : vector<1000x128xf32>, vector<128x128xf32>, vector<1000x128xf32> -> vector<1000x128xf32>
    %get3A_6 = arith.constant 0 : index
    %get3A_7 = arith.constant 0 : index
    %get3A_8 = vector.load %arg3[%get3A_6, %get3A_7] : memref<1x128xf32, #tpu.memory_space<vmem>>, vector<1x128xf32>
    %add3A = vector.broadcast %get3A_8 : vector<1x128xf32> to vector<1000x128xf32>
    %add3A_9 = arith.addf %dot_general3A_5, %add3A : vector<1000x128xf32>
    %max3A = arith.constant 0.000000e+00 : f32
    %max3A_10 = vector.broadcast %max3A : f32 to vector<1000x128xf32>
    %max3A_11 = arith.maximumf %add3A_9, %max3A_10 : vector<1000x128xf32>
    %swap3A = arith.constant 0 : index
    %swap3A_12 = arith.constant 0 : index
    %swap3A_13 = vector.load %arg4[%swap3A, %swap3A_12] : memref<1000x128xf32, #tpu.memory_space<vmem>>, vector<1000x128xf32>
    tpu.vector_store %arg4[%swap3A, %swap3A_12], %max3A_11 {strides = array<i32>} : memref<1000x128xf32, #tpu.memory_space<vmem>>, vector<1000x128xf32>,
    return
  }
  func.func @transform_0(%arg0: i32) -> (i32, i32) {
    %c0_i32 = arith.constant 0 : i32
    %c0_i32_0 = arith.constant 0 : i32
    return %arg0, %c0_i32 : i32, i32
  }
  func.func @transform_1(%arg0: i32) -> (i32, i32) {
    %c0_i32 = arith.constant 0 : i32
    %c0_i32_0 = arith.constant 0 : i32
    %c0_i32_1 = arith.constant 0 : i32
    return %c0_i32, %c0_i32_0 : i32, i32
  }
  func.func @transform_2(%arg0: i32) -> (i32, i32) {
    %c0_i32 = arith.constant 0 : i32
    %c0_i32_0 = arith.constant 0 : i32
    %c0_i32_1 = arith.constant 0 : i32
    return %c0_i32, %c0_i32_0 : i32, i32
  }
  func.func @transform_3(%arg0: i32) -> (i32, i32) {
    %c0_i32 = arith.constant 0 : i32
    %c0_i32_0 = arith.constant 0 : i32
    return %arg0, %c0_i32 : i32, i32
  }
}

module attributes {stable_mosaic.version = 14 : i64} {
  func.func @_tc1b_body(%arg0: i32, %arg1: memref<2x1000x128xf32, #tpu.memory_space<vmem>>, %arg2: memref<1000x128xf32, #tpu.memory_space<vmem>>, %arg3: memref<128x128xf32, #tpu.memory_space<vmem>>, %arg4: memref<1000x128xf32, #tpu.memory_space<vmem>>) attributes {dimension_semantics = [#tpu.dimension_semantics<arbitrary>], iteration_bounds = array<i64: 10>, scalar_prefetch = 0 : i64, scratch_operands = 0 : i64, tpu.core_type = #tpu.core_type<tc>, window_params = [{transform_indices = @transform_0, window_bounds = array<i64: 2, 1000, 128>}, {transform_indices = @transform_1, window_bounds = array<i64: 1000, 128>}, {pipeline_mode = #tpu.pipeline_mode<synchronous>, transform_indices = @transform_2, window_bounds = array<i64: 128, 128>}, {transform_indices = @transform_3, window_bounds = array<i64: 1000, 128>}]} {
    %get3A = arith.constant 0 : index
    %get3A_0 = arith.constant 0 : index
    %get3A_1 = arith.constant 0 : index
    %get3A_2 = vector.load %arg1[%get3A, %get3A_0, %get3A_1] : memref<2x1000x128xf32, #tpu.memory_space<vmem>>, vector<1x1000x1xf32>
    %get3A_3 = vector.shape_cast %get3A_2 : vector<1x1000x1xf32> to vector<1000x1xf32>
    %get3A_4 = arith.constant 1 : index
    %get3A_5 = arith.constant 0 : index
    %get3A_6 = arith.constant 0 : index
    %get3A_7 = vector.load %arg1[%get3A_4, %get3A_5, %get3A_6] : memref<2x1000x128xf32, #tpu.memory_space<vmem>>, vector<1x1000x1xf32>
    %get3A_8 = vector.shape_cast %get3A_7 : vector<1x1000x1xf32> to vector<1000x1xf32>
    %add3A = arith.addf %get3A_3, %get3A_8 : vector<1000x1xf32>
    %gt3A = arith.constant 0.000000e+00 : f32
    %gt3A_9 = vector.broadcast %gt3A : f32 to vector<1000x1xf32>
    %gt3A_10 = arith.cmpf ogt, %add3A, %gt3A_9 : vector<1000x1xf32>
    %rsqrt3A = math.rsqrt %add3A : vector<1000x1xf32>
    %jit3A = arith.constant 0.000000e+00 : f32
    %broadcast_in_dim3A = vector.broadcast %jit3A : f32 to vector<1000x1xf32>
    %select_n3A = arith.select %gt3A_10, %rsqrt3A, %broadcast_in_dim3A : vector<1000x1xi1>, vector<1000x1xf32>
    %get3A_11 = arith.constant 0 : index
    %get3A_12 = arith.constant 0 : index
    %get3A_13 = vector.load %arg2[%get3A_11, %get3A_12] : memref<1000x128xf32, #tpu.memory_space<vmem>>, vector<1000x128xf32>
    %get3A_14 = arith.constant 0 : index
    %get3A_15 = arith.constant 0 : index
    %get3A_16 = vector.load %arg3[%get3A_14, %get3A_15] : memref<128x128xf32, #tpu.memory_space<vmem>>, vector<128x128xf32>
    %dot_general3A = arith.constant dense<0.000000e+00> : vector<1000x128xf32>
    %dot_general3A_17 = tpu.matmul %get3A_13, %get3A_16, %dot_general3A {dimension_numbers = #tpu.dot_dimension_numbers<[1], [0], [0], [1], [0, 0, 1, 1], [], []>, transpose_lhs_hint = false} : vector<1000x128xf32>, vector<128x128xf32>, vector<1000x128xf32> -> vector<1000x128xf32>
    %mul3A = vector.broadcast %select_n3A : vector<1000x1xf32> to vector<1000x128xf32>
    %mul3A_18 = arith.mulf %mul3A, %dot_general3A_17 : vector<1000x128xf32>
    %swap3A = arith.constant 0 : index
    %swap3A_19 = arith.constant 0 : index
    %swap3A_20 = vector.load %arg4[%swap3A, %swap3A_19] : memref<1000x128xf32, #tpu.memory_space<vmem>>, vector<1000x128xf32>
    tpu.vector_store %arg4[%swap3A, %swap3A_19], %mul3A_18 {strides = array<i32>} : memref<1000x128xf32, #tpu.memory_space<vmem>>, vector<1000x128xf32>,
    return
  }
  func.func @transform_0(%arg0: i32) -> (i32, i32, i32) {
    %c0_i32 = arith.constant 0 : i32
    %c0_i32_0 = arith.constant 0 : i32
    %c0_i32_1 = arith.constant 0 : i32
    return %c0_i32, %arg0, %c0_i32_0 : i32, i32, i32
  }
  func.func @transform_1(%arg0: i32) -> (i32, i32) {
    %c0_i32 = arith.constant 0 : i32
    %c0_i32_0 = arith.constant 0 : i32
    return %arg0, %c0_i32 : i32, i32
  }
  func.func @transform_2(%arg0: i32) -> (i32, i32) {
    %c0_i32 = arith.constant 0 : i32
    %c0_i32_0 = arith.constant 0 : i32
    %c0_i32_1 = arith.constant 0 : i32
    return %c0_i32, %c0_i32_0 : i32, i32
  }
  func.func @transform_3(%arg0: i32) -> (i32, i32) {
    %c0_i32 = arith.constant 0 : i32
    %c0_i32_0 = arith.constant 0 : i32
    return %arg0, %c0_i32 : i32, i32
  }
}

module attributes {stable_mosaic.version = 14 : i64} {
  func.func @_tc2_body(%arg0: i32, %arg1: memref<2x1000x128xf32, #tpu.memory_space<vmem>>, %arg2: memref<2x1000x128xf32, #tpu.memory_space<vmem>>, %arg3: memref<1x128xf32, #tpu.memory_space<vmem>>, %arg4: memref<1000x128xf32, #tpu.memory_space<vmem>>, %arg5: memref<128x128xf32, #tpu.memory_space<vmem>>, %arg6: memref<1000x128xf32, #tpu.memory_space<vmem>>, %arg7: memref<1000x128xf32, #tpu.memory_space<vmem>>) attributes {dimension_semantics = [#tpu.dimension_semantics<arbitrary>], iteration_bounds = array<i64: 10>, scalar_prefetch = 0 : i64, scratch_operands = 0 : i64, tpu.core_type = #tpu.core_type<tc>, window_params = [{transform_indices = @transform_0, window_bounds = array<i64: 2, 1000, 128>}, {transform_indices = @transform_1, window_bounds = array<i64: 2, 1000, 128>}, {pipeline_mode = #tpu.pipeline_mode<synchronous>, transform_indices = @transform_2, window_bounds = array<i64: 1, 128>}, {transform_indices = @transform_3, window_bounds = array<i64: 1000, 128>}, {pipeline_mode = #tpu.pipeline_mode<synchronous>, transform_indices = @transform_4, window_bounds = array<i64: 128, 128>}, {transform_indices = @transform_5, window_bounds = array<i64: 1000, 128>}, {transform_indices = @transform_6, window_bounds = array<i64: 1000, 128>}]} {
    %get3A = arith.constant 0 : index
    %get3A_0 = arith.constant 0 : index
    %get3A_1 = arith.constant 0 : index
    %get3A_2 = vector.load %arg1[%get3A, %get3A_0, %get3A_1] : memref<2x1000x128xf32, #tpu.memory_space<vmem>>, vector<1x1000x1xf32>
    %get3A_3 = vector.shape_cast %get3A_2 : vector<1x1000x1xf32> to vector<1000x1xf32>
    %get3A_4 = arith.constant 1 : index
    %get3A_5 = arith.constant 0 : index
    %get3A_6 = arith.constant 0 : index
    %get3A_7 = vector.load %arg1[%get3A_4, %get3A_5, %get3A_6] : memref<2x1000x128xf32, #tpu.memory_space<vmem>>, vector<1x1000x1xf32>
    %get3A_8 = vector.shape_cast %get3A_7 : vector<1x1000x1xf32> to vector<1000x1xf32>
    %add3A = arith.addf %get3A_3, %get3A_8 : vector<1000x1xf32>
    %gt3A = arith.constant 0.000000e+00 : f32
    %gt3A_9 = vector.broadcast %gt3A : f32 to vector<1000x1xf32>
    %gt3A_10 = arith.cmpf ogt, %add3A, %gt3A_9 : vector<1000x1xf32>
    %rsqrt3A = math.rsqrt %add3A : vector<1000x1xf32>
    %jit3A = arith.constant 0.000000e+00 : f32
    %broadcast_in_dim3A = vector.broadcast %jit3A : f32 to vector<1000x1xf32>
    %select_n3A = arith.select %gt3A_10, %rsqrt3A, %broadcast_in_dim3A : vector<1000x1xi1>, vector<1000x1xf32>
    %get3A_11 = arith.constant 0 : index
    %get3A_12 = arith.constant 0 : index
    %get3A_13 = arith.constant 0 : index
    %get3A_14 = vector.load %arg2[%get3A_11, %get3A_12, %get3A_13] : memref<2x1000x128xf32, #tpu.memory_space<vmem>>, vector<1x1000x128xf32>
    %get3A_15 = vector.shape_cast %get3A_14 : vector<1x1000x128xf32> to vector<1000x128xf32>
    %get3A_16 = arith.constant 1 : index
    %get3A_17 = arith.constant 0 : index
    %get3A_18 = arith.constant 0 : index
    %get3A_19 = vector.load %arg2[%get3A_16, %get3A_17, %get3A_18] : memref<2x1000x128xf32, #tpu.memory_space<vmem>>, vector<1x1000x128xf32>
    %get3A_20 = vector.shape_cast %get3A_19 : vector<1x1000x128xf32> to vector<1000x128xf32>
    %add3A_21 = arith.addf %get3A_15, %get3A_20 : vector<1000x128xf32>
    %mul3A = vector.broadcast %select_n3A : vector<1000x1xf32> to vector<1000x128xf32>
    %mul3A_22 = arith.mulf %mul3A, %add3A_21 : vector<1000x128xf32>
    %get3A_23 = arith.constant 0 : index
    %get3A_24 = arith.constant 0 : index
    %get3A_25 = vector.load %arg3[%get3A_23, %get3A_24] : memref<1x128xf32, #tpu.memory_space<vmem>>, vector<1x128xf32>
    %add3A_26 = vector.broadcast %get3A_25 : vector<1x128xf32> to vector<1000x128xf32>
    %add3A_27 = arith.addf %mul3A_22, %add3A_26 : vector<1000x128xf32>
    %max3A = arith.constant 0.000000e+00 : f32
    %max3A_28 = vector.broadcast %max3A : f32 to vector<1000x128xf32>
    %max3A_29 = arith.maximumf %add3A_27, %max3A_28 : vector<1000x128xf32>
    %get3A_30 = arith.constant 0 : index
    %get3A_31 = arith.constant 0 : index
    %get3A_32 = vector.load %arg4[%get3A_30, %get3A_31] : memref<1000x128xf32, #tpu.memory_space<vmem>>, vector<1000x128xf32>
    %add3A_33 = arith.addf %max3A_29, %get3A_32 : vector<1000x128xf32>
    %swap3A = arith.constant 0 : index
    %swap3A_34 = arith.constant 0 : index
    %swap3A_35 = vector.load %arg6[%swap3A, %swap3A_34] : memref<1000x128xf32, #tpu.memory_space<vmem>>, vector<1000x128xf32>
    tpu.vector_store %arg6[%swap3A, %swap3A_34], %add3A_33 {strides = array<i32>} : memref<1000x128xf32, #tpu.memory_space<vmem>>, vector<1000x128xf32>,
    %get3A_36 = arith.constant 0 : index
    %get3A_37 = arith.constant 0 : index
    %get3A_38 = vector.load %arg5[%get3A_36, %get3A_37] : memref<128x128xf32, #tpu.memory_space<vmem>>, vector<128x128xf32>
    %dot_general3A = arith.constant dense<0.000000e+00> : vector<1000x128xf32>
    %dot_general3A_39 = tpu.matmul %add3A_33, %get3A_38, %dot_general3A {dimension_numbers = #tpu.dot_dimension_numbers<[1], [0], [0], [1], [0, 0, 1, 1], [], []>, transpose_lhs_hint = false} : vector<1000x128xf32>, vector<128x128xf32>, vector<1000x128xf32> -> vector<1000x128xf32>
    %mul3A_40 = vector.broadcast %select_n3A : vector<1000x1xf32> to vector<1000x128xf32>
    %mul3A_41 = arith.mulf %mul3A_40, %dot_general3A_39 : vector<1000x128xf32>
    %swap3A_42 = arith.constant 0 : index
    %swap3A_43 = arith.constant 0 : index
    %swap3A_44 = vector.load %arg7[%swap3A_42, %swap3A_43] : memref<1000x128xf32, #tpu.memory_space<vmem>>, vector<1000x128xf32>
    tpu.vector_store %arg7[%swap3A_42, %swap3A_43], %mul3A_41 {strides = array<i32>} : memref<1000x128xf32, #tpu.memory_space<vmem>>, vector<1000x128xf32>,
    return
  }
  func.func @transform_0(%arg0: i32) -> (i32, i32, i32) {
    %c0_i32 = arith.constant 0 : i32
    %c0_i32_0 = arith.constant 0 : i32
    %c0_i32_1 = arith.constant 0 : i32
    return %c0_i32, %arg0, %c0_i32_0 : i32, i32, i32
  }
  func.func @transform_1(%arg0: i32) -> (i32, i32, i32) {
    %c0_i32 = arith.constant 0 : i32
    %c0_i32_0 = arith.constant 0 : i32
    %c0_i32_1 = arith.constant 0 : i32
    return %c0_i32, %arg0, %c0_i32_0 : i32, i32, i32
  }
  func.func @transform_2(%arg0: i32) -> (i32, i32) {
    %c0_i32 = arith.constant 0 : i32
    %c0_i32_0 = arith.constant 0 : i32
    %c0_i32_1 = arith.constant 0 : i32
    return %c0_i32, %c0_i32_0 : i32, i32
  }
  func.func @transform_3(%arg0: i32) -> (i32, i32) {
    %c0_i32 = arith.constant 0 : i32
    %c0_i32_0 = arith.constant 0 : i32
    return %arg0, %c0_i32 : i32, i32
  }
  func.func @transform_4(%arg0: i32) -> (i32, i32) {
    %c0_i32 = arith.constant 0 : i32
    %c0_i32_0 = arith.constant 0 : i32
    %c0_i32_1 = arith.constant 0 : i32
    return %c0_i32, %c0_i32_0 : i32, i32
  }
  func.func @transform_5(%arg0: i32) -> (i32, i32) {
    %c0_i32 = arith.constant 0 : i32
    %c0_i32_0 = arith.constant 0 : i32
    return %arg0, %c0_i32 : i32, i32
  }
  func.func @transform_6(%arg0: i32) -> (i32, i32) {
    %c0_i32 = arith.constant 0 : i32
    %c0_i32_0 = arith.constant 0 : i32
    return %arg0, %c0_i32 : i32, i32
  }
}

module attributes {stable_mosaic.version = 14 : i64} {
  func.func @_tc3_body(%arg0: i32, %arg1: memref<2x1000x128xf32, #tpu.memory_space<vmem>>, %arg2: memref<2x1000x128xf32, #tpu.memory_space<vmem>>, %arg3: memref<1x128xf32, #tpu.memory_space<vmem>>, %arg4: memref<1000x128xf32, #tpu.memory_space<vmem>>, %arg5: memref<1000x128xf32, #tpu.memory_space<vmem>>) attributes {dimension_semantics = [#tpu.dimension_semantics<arbitrary>], iteration_bounds = array<i64: 10>, scalar_prefetch = 0 : i64, scratch_operands = 0 : i64, tpu.core_type = #tpu.core_type<tc>, window_params = [{transform_indices = @transform_0, window_bounds = array<i64: 2, 1000, 128>}, {transform_indices = @transform_1, window_bounds = array<i64: 2, 1000, 128>}, {pipeline_mode = #tpu.pipeline_mode<synchronous>, transform_indices = @transform_2, window_bounds = array<i64: 1, 128>}, {transform_indices = @transform_3, window_bounds = array<i64: 1000, 128>}, {transform_indices = @transform_4, window_bounds = array<i64: 1000, 128>}]} {
    %get3A = arith.constant 0 : index
    %get3A_0 = arith.constant 0 : index
    %get3A_1 = arith.constant 0 : index
    %get3A_2 = vector.load %arg1[%get3A, %get3A_0, %get3A_1] : memref<2x1000x128xf32, #tpu.memory_space<vmem>>, vector<1x1000x1xf32>
    %get3A_3 = vector.shape_cast %get3A_2 : vector<1x1000x1xf32> to vector<1000x1xf32>
    %get3A_4 = arith.constant 1 : index
    %get3A_5 = arith.constant 0 : index
    %get3A_6 = arith.constant 0 : index
    %get3A_7 = vector.load %arg1[%get3A_4, %get3A_5, %get3A_6] : memref<2x1000x128xf32, #tpu.memory_space<vmem>>, vector<1x1000x1xf32>
    %get3A_8 = vector.shape_cast %get3A_7 : vector<1x1000x1xf32> to vector<1000x1xf32>
    %add3A = arith.addf %get3A_3, %get3A_8 : vector<1000x1xf32>
    %gt3A = arith.constant 0.000000e+00 : f32
    %gt3A_9 = vector.broadcast %gt3A : f32 to vector<1000x1xf32>
    %gt3A_10 = arith.cmpf ogt, %add3A, %gt3A_9 : vector<1000x1xf32>
    %rsqrt3A = math.rsqrt %add3A : vector<1000x1xf32>
    %jit3A = arith.constant 0.000000e+00 : f32
    %broadcast_in_dim3A = vector.broadcast %jit3A : f32 to vector<1000x1xf32>
    %select_n3A = arith.select %gt3A_10, %rsqrt3A, %broadcast_in_dim3A : vector<1000x1xi1>, vector<1000x1xf32>
    %get3A_11 = arith.constant 0 : index
    %get3A_12 = arith.constant 0 : index
    %get3A_13 = arith.constant 0 : index
    %get3A_14 = vector.load %arg2[%get3A_11, %get3A_12, %get3A_13] : memref<2x1000x128xf32, #tpu.memory_space<vmem>>, vector<1x1000x128xf32>
    %get3A_15 = vector.shape_cast %get3A_14 : vector<1x1000x128xf32> to vector<1000x128xf32>
    %get3A_16 = arith.constant 1 : index
    %get3A_17 = arith.constant 0 : index
    %get3A_18 = arith.constant 0 : index
    %get3A_19 = vector.load %arg2[%get3A_16, %get3A_17, %get3A_18] : memref<2x1000x128xf32, #tpu.memory_space<vmem>>, vector<1x1000x128xf32>
    %get3A_20 = vector.shape_cast %get3A_19 : vector<1x1000x128xf32> to vector<1000x128xf32>
    %add3A_21 = arith.addf %get3A_15, %get3A_20 : vector<1000x128xf32>
    %mul3A = vector.broadcast %select_n3A : vector<1000x1xf32> to vector<1000x128xf32>
    %mul3A_22 = arith.mulf %mul3A, %add3A_21 : vector<1000x128xf32>
    %get3A_23 = arith.constant 0 : index
    %get3A_24 = arith.constant 0 : index
    %get3A_25 = vector.load %arg3[%get3A_23, %get3A_24] : memref<1x128xf32, #tpu.memory_space<vmem>>, vector<1x128xf32>
    %add3A_26 = vector.broadcast %get3A_25 : vector<1x128xf32> to vector<1000x128xf32>
    %add3A_27 = arith.addf %mul3A_22, %add3A_26 : vector<1000x128xf32>
    %max3A = arith.constant 0.000000e+00 : f32
    %max3A_28 = vector.broadcast %max3A : f32 to vector<1000x128xf32>
    %max3A_29 = arith.maximumf %add3A_27, %max3A_28 : vector<1000x128xf32>
    %get3A_30 = arith.constant 0 : index
    %get3A_31 = arith.constant 0 : index
    %get3A_32 = vector.load %arg4[%get3A_30, %get3A_31] : memref<1000x128xf32, #tpu.memory_space<vmem>>, vector<1000x128xf32>
    %add3A_33 = arith.addf %max3A_29, %get3A_32 : vector<1000x128xf32>
    %swap3A = arith.constant 0 : index
    %swap3A_34 = arith.constant 0 : index
    %swap3A_35 = vector.load %arg5[%swap3A, %swap3A_34] : memref<1000x128xf32, #tpu.memory_space<vmem>>, vector<1000x128xf32>
    tpu.vector_store %arg5[%swap3A, %swap3A_34], %add3A_33 {strides = array<i32>} : memref<1000x128xf32, #tpu.memory_space<vmem>>, vector<1000x128xf32>,
    return
  }
  func.func @transform_0(%arg0: i32) -> (i32, i32, i32) {
    %c0_i32 = arith.constant 0 : i32
    %c0_i32_0 = arith.constant 0 : i32
    %c0_i32_1 = arith.constant 0 : i32
    return %c0_i32, %arg0, %c0_i32_0 : i32, i32, i32
  }
  func.func @transform_1(%arg0: i32) -> (i32, i32, i32) {
    %c0_i32 = arith.constant 0 : i32
    %c0_i32_0 = arith.constant 0 : i32
    %c0_i32_1 = arith.constant 0 : i32
    return %c0_i32, %arg0, %c0_i32_0 : i32, i32, i32
  }
  func.func @transform_2(%arg0: i32) -> (i32, i32) {
    %c0_i32 = arith.constant 0 : i32
    %c0_i32_0 = arith.constant 0 : i32
    %c0_i32_1 = arith.constant 0 : i32
    return %c0_i32, %c0_i32_0 : i32, i32
  }
  func.func @transform_3(%arg0: i32) -> (i32, i32) {
    %c0_i32 = arith.constant 0 : i32
    %c0_i32_0 = arith.constant 0 : i32
    return %arg0, %c0_i32 : i32, i32
  }
  func.func @transform_4(%arg0: i32) -> (i32, i32) {
    %c0_i32 = arith.constant 0 : i32
    %c0_i32_0 = arith.constant 0 : i32
    return %arg0, %c0_i32 : i32, i32
  }
}

</mosaic_0001>

<sc_bundles>
// kernel: kernel.12.cloned.1.call-start
scs
__scs_entry_jumppad:
0x0: {  	(pc) =	sbr.rel $0x88, $3  }
0x1: {  	(tag) =	ssettag $0x0;
	lr =	simm.s32 $0x1  }
0x2: {  	[smem:$0x3F99] =	sst lr;
	_ =	strace $0xD0000000  }
0x3: {  	_ = 	snop  }
0x4: {  	_ = 	snop  }
0x5: {  	_ = 	snop  }
0x6: {  	_ = 	snop  }
0x7: {  	_ = 	snop  }
__scs_overlays_trampoline_lowered:
0x8: {  	[smem:$0x3FA8] =	sst s0  }
0x9: {  	[smem:$0x3FA9] =	sst s1  }
0xa: {  	[smem:$0x3FAA] =	sst s2  }
0xb: {  	[smem:$0x3FAB] =	sst s3  }
0xc: {  	[smem:$0x3FAC] =	sst s4  }
0xd: {  	[smem:$0x3FAD] =	sst s5  }
0xe: {  	[smem:$0x3FAE] =	sst s6  }
0xf: {  	[smem:$0x3FAF] =	sst s7  }
0x10: {  	[smem:$0x3FB0] =	sst s8  }
0x11: {  	[smem:$0x3FB1] =	sst s9;
	s0 =	simm.s32 @!p0 $0x0  }
0x12: {  	s1 =	sld [smem:$0x3F97];
	s0 =	simm.s32 @p0 $0x1  }
0x13: {  	[smem:$0x3FB2] =	sst s0;
	s0 =	simm.s32 @!p1 $0x0  }
0x14: {  	s2 =	sld [smem:$0x3F96];
	s0 =	simm.s32 @p1 $0x1  }
0x15: {  	[smem:$0x3FB3] =	sst s0;
	s0 =	simm.s32 @!p2 $0x0  }
0x16: {  	s3 =	sld [smem:$0x3FDB];
	s0 =	simm.s32 @p2 $0x1  }
0x17: {  	s4 =	simm.s32 $0x1BF5;
	[smem:$0x3FB5] =	sst s0  }
0x18: {  	s0 =	sld [smem:$0x3F98];
	_ =	swait.ge [sflag:s4], $0x0  }
0x19: {  	s7 =	sld [smem:$0x3F99]  }
0x1a: {  	s8 =	sadd.s32 $0xFFFFE003, lr  }
0x1b: {  	s9 =	sadd.s32 $0xFFFFFEF7, lr;
	s5 =	simm.s32 $0xFFFFFFFF;
	p2 =	slt.u32 s8, $0xFFFFF086  }
0x1c: {  	p1 =	slt.u32 s9, $0xF7A;
	s5 =	simm.s32 @!p2 $0x0  }
0x1d: {  	s5 =	simm.s32 @p1 $0x1;
	p0 =	seq.s32 s7, s2  }
0x1e: {  	s7 =	smul.u32 @!p0 $0xF7A, s2;
	p2 =	seq.s32 @!p0 s5, $0x0  }
0x1f: {  	s9 =	smul.u32 $0xF7A, s1;
	s8 =	simm.s32 @!p0 $0x1BF5;
	p2 =	por !p2, p0  }
0x20: {  	[sflag:s8] =	ssyncset.s32 @!p0 $0xFFFFF086;
	s6 =	sadd.s32 @!p0 s3, s7;
	s7 =	simm.s32 @!p0 $0x108  }
0x21: {  	s3 =	sadd.s32 s3, s9;
	s6 =	sadd.s32 @!p0 $0x88, s6;
	s7 =	simm.s32 @p2 $0x1082  }
0x22: {  	[simem:s7], [sflag:s8] =	dma.local @!p0 [hbm:s6], $0xF7A  }
0x23: {  	s9 =	sor.u32 $0xD0000000, s2;
	s6 =	simm.s32 $0x108;
	_ =	swait.ge @!p0 [sflag:s8], $0x0  }
0x24: {  	s3 =	sadd.s32 $0x88, s3;
	s6 =	simm.s32 @!p1 $0x1082;
	[sflag:s4] =	ssyncset.s32 $0xFFFFF086  }
0x25: {  	[simem:s6], [sflag:s4] =	dma.local [hbm:s3], $0xF7A  }
0x26: {  	[smem:$0x3F99] =	sst s1;
	(tag) =	ssettag s2;
	_ =	strace s9  }
0x27: {  	s1 =	sld [smem:$0x3FA9]  }
0x28: {  	s2 =	sld [smem:$0x3FAA]  }
0x29: {  	s4 =	sld [smem:$0x3FAC]  }
0x2a: {  	p0 =	seq.s32 s5, $0x0;
	s5 =	sld [smem:$0x3FAD]  }
0x2b: {  	s6 =	sld [smem:$0x3FAE]  }
0x2c: {  	s7 =	sld [smem:$0x3FAF]  }
0x2d: {  	s3 =	simm.s32 $0x108;
	s8 =	sld [smem:$0x3FB0]  }
0x2e: {  	s3 =	simm.s32 @!p0 $0x1082;
	s9 =	sld [smem:$0x3FB1]  }
0x2f: {  	lr =	sadd.s32 s0, s3;
	s0 =	sld [smem:$0x3FA8]  }
0x30: {  	s3 =	sld [smem:$0x3FAB]  }
0x31: {  	[smem:$0x3FB4] =	sst s10  }
0x32: {  	s10 =	sld [smem:$0x3FB2];
	_ =	sdelay $0x3  }
0x33: {  	p0 =	seq.s32 s10, $0x1;
	s10 =	sld [smem:$0x3FB4];
	_ =	sdelay $0x3  }
0x34: {  	[smem:$0x3FB4] =	sst s10  }
0x35: {  	s10 =	sld [smem:$0x3FB3];
	_ =	sdelay $0x3  }
0x36: {  	p1 =	seq.s32 s10, $0x1;
	s10 =	sld [smem:$0x3FB4];
	_ =	sdelay $0x3  }
0x37: {  	[smem:$0x3FB4] =	sst s10  }
0x38: {  	s10 =	sld [smem:$0x3FB5]  }
0x39: {  	_ = 	snop;
	(pc) =	sbr.ind lr, $3  }
0x3a: {  	_ = 	snop  }
0x3b: {  	_ = 	snop  }
0x3c: {  	p2 =	seq.s32 s10, $0x1;
	s10 =	sld [smem:$0x3FB4]  }
0x3d: {  	_ =	shalt  }
0x3e: {  	_ =	shalt  }
0x3f: {  	_ =	shalt  }
0x40: {  	_ =	shalt  }
0x41: {  	_ =	shalt  }
0x42: {  	_ =	shalt  }
0x43: {  	_ =	shalt  }
0x44: {  	_ =	shalt  }
0x45: {  	_ =	shalt  }
0x46: {  	_ =	shalt  }
0x47: {  	_ =	shalt  }
0x48: {  	_ =	shalt  }
0x49: {  	_ =	shalt  }
0x4a: {  	_ =	shalt  }
0x4b: {  	_ =	shalt  }
0x4c: {  	_ =	shalt  }
0x4d: {  	_ =	shalt  }
0x4e: {  	_ =	shalt  }
0x4f: {  	_ =	shalt  }
0x50: {  	_ =	shalt  }
0x51: {  	_ =	shalt  }
0x52: {  	_ =	shalt  }
0x53: {  	_ =	shalt  }
0x54: {  	_ =	shalt  }
0x55: {  	_ =	shalt  }
0x56: {  	_ =	shalt  }
0x57: {  	_ =	shalt  }
0x58: {  	_ =	shalt  }
0x59: {  	_ =	shalt  }
0x5a: {  	_ =	shalt  }
0x5b: {  	_ =	shalt  }
0x5c: {  	_ =	shalt  }
0x5d: {  	_ =	shalt  }
0x5e: {  	_ =	shalt  }
0x5f: {  	_ =	shalt  }
0x60: {  	_ =	shalt  }
0x61: {  	_ =	shalt  }
0x62: {  	_ =	shalt  }
0x63: {  	_ =	shalt  }
0x64: {  	_ =	shalt  }
0x65: {  	_ =	shalt  }
0x66: {  	_ =	shalt  }
0x67: {  	_ =	shalt  }
0x68: {  	_ =	shalt  }
0x69: {  	_ =	shalt  }
0x6a: {  	_ =	shalt  }
0x6b: {  	_ =	shalt  }
0x6c: {  	_ =	shalt  }
0x6d: {  	_ =	shalt  }
0x6e: {  	_ =	shalt  }
0x6f: {  	_ =	shalt  }
0x70: {  	_ =	shalt  }
0x71: {  	_ =	shalt  }
0x72: {  	_ =	shalt  }
0x73: {  	_ =	shalt  }
0x74: {  	_ =	shalt  }
0x75: {  	_ =	shalt  }
0x76: {  	_ =	shalt  }
0x77: {  	_ =	shalt  }
0x78: {  	_ =	shalt  }
0x79: {  	_ =	shalt  }
0x7a: {  	_ =	shalt  }
0x7b: {  	_ =	shalt  }
0x7c: {  	_ =	shalt  }
0x7d: {  	_ =	shalt  }
0x7e: {  	_ =	shalt  }
0x7f: {  	_ =	shalt  }
0x80: {  	_ =	shalt  }
0x81: {  	_ =	shalt  }
0x82: {  	_ =	shalt  }
0x83: {  	_ =	shalt  }
0x84: {  	_ =	shalt  }
0x85: {  	_ =	shalt  }
0x86: {  	_ =	shalt  }
0x87: {  	_ =	shalt  }
.Lfunc_end0:
.L_simem_size_0:
called_computation.1_lowered:
.L_overlay_start_0:
0x88: {  	s2 =	sld [smem:$0x3FD9]  }
0x89: {  	s3 =	sld [smem:$0x3FFE];
	_ =	sdelay $0x1  }
0x8a: {  	s1 =	srdreg.scid  }
0x8b: {  	s0 =	sand.u32 $0x1, s1  }
0x8c: {  	s17 =	sshll.u32 s0, $0xA;
	s2 =	sadd.s32 s3, s2  }
0x8d: {  	s2 =	sadd.s32 s2, s17  }
0x8e: {  	[smem:$0x3FC0] =	sst s2  }
0x8f: {  	_ = 	snop  }
0x90: {  	s2 =	sld [smem:$0x3FD0];
	(tm) =	ssettm $0x1  }
0x91: {  	s18 =	sld [smem:$0x3FFB];
	_ =	sdelay $0x3  }
0x92: {  	_ =	strace s18  }
0x93: {  	s3 =	sld [smem:$0x3FFC];
	_ =	sdelay $0x3  }
0x94: {  	_ =	strace s3  }
0x95: {  	s3 =	sld [smem:$0x3FFD];
	_ =	sdelay $0x3  }
0x96: {  	_ =	strace s3  }
0x97: {  	_ =	strace $0x8FFFFFFF  }
0x98: {  	s19 =	sld [smem:$0x3FDB];
	_ =	sdelay $0x1  }
0x99: {  	s4 =	simm.s32 $_scs_section_size  }
0x9a: {  	s5 =	simm.s32 $_size__tile_overlayer_lowered;
	s6 =	simm.s32 $_tile_overlayer_lowered  }
0x9b: {  	s22 =	simm.s32 $0x1BFF;
	s21 =	sshll.u32 s6, $0x1;
	s3 =	sadd.s32 s4, s19  }
0x9c: {  	s7 =	simm.s32 $0x0;
	s20 =	sshll.u32 s5, $0x1;
	s5 =	sadd.s32 s21, s3  }
0x9d: {  	[timem:s7], [sflag:s22] =	dma.local [hbm:s5], s20  }
0x9e: {  	_ =	swait.ge [sflag:s22], s20  }
0x9f: {  	s4 =	ssub.s32 $0x0, s20;
	[sflag:s22] =	ssyncset.done $0x0  }
0xa0: {  	[sflag:s22] =	ssyncadd.s32 s4;
	_ =	sdelay $0x1  }
0xa1: {  	s23 =	simm.s32 $0x1B8B  }
0xa2: {  	_ =	swait.ge [sflag:s23], $0x1  }
0xa3: {  	[sflag:s23] =	ssyncset.done $0x0  }
0xa4: {  	s25 =	simm.s32 $0x1B8E;
	s24 =	sld [smem:$0x3FFE];
	[sflag:s23] =	ssyncadd.s32 $0xFFFFFFFF  }
0xa5: {  	s26 =	simm.s32 $execute0_lowered;
	[smem:$0x3FD2] =	sst s25  }
0xa6: {  	s5 =	sshll.u32 s26, $0x1;
	_ =	strace $0x80000049;
	[dreg:$0x1] =	wrdreg $0xFFFFFFFF  }
0xa7: {  	s28 =	simm.s32 $_size_execute0_lowered;
	s3 =	sadd.s32 s3, s5;
	[dreg:$0x0] =	wrdreg $0x0  }
0xa8: {  	s5 =	sshll.u32 s28, $0x1;
	[dreg:$0x2] =	wrdreg s3  }
0xa9: {  	[dreg:$0x3] =	wrdreg s5  }
0xaa: {  	[dreg:$0x4] =	wrdreg $0xC0  }
0xab: {  	_ =	task [dreg:s7], $0x5FFFF  }
0xac: {  	[dreg:$0x1] =	wrdreg $0xFFFFFFFF  }
0xad: {  	[dreg:$0x0] =	wrdreg $0x60  }
0xae: {  	[dreg:$0x2] =	wrdreg s2  }
0xaf: {  	[dreg:$0x3] =	wrdreg s24  }
0xb0: {  	[dreg:$0x4] =	wrdreg $0x88000  }
0xb1: {  	[dreg:$0x5] =	wrdreg $0x9  }
0xb2: {  	_ =	task.clear_ibuf [dreg:s7], $0x6FFFF;
	_ =	strace $0x90000049  }
0xb3: {  	s29 =	simm.s32 $0x9;
	_ =	strace $0x8000004B  }
0xb4: {  	_ =	swait.ge [sflag:s29], $0x1  }
0xb5: {  	[sflag:s29] =	ssyncadd.s32 $0xFFFFFFFF  }
0xb6: {  	_ =	strace $0x9000004B  }
0xb7: {  	_ =	sfence  }
0xb8: {  	s30 =	sld [smem:$0x0];
	_ =	sdelay $0x2  }
0xb9: {  	s31 =	sshll.u32 s1, $0xD;
	s1 =	sshrl.u32 s1, $0x2  }
0xba: {  	s3 =	sand.u32 $0x4000, s31;
	s1 =	sadd.s32 s1, s30  }
0xbb: {  	s0 =	sor.u32 s3, s0;
	s1 =	sshll.u32 s1, $0x11  }
0xbc: {  	s0 =	sor.u32 s1, s0  }
0xbd: {  	s0 =	sadd.s32 $0x8F2B, s0  }
0xbe: {  	[sflag:s0] =	ssyncadd.remote.s32 $0x1  }
0xbf: {  	_ =	sfence.sel $0xFFFF  }
0xc0: {  	[dreg:$0x0] =	wrdreg $0xFFFFFFFF;
	(pc) =	sbr.abs _section_cstart, $3  }
0xc1: {  	[dreg:$0x1] =	wrdreg $0xFFFFFFFF  }
0xc2: {  	_ =	task.clear_ibuf [dreg:s7], $0x2FFFF;
	_ =	strace $0x9FFFFFFF  }
0xc3: {  	(tm) =	ssettm $0x7FFFFFFF  }
tec
execute0_lowered:
.L_overlay_start_1:
0x0: {  	(tag) =	ssettag $0x1  }
0x1: {  	s1 =	rddreg [dreg:$0x0]  }
0x2: {  	s7 =	rddreg [dreg:$0x1]  }
0x3: {  	s3 =	rddreg [dreg:$0x2];
	s2 =	stileid.u32  }
0x4: {  	s0 =	rddreg [dreg:$0x3];
	s4 =	simm.s32 $0x0;
	s6 =	smul.u32 $0x4F000, s2  }
0x5: {  	s5 =	srdreg.scid;
	s17 =	simm.s32 $0x3;
	s13 =	smul.u32 $0x50, s2  }
0x6: {  	s18 =	simm.s32 $0x80;
	s19 =	simm.s32 $0x4800;
	s16 =	smul.u32 $0xA0, s2  }
0x7: {  	s20 =	simm.s32 $0x1;
	s9 =	sand.u32 $0x1, s5;
	s23 =	smul.u32 $0x2780, s2  }
0x8: {  	s21 =	simm.s32 $0x2;
	[smem:$0x7FF] =	sst s4;
	s8 =	smul.u32 $0x27800, s9  }
0x9: {  	s5 =	sadd.s32 $0x55000, s7;
	_ =	strace $0x8000004A;
	s11 =	smul.u32 $0x500, s9  }
0xa: {  	s10 =	ssub.s32 $0x2, s9;
	s30 =	smul.u32 $0xA00, s9;
	s6 =	sshrl.u32 s6, $0x2  }
0xb: {  	s12 =	sshrl.u32 s10, $0x1;
	s6 =	sadd.s32 s6, s3;
	s14 =	sadd.s32 s8, s7  }
0xc: {  	s15 =	ssub.s32 s10, s12;
	s29 =	sadd.s32 s13, s11;
	s31 =	sadd.s32 s16, s30  }
0xd: {  	s16 =	simm.s32 $0x4;
	s7 =	sadd.s32 $0x4000, s6;
	s8 =	sadd.s32 $0x8000, s6  }
0xe: {  	s9 =	sadd.s32 $0xC000, s6;
	s11 =	sshll.u32 s29, $0x1;
	s10 =	sadd.s32 $0x10000, s6  }
0xf: {  	s12 =	sshll.u32 s29, $0x5;
	s22 =	sadd.s32 $0x69000, s14;
	s13 =	smax.u32 s15, $0x1  }
0x10: {  	s14 =	sor.u32 $0x8, s31;
	s15 =	simm.s32 $0x800;
	s11 =	sadd.s32 $0x98, s11  }
0x11: {  	v0 =	vimm.f32 $0.0e+00;
	s12 =	sadd.s32 s5, s12;
	s22 =	sadd.s32 s23, s22;
	s23 =	simm.s32 $0x0  }
.LBB2_1:
0x12: {  	s24 =	simm.s32 $0x0;
	s25 =	simm.s32 $0x200  }
.LBB2_2:
0x13: {  	p0 =	sne.s32 s25, $0xFE00;
	[tilespmem:s24+$0x870] =	vst v0  }
0x14: {  	[tilespmem:s24+$0x800] =	vst v0  }
0x15: {  	[tilespmem:s24+$0x810] =	vst v0  }
.Ltmp0:
0x16: {  	[tilespmem:s24+$0x820] =	vst v0;
	(pc) =	sbr.rel @p0 .LBB2_2-.Ltmp0, $4  }
0x17: {  	[tilespmem:s24+$0x830] =	vst v0  }
0x18: {  	[tilespmem:s24+$0x840] =	vst v0  }
0x19: {  	[tilespmem:s24+$0x850] =	vst v0  }
0x1a: {  	[tilespmem:s24+$0x860] =	vst v0;
	s24 =	sshra.s32 s25, $0x2;
	s25 =	sadd.s32 $0x200, s25  }
0x1b: {  	[tilespmem:s24+$0x870] =	vst v0  }
0x1c: {  	[tilespmem:s24+$0x800] =	vst v0  }
0x1d: {  	[tilespmem:s24+$0x810] =	vst v0  }
0x1e: {  	[tilespmem:s24+$0x820] =	vst v0  }
0x1f: {  	[tilespmem:s24+$0x830] =	vst v0  }
0x20: {  	[tilespmem:s24+$0x840] =	vst v0  }
0x21: {  	[tilespmem:s24+$0x850] =	vst v0  }
0x22: {  	[tilespmem:s24+$0x860] =	vst v0  }
0x23: {  	[spmem:s6] =	stream.linear.scatter [tilespmem:s15], [sflag:$0x4], $0x4000, $0x38;
	[tilespmem:$0x1C400] =	vst v63  }
0x24: {  	_ =	swait.ge [sflag:s16], $0x4000  }
0x25: {  	[sflag:s16] =	ssyncset.done $0x0  }
0x26: {  	[sflag:s16] =	ssyncadd.s32 $0xFFFFC000  }
0x27: {  	[spmem:s7] =	stream.linear.scatter [tilespmem:s15], [sflag:$0x4], $0x4000, $0x38;
	[tilespmem:$0x1C400] =	vst v63  }
0x28: {  	_ =	swait.ge [sflag:s16], $0x4000  }
0x29: {  	[sflag:s16] =	ssyncset.done $0x0  }
0x2a: {  	[sflag:s16] =	ssyncadd.s32 $0xFFFFC000  }
0x2b: {  	[spmem:s8] =	stream.linear.scatter [tilespmem:s15], [sflag:$0x4], $0x4000, $0x38;
	[tilespmem:$0x1C400] =	vst v63  }
0x2c: {  	_ =	swait.ge [sflag:s16], $0x4000  }
0x2d: {  	[sflag:s16] =	ssyncset.done $0x0  }
0x2e: {  	[sflag:s16] =	ssyncadd.s32 $0xFFFFC000  }
0x2f: {  	[spmem:s9] =	stream.linear.scatter [tilespmem:s15], [sflag:$0x4], $0x4000, $0x38;
	[tilespmem:$0x1C400] =	vst v63  }
0x30: {  	_ =	swait.ge [sflag:s16], $0x4000  }
0x31: {  	[sflag:s16] =	ssyncset.done $0x0  }
0x32: {  	[sflag:s16] =	ssyncadd.s32 $0xFFFFC000  }
0x33: {  	[spmem:s10] =	stream.linear.scatter [tilespmem:s15], [sflag:$0x4], $0x3C00, $0x38;
	[tilespmem:$0x1C400] =	vst v63  }
0x34: {  	_ =	swait.ge [sflag:s16], $0x3C00  }
0x35: {  	s30 =	simm.s32 $0x1000;
	[sflag:s16] =	ssyncset.done $0x0  }
0x36: {  	p0 =	slt.s32 s14, s11;
	s25 =	smov.u32 s11;
	[sflag:s16] =	ssyncadd.s32 $0xFFFFC400  }
0x37: {  	s26 =	simm.s32 $0x0;
	s25 =	smov.u32 @p0 s14;
	[bflag:$0x0] =	sbarrier.arrive $0xFFFF  }
0x38: {  	[tilespmem:s4], [sflag:$0x3] =	stream.linear.gather [hbm4b:s12+s4], $0x400, $0x38;
	[tilespmem:$0x1C400] =	vst v63  }
0x39: {  	s24 =	sand.u32 $0x1000, s30;
	s25 =	sshll.u32 s25, $0x4;
	_ =	swait.ge [sflag:s17], $0x400  }
0x3a: {  	s26 =	sand.u32 $0x1000, s26;
	s25 =	sand.u32 $0x1FFFFFE0, s25;
	[sflag:s17] =	ssyncset.done $0x0  }
0x3b: {  	s24 =	sshrl.u32 s24, $0x2;
	s25 =	sadd.s32 s5, s25;
	[sflag:s17] =	ssyncadd.s32 $0xFFFFFC00  }
0x3c: {  	[tilespmem:s24], [sflag:$0x3] =	stream.linear.gather [hbm4b:s25+s4], $0x400, $0x38;
	[tilespmem:$0x1C400] =	vst v63  }
0x3d: {  	s24 =	sshrl.u32 s26, $0x2  }
0x3e: {  	[tilespmem:s15], [sflag:$0x1] =	stream.indirect.gather [hbm4b:s1+s18], $0x80, s24, s18, $0xb8;
	[tilespmem:$0x1C400] =	vst v63  }
0x3f: {  	s31 =	sor.u32 $0x80, s24  }
0x40: {  	[tilespmem:s19], [sflag:$0x2] =	stream.indirect.gather [hbm4b:s1+s18], $0x80, s31, s18, $0xb8;
	[tilespmem:$0x1C400] =	vst v63  }
0x41: {  	_ =	swait.ge [sflag:s20], $0x4000  }
0x42: {  	[sflag:s20] =	ssyncset.done $0x0  }
0x43: {  	s26 =	sor.u32 $0x200, s24;
	[sflag:s20] =	ssyncadd.s32 $0xFFFFC000  }
0x44: {  	[spmem:s3] =	stream.indirect.scatter.add.f32 [tilespmem:s15], [sflag:$0x4], $0x80, s26, s18, $0xb8;
	[tilespmem:$0x1C400] =	vst v63  }
0x45: {  	_ =	swait.ge [sflag:s16], $0x4000  }
0x46: {  	[sflag:s16] =	ssyncset.done $0x0  }
0x47: {  	s28 =	sor.u32 $0x100, s24;
	[sflag:s16] =	ssyncadd.s32 $0xFFFFC000  }
0x48: {  	[tilespmem:s15], [sflag:$0x1] =	stream.indirect.gather [hbm4b:s1+s18], $0x80, s28, s18, $0xb8;
	[tilespmem:$0x1C400] =	vst v63  }
0x49: {  	_ =	swait.ge [sflag:s21], $0x4000  }
0x4a: {  	[sflag:s21] =	ssyncset.done $0x0  }
0x4b: {  	s29 =	sor.u32 $0x280, s24;
	[sflag:s21] =	ssyncadd.s32 $0xFFFFC000  }
0x4c: {  	[spmem:s3] =	stream.indirect.scatter.add.f32 [tilespmem:s19], [sflag:$0x4], $0x80, s29, s18, $0xb8;
	[tilespmem:$0x1C400] =	vst v63  }
0x4d: {  	_ =	swait.ge [sflag:s16], $0x4000  }
0x4e: {  	[sflag:s16] =	ssyncset.done $0x0  }
0x4f: {  	s30 =	sor.u32 $0x180, s24;
	[sflag:s16] =	ssyncadd.s32 $0xFFFFC000  }
0x50: {  	[tilespmem:s19], [sflag:$0x2] =	stream.indirect.gather [hbm4b:s1+s18], $0x80, s30, s18, $0xb8;
	[tilespmem:$0x1C400] =	vst v63  }
0x51: {  	_ =	swait.ge [sflag:s20], $0x4000  }
0x52: {  	[sflag:s20] =	ssyncset.done $0x0  }
0x53: {  	s31 =	sor.u32 $0x300, s24;
	[sflag:s20] =	ssyncadd.s32 $0xFFFFC000  }
0x54: {  	[spmem:s3] =	stream.indirect.scatter.add.f32 [tilespmem:s15], [sflag:$0x4], $0x80, s31, s18, $0xb8;
	[tilespmem:$0x1C400] =	vst v63  }
0x55: {  	_ =	swait.ge [sflag:s16], $0x4000  }
0x56: {  	[sflag:s16] =	ssyncset.done $0x0  }
0x57: {  	[sflag:s16] =	ssyncadd.s32 $0xFFFFC000  }
0x58: {  	_ =	swait.ge [sflag:s21], $0x4000  }
0x59: {  	[sflag:s21] =	ssyncset.done $0x0  }
0x5a: {  	s24 =	sor.u32 $0x380, s24;
	[sflag:s21] =	ssyncadd.s32 $0xFFFFC000  }
0x5b: {  	[spmem:s3] =	stream.indirect.scatter.add.f32 [tilespmem:s19], [sflag:$0x4], $0x80, s24, s18, $0xb8;
	[tilespmem:$0x1C400] =	vst v63  }
0x5c: {  	s25 =	simm.s32 $0x3000;
	s24 =	sadd.s32 $0x8, s14;
	_ =	swait.ge [sflag:s16], $0x4000  }
0x5d: {  	s26 =	simm.s32 $0x2000;
	p1 =	slt.s32 s24, s11;
	[sflag:s16] =	ssyncset.done $0x0  }
.LBB2_4:
0x5e: {  	s28 =	sand.u32 $0x1000, s26;
	s29 =	smov.u32 s11  }
0x5f: {  	[sflag:s16] =	ssyncadd.s32 $0xFFFFC000;
	s30 =	smov.u32 s25;
	s29 =	smov.u32 @p1 s24  }
0x60: {  	s26 =	sadd.s32 $0xFFFFF000, s26;
	_ =	swait.ge [sflag:s17], $0x400;
	s29 =	sshll.u32 s29, $0x4  }
0x61: {  	s26 =	sand.u32 $0x1000, s26;
	[sflag:s17] =	ssyncset.done $0x0;
	s29 =	sand.u32 $0x1FFFFFE0, s29  }
0x62: {  	s28 =	sshrl.u32 s28, $0x2;
	[sflag:s17] =	ssyncadd.s32 $0xFFFFFC00;
	s29 =	sadd.s32 s5, s29  }
0x63: {  	[tilespmem:s28], [sflag:$0x3] =	stream.linear.gather [hbm4b:s29+s4], $0x400, $0x38;
	[tilespmem:$0x1C400] =	vst v63  }
0x64: {  	p0 =	sne.s32 s25, $0x14000;
	s25 =	sadd.s32 $0x1000, s25;
	s28 =	sshrl.u32 s26, $0x2  }
0x65: {  	[tilespmem:s15], [sflag:$0x1] =	stream.indirect.gather [hbm4b:s1+s18], $0x80, s28, s18, $0xb8;
	[tilespmem:$0x1C400] =	vst v63  }
0x66: {  	s26 =	smov.u32 s30;
	s29 =	sor.u32 $0x80, s28  }
0x67: {  	[tilespmem:s19], [sflag:$0x2] =	stream.indirect.gather [hbm4b:s1+s18], $0x80, s29, s18, $0xb8;
	[tilespmem:$0x1C400] =	vst v63  }
0x68: {  	_ =	swait.ge [sflag:s20], $0x4000  }
0x69: {  	[sflag:s20] =	ssyncset.done $0x0  }
0x6a: {  	s29 =	sor.u32 $0x200, s28;
	[sflag:s20] =	ssyncadd.s32 $0xFFFFC000  }
0x6b: {  	[spmem:s3] =	stream.indirect.scatter.add.f32 [tilespmem:s15], [sflag:$0x4], $0x80, s29, s18, $0xb8;
	[tilespmem:$0x1C400] =	vst v63  }
0x6c: {  	_ =	swait.ge [sflag:s16], $0x4000  }
0x6d: {  	[sflag:s16] =	ssyncset.done $0x0  }
0x6e: {  	s29 =	sor.u32 $0x100, s28;
	[sflag:s16] =	ssyncadd.s32 $0xFFFFC000  }
0x6f: {  	[tilespmem:s15], [sflag:$0x1] =	stream.indirect.gather [hbm4b:s1+s18], $0x80, s29, s18, $0xb8;
	[tilespmem:$0x1C400] =	vst v63  }
0x70: {  	_ =	swait.ge [sflag:s21], $0x4000  }
0x71: {  	[sflag:s21] =	ssyncset.done $0x0  }
0x72: {  	s29 =	sor.u32 $0x280, s28;
	[sflag:s21] =	ssyncadd.s32 $0xFFFFC000  }
0x73: {  	[spmem:s3] =	stream.indirect.scatter.add.f32 [tilespmem:s19], [sflag:$0x4], $0x80, s29, s18, $0xb8;
	[tilespmem:$0x1C400] =	vst v63  }
0x74: {  	_ =	swait.ge [sflag:s16], $0x4000  }
0x75: {  	[sflag:s16] =	ssyncset.done $0x0  }
0x76: {  	s29 =	sor.u32 $0x180, s28;
	[sflag:s16] =	ssyncadd.s32 $0xFFFFC000  }
0x77: {  	[tilespmem:s19], [sflag:$0x2] =	stream.indirect.gather [hbm4b:s1+s18], $0x80, s29, s18, $0xb8;
	[tilespmem:$0x1C400] =	vst v63  }
0x78: {  	_ =	swait.ge [sflag:s20], $0x4000  }
0x79: {  	[sflag:s20] =	ssyncset.done $0x0  }
0x7a: {  	s29 =	sor.u32 $0x300, s28;
	[sflag:s20] =	ssyncadd.s32 $0xFFFFC000  }
0x7b: {  	[spmem:s3] =	stream.indirect.scatter.add.f32 [tilespmem:s15], [sflag:$0x4], $0x80, s29, s18, $0xb8;
	[tilespmem:$0x1C400] =	vst v63  }
0x7c: {  	_ =	swait.ge [sflag:s16], $0x4000  }
0x7d: {  	[sflag:s16] =	ssyncset.done $0x0  }
0x7e: {  	[sflag:s16] =	ssyncadd.s32 $0xFFFFC000  }
0x7f: {  	_ =	swait.ge [sflag:s21], $0x4000  }
.Ltmp1:
0x80: {  	[sflag:s21] =	ssyncset.done $0x0;
	(pc) =	sbr.rel @p0 .LBB2_4-.Ltmp1, $4  }
0x81: {  	s28 =	sor.u32 $0x380, s28;
	[sflag:s21] =	ssyncadd.s32 $0xFFFFC000  }
0x82: {  	[spmem:s3] =	stream.indirect.scatter.add.f32 [tilespmem:s19], [sflag:$0x4], $0x80, s28, s18, $0xb8;
	[tilespmem:$0x1C400] =	vst v63  }
0x83: {  	s24 =	sadd.s32 $0x8, s24;
	_ =	swait.ge [sflag:s16], $0x4000  }
0x84: {  	p1 =	slt.s32 s24, s11;
	[sflag:s16] =	ssyncset.done $0x0  }
0x85: {  	s25 =	smov.u32 s11  }
0x86: {  	s28 =	sand.u32 $0x1000, s26;
	[sflag:s16] =	ssyncadd.s32 $0xFFFFC000;
	s25 =	smov.u32 @p1 s24  }
0x87: {  	s26 =	sadd.s32 $0xFFFFF000, s26;
	_ =	swait.ge [sflag:s17], $0x400;
	s25 =	sshll.u32 s25, $0x4  }
0x88: {  	s24 =	sand.u32 $0x1000, s26;
	[sflag:s17] =	ssyncset.done $0x0;
	s25 =	sand.u32 $0x1FFFFFE0, s25  }
0x89: {  	s28 =	sshrl.u32 s28, $0x2;
	[sflag:s17] =	ssyncadd.s32 $0xFFFFFC00;
	s25 =	sadd.s32 s5, s25  }
0x8a: {  	[tilespmem:s28], [sflag:$0x3] =	stream.linear.gather [hbm4b:s25+s4], $0x400, $0x38;
	[tilespmem:$0x1C400] =	vst v63  }
0x8b: {  	s24 =	sshrl.u32 s24, $0x2  }
0x8c: {  	[tilespmem:s15], [sflag:$0x1] =	stream.indirect.gather [hbm4b:s1+s18], $0x80, s24, s18, $0xb8;
	[tilespmem:$0x1C400] =	vst v63  }
0x8d: {  	s29 =	sor.u32 $0x80, s24  }
0x8e: {  	[tilespmem:s19], [sflag:$0x2] =	stream.indirect.gather [hbm4b:s1+s18], $0x80, s29, s18, $0xb8;
	[tilespmem:$0x1C400] =	vst v63  }
0x8f: {  	_ =	swait.ge [sflag:s20], $0x4000  }
0x90: {  	[sflag:s20] =	ssyncset.done $0x0  }
0x91: {  	s30 =	sor.u32 $0x200, s24;
	[sflag:s20] =	ssyncadd.s32 $0xFFFFC000  }
0x92: {  	[spmem:s3] =	stream.indirect.scatter.add.f32 [tilespmem:s15], [sflag:$0x4], $0x80, s30, s18, $0xb8;
	[tilespmem:$0x1C400] =	vst v63  }
0x93: {  	_ =	swait.ge [sflag:s16], $0x4000  }
0x94: {  	[sflag:s16] =	ssyncset.done $0x0  }
0x95: {  	s31 =	sor.u32 $0x100, s24;
	[sflag:s16] =	ssyncadd.s32 $0xFFFFC000  }
0x96: {  	[tilespmem:s15], [sflag:$0x1] =	stream.indirect.gather [hbm4b:s1+s18], $0x80, s31, s18, $0xb8;
	[tilespmem:$0x1C400] =	vst v63  }
0x97: {  	_ =	swait.ge [sflag:s21], $0x4000  }
0x98: {  	[sflag:s21] =	ssyncset.done $0x0  }
0x99: {  	s26 =	sor.u32 $0x280, s24;
	[sflag:s21] =	ssyncadd.s32 $0xFFFFC000  }
0x9a: {  	[spmem:s3] =	stream.indirect.scatter.add.f32 [tilespmem:s19], [sflag:$0x4], $0x80, s26, s18, $0xb8;
	[tilespmem:$0x1C400] =	vst v63  }
0x9b: {  	_ =	swait.ge [sflag:s16], $0x4000  }
0x9c: {  	[sflag:s16] =	ssyncset.done $0x0  }
0x9d: {  	s28 =	sor.u32 $0x180, s24;
	[sflag:s16] =	ssyncadd.s32 $0xFFFFC000  }
0x9e: {  	[tilespmem:s19], [sflag:$0x2] =	stream.indirect.gather [hbm4b:s1+s18], $0x80, s28, s18, $0xb8;
	[tilespmem:$0x1C400] =	vst v63  }
0x9f: {  	_ =	swait.ge [sflag:s20], $0x4000  }
0xa0: {  	[sflag:s20] =	ssyncset.done $0x0  }
0xa1: {  	s29 =	sor.u32 $0x300, s24;
	[sflag:s20] =	ssyncadd.s32 $0xFFFFC000  }
0xa2: {  	[spmem:s3] =	stream.indirect.scatter.add.f32 [tilespmem:s15], [sflag:$0x4], $0x80, s29, s18, $0xb8;
	[tilespmem:$0x1C400] =	vst v63  }
0xa3: {  	_ =	swait.ge [sflag:s16], $0x4000  }
0xa4: {  	[sflag:s16] =	ssyncset.done $0x0  }
0xa5: {  	[sflag:s16] =	ssyncadd.s32 $0xFFFFC000  }
0xa6: {  	_ =	swait.ge [sflag:s21], $0x4000  }
0xa7: {  	[sflag:s21] =	ssyncset.done $0x0  }
0xa8: {  	s24 =	sor.u32 $0x380, s24;
	[sflag:s21] =	ssyncadd.s32 $0xFFFFC000  }
0xa9: {  	[spmem:s3] =	stream.indirect.scatter.add.f32 [tilespmem:s19], [sflag:$0x4], $0x80, s24, s18, $0xb8;
	[tilespmem:$0x1C400] =	vst v63  }
0xaa: {  	_ =	swait.ge [sflag:s16], $0x4000  }
0xab: {  	[sflag:s16] =	ssyncset.done $0x0  }
0xac: {  	[sflag:s16] =	ssyncadd.s32 $0xFFFFC000  }
0xad: {  	s23 =	sadd.s32 $0x1, s23;
	_ =	swait.ge [sflag:s17], $0x400  }
0xae: {  	p0 =	sne.s32 s23, s13;
	[sflag:s17] =	ssyncset.done $0x0  }
0xaf: {  	s30 =	sshll.u32 s2, $0x6;
	s31 =	sshrl.u32 s6, $0x3;
	[sflag:s17] =	ssyncadd.s32 $0xFFFFFC00  }
.Ltmp2:
0xb0: {  	s24 =	sor.u32 $0x1C04, s30;
	[bflag:$0x0] =	sbarrier.arrive $0xFFFF;
	(pc) =	sbr.rel @p0 .LBB2_1-.Ltmp2, $4  }
0xb1: {  	[hbm:s22], [sflag:s24] =	dma.local [spmem:s31], $0x2780  }
0xb2: {  	_ =	swait.ge [sflag:s16], $0x2780  }
0xb3: {  	[sflag:s16] =	ssyncset.done $0x0  }
0xb4: {  	[sflag:s16] =	ssyncadd.s32 $0xFFFFD880  }
0xb5: {  	_ =	sfence.sel $0x180000  }
0xb6: {  	[bflag:$0x0] =	sbarrier.arrive $0xFFFF  }
0xb7: {  	p0 =	sne.s32 s2, $0x0;
	_ =	strace $0x9000004A  }
0xb8: {  	s0 =	sadd.s32 @!p0 $0x100000, s0;
	[bflag:$0x2] =	sbarrier.arrive $0xFFFF  }
0xb9: {  	[sflag:s0] =	ssyncadd.tile.s32 @!p0 $0x1;
	_ =	shalt  }
.Lfunc_end2:
_tile_overlayer_lowered:
.L_overlay_start_2:
0xba: {  	(tag) =	ssettag $0x2  }
0xbb: {  	s0 =	rddreg [dreg:$0x0];
	s2 =	stileid.u32  }
0xbc: {  	s1 =	rddreg [dreg:$0x1];
	p0 =	sne.s32 s2, $0x0  }
0xbd: {  	s3 =	rddreg [dreg:$0x2];
	[bflag:$0x3] =	sbarrier.arrive $0xFFFF;
	s2 =	simm.s32 @!p0 $0x1C04  }
0xbe: {  	[timem:s3], [sflag:s2] =	dma.local @!p0 [hbm:s0], s1  }
0xbf: {  	s0 =	simm.s32 @!p0 $0x4  }
0xc0: {  	_ =	swait.ge @!p0 [sflag:s0], s1  }
0xc1: {  	s1 =	ssub.s32 @!p0 $0x0, s1;
	[sflag:s0] =	ssyncset.done @!p0 $0x0  }
0xc2: {  	[sflag:s0] =	ssyncadd.s32 @!p0 s1  }
0xc3: {  	[bflag:$0x3] =	sbarrier.arrive $0xFFFF  }
0xc4: {  	_ =	shalt  }

// kernel: kernel.15.cloned.1.call-start
scs
__scs_entry_jumppad:
0x0: {  	(pc) =	sbr.rel $0x88, $3  }
0x1: {  	(tag) =	ssettag $0x0;
	lr =	simm.s32 $0x1  }
0x2: {  	[smem:$0x3F99] =	sst lr;
	_ =	strace $0xD0000000  }
0x3: {  	_ = 	snop  }
0x4: {  	_ = 	snop  }
0x5: {  	_ = 	snop  }
0x6: {  	_ = 	snop  }
0x7: {  	_ = 	snop  }
__scs_overlays_trampoline_lowered:
0x8: {  	[smem:$0x3FA8] =	sst s0  }
0x9: {  	[smem:$0x3FA9] =	sst s1  }
0xa: {  	[smem:$0x3FAA] =	sst s2  }
0xb: {  	[smem:$0x3FAB] =	sst s3  }
0xc: {  	[smem:$0x3FAC] =	sst s4  }
0xd: {  	[smem:$0x3FAD] =	sst s5  }
0xe: {  	[smem:$0x3FAE] =	sst s6  }
0xf: {  	[smem:$0x3FAF] =	sst s7  }
0x10: {  	[smem:$0x3FB0] =	sst s8  }
0x11: {  	[smem:$0x3FB1] =	sst s9;
	s0 =	simm.s32 @!p0 $0x0  }
0x12: {  	s1 =	sld [smem:$0x3F97];
	s0 =	simm.s32 @p0 $0x1  }
0x13: {  	[smem:$0x3FB2] =	sst s0;
	s0 =	simm.s32 @!p1 $0x0  }
0x14: {  	s2 =	sld [smem:$0x3F96];
	s0 =	simm.s32 @p1 $0x1  }
0x15: {  	[smem:$0x3FB3] =	sst s0;
	s0 =	simm.s32 @!p2 $0x0  }
0x16: {  	s3 =	sld [smem:$0x3FDB];
	s0 =	simm.s32 @p2 $0x1  }
0x17: {  	s4 =	simm.s32 $0x1BF5;
	[smem:$0x3FB5] =	sst s0  }
0x18: {  	s0 =	sld [smem:$0x3F98];
	_ =	swait.ge [sflag:s4], $0x0  }
0x19: {  	s7 =	sld [smem:$0x3F99]  }
0x1a: {  	s8 =	sadd.s32 $0xFFFFE003, lr  }
0x1b: {  	s9 =	sadd.s32 $0xFFFFFEF7, lr;
	s5 =	simm.s32 $0xFFFFFFFF;
	p2 =	slt.u32 s8, $0xFFFFF086  }
0x1c: {  	p1 =	slt.u32 s9, $0xF7A;
	s5 =	simm.s32 @!p2 $0x0  }
0x1d: {  	s5 =	simm.s32 @p1 $0x1;
	p0 =	seq.s32 s7, s2  }
0x1e: {  	s7 =	smul.u32 @!p0 $0xF7A, s2;
	p2 =	seq.s32 @!p0 s5, $0x0  }
0x1f: {  	s9 =	smul.u32 $0xF7A, s1;
	s8 =	simm.s32 @!p0 $0x1BF5;
	p2 =	por !p2, p0  }
0x20: {  	[sflag:s8] =	ssyncset.s32 @!p0 $0xFFFFF086;
	s6 =	sadd.s32 @!p0 s3, s7;
	s7 =	simm.s32 @!p0 $0x108  }
0x21: {  	s3 =	sadd.s32 s3, s9;
	s6 =	sadd.s32 @!p0 $0x88, s6;
	s7 =	simm.s32 @p2 $0x1082  }
0x22: {  	[simem:s7], [sflag:s8] =	dma.local @!p0 [hbm:s6], $0xF7A  }
0x23: {  	s9 =	sor.u32 $0xD0000000, s2;
	s6 =	simm.s32 $0x108;
	_ =	swait.ge @!p0 [sflag:s8], $0x0  }
0x24: {  	s3 =	sadd.s32 $0x88, s3;
	s6 =	simm.s32 @!p1 $0x1082;
	[sflag:s4] =	ssyncset.s32 $0xFFFFF086  }
0x25: {  	[simem:s6], [sflag:s4] =	dma.local [hbm:s3], $0xF7A  }
0x26: {  	[smem:$0x3F99] =	sst s1;
	(tag) =	ssettag s2;
	_ =	strace s9  }
0x27: {  	s1 =	sld [smem:$0x3FA9]  }
0x28: {  	s2 =	sld [smem:$0x3FAA]  }
0x29: {  	s4 =	sld [smem:$0x3FAC]  }
0x2a: {  	p0 =	seq.s32 s5, $0x0;
	s5 =	sld [smem:$0x3FAD]  }
0x2b: {  	s6 =	sld [smem:$0x3FAE]  }
0x2c: {  	s7 =	sld [smem:$0x3FAF]  }
0x2d: {  	s3 =	simm.s32 $0x108;
	s8 =	sld [smem:$0x3FB0]  }
0x2e: {  	s3 =	simm.s32 @!p0 $0x1082;
	s9 =	sld [smem:$0x3FB1]  }
0x2f: {  	lr =	sadd.s32 s0, s3;
	s0 =	sld [smem:$0x3FA8]  }
0x30: {  	s3 =	sld [smem:$0x3FAB]  }
0x31: {  	[smem:$0x3FB4] =	sst s10  }
0x32: {  	s10 =	sld [smem:$0x3FB2];
	_ =	sdelay $0x3  }
0x33: {  	p0 =	seq.s32 s10, $0x1;
	s10 =	sld [smem:$0x3FB4];
	_ =	sdelay $0x3  }
0x34: {  	[smem:$0x3FB4] =	sst s10  }
0x35: {  	s10 =	sld [smem:$0x3FB3];
	_ =	sdelay $0x3  }
0x36: {  	p1 =	seq.s32 s10, $0x1;
	s10 =	sld [smem:$0x3FB4];
	_ =	sdelay $0x3  }
0x37: {  	[smem:$0x3FB4] =	sst s10  }
0x38: {  	s10 =	sld [smem:$0x3FB5]  }
0x39: {  	_ = 	snop;
	(pc) =	sbr.ind lr, $3  }
0x3a: {  	_ = 	snop  }
0x3b: {  	_ = 	snop  }
0x3c: {  	p2 =	seq.s32 s10, $0x1;
	s10 =	sld [smem:$0x3FB4]  }
0x3d: {  	_ =	shalt  }
0x3e: {  	_ =	shalt  }
0x3f: {  	_ =	shalt  }
0x40: {  	_ =	shalt  }
0x41: {  	_ =	shalt  }
0x42: {  	_ =	shalt  }
0x43: {  	_ =	shalt  }
0x44: {  	_ =	shalt  }
0x45: {  	_ =	shalt  }
0x46: {  	_ =	shalt  }
0x47: {  	_ =	shalt  }
0x48: {  	_ =	shalt  }
0x49: {  	_ =	shalt  }
0x4a: {  	_ =	shalt  }
0x4b: {  	_ =	shalt  }
0x4c: {  	_ =	shalt  }
0x4d: {  	_ =	shalt  }
0x4e: {  	_ =	shalt  }
0x4f: {  	_ =	shalt  }
0x50: {  	_ =	shalt  }
0x51: {  	_ =	shalt  }
0x52: {  	_ =	shalt  }
0x53: {  	_ =	shalt  }
0x54: {  	_ =	shalt  }
0x55: {  	_ =	shalt  }
0x56: {  	_ =	shalt  }
0x57: {  	_ =	shalt  }
0x58: {  	_ =	shalt  }
0x59: {  	_ =	shalt  }
0x5a: {  	_ =	shalt  }
0x5b: {  	_ =	shalt  }
0x5c: {  	_ =	shalt  }
0x5d: {  	_ =	shalt  }
0x5e: {  	_ =	shalt  }
0x5f: {  	_ =	shalt  }
0x60: {  	_ =	shalt  }
0x61: {  	_ =	shalt  }
0x62: {  	_ =	shalt  }
0x63: {  	_ =	shalt  }
0x64: {  	_ =	shalt  }
0x65: {  	_ =	shalt  }
0x66: {  	_ =	shalt  }
0x67: {  	_ =	shalt  }
0x68: {  	_ =	shalt  }
0x69: {  	_ =	shalt  }
0x6a: {  	_ =	shalt  }
0x6b: {  	_ =	shalt  }
0x6c: {  	_ =	shalt  }
0x6d: {  	_ =	shalt  }
0x6e: {  	_ =	shalt  }
0x6f: {  	_ =	shalt  }
0x70: {  	_ =	shalt  }
0x71: {  	_ =	shalt  }
0x72: {  	_ =	shalt  }
0x73: {  	_ =	shalt  }
0x74: {  	_ =	shalt  }
0x75: {  	_ =	shalt  }
0x76: {  	_ =	shalt  }
0x77: {  	_ =	shalt  }
0x78: {  	_ =	shalt  }
0x79: {  	_ =	shalt  }
0x7a: {  	_ =	shalt  }
0x7b: {  	_ =	shalt  }
0x7c: {  	_ =	shalt  }
0x7d: {  	_ =	shalt  }
0x7e: {  	_ =	shalt  }
0x7f: {  	_ =	shalt  }
0x80: {  	_ =	shalt  }
0x81: {  	_ =	shalt  }
0x82: {  	_ =	shalt  }
0x83: {  	_ =	shalt  }
0x84: {  	_ =	shalt  }
0x85: {  	_ =	shalt  }
0x86: {  	_ =	shalt  }
0x87: {  	_ =	shalt  }
.Lfunc_end0:
.L_simem_size_0:
called_computation.2_lowered:
.L_overlay_start_0:
0x88: {  	s2 =	sld [smem:$0x3FD9]  }
0x89: {  	s3 =	sld [smem:$0x3FFE];
	_ =	sdelay $0x1  }
0x8a: {  	s1 =	srdreg.scid  }
0x8b: {  	s0 =	sand.u32 $0x1, s1  }
0x8c: {  	s17 =	sshll.u32 s0, $0xA;
	s2 =	sadd.s32 s3, s2  }
0x8d: {  	s2 =	sadd.s32 s2, s17  }
0x8e: {  	[smem:$0x3FC0] =	sst s2  }
0x8f: {  	_ = 	snop  }
0x90: {  	s2 =	sld [smem:$0x3FD0];
	(tm) =	ssettm $0x1  }
0x91: {  	s18 =	sld [smem:$0x3FFB];
	_ =	sdelay $0x3  }
0x92: {  	_ =	strace s18  }
0x93: {  	s3 =	sld [smem:$0x3FFC];
	_ =	sdelay $0x3  }
0x94: {  	_ =	strace s3  }
0x95: {  	s3 =	sld [smem:$0x3FFD];
	_ =	sdelay $0x3  }
0x96: {  	_ =	strace s3  }
0x97: {  	_ =	strace $0x8FFFFFFF  }
0x98: {  	s19 =	sld [smem:$0x3FDB];
	_ =	sdelay $0x1  }
0x99: {  	s4 =	simm.s32 $_scs_section_size  }
0x9a: {  	s5 =	simm.s32 $_size__tile_overlayer_lowered;
	s6 =	simm.s32 $_tile_overlayer_lowered  }
0x9b: {  	s22 =	simm.s32 $0x1BFF;
	s21 =	sshll.u32 s6, $0x1;
	s3 =	sadd.s32 s4, s19  }
0x9c: {  	s7 =	simm.s32 $0x0;
	s20 =	sshll.u32 s5, $0x1;
	s5 =	sadd.s32 s21, s3  }
0x9d: {  	[timem:s7], [sflag:s22] =	dma.local [hbm:s5], s20  }
0x9e: {  	_ =	swait.ge [sflag:s22], s20  }
0x9f: {  	s4 =	ssub.s32 $0x0, s20;
	[sflag:s22] =	ssyncset.done $0x0  }
0xa0: {  	[sflag:s22] =	ssyncadd.s32 s4;
	_ =	sdelay $0x1  }
0xa1: {  	s23 =	simm.s32 $0x1B8B  }
0xa2: {  	_ =	swait.ge [sflag:s23], $0x1  }
0xa3: {  	[sflag:s23] =	ssyncset.done $0x0  }
0xa4: {  	s25 =	simm.s32 $0x1B8E;
	s24 =	sld [smem:$0x3FFE];
	[sflag:s23] =	ssyncadd.s32 $0xFFFFFFFF  }
0xa5: {  	s26 =	simm.s32 $execute0_lowered;
	[smem:$0x3FD2] =	sst s25  }
0xa6: {  	s5 =	sshll.u32 s26, $0x1;
	_ =	strace $0x8000004C;
	[dreg:$0x1] =	wrdreg $0xFFFFFFFF  }
0xa7: {  	s28 =	simm.s32 $_size_execute0_lowered;
	s3 =	sadd.s32 s3, s5;
	[dreg:$0x0] =	wrdreg $0x0  }
0xa8: {  	s5 =	sshll.u32 s28, $0x1;
	[dreg:$0x2] =	wrdreg s3  }
0xa9: {  	[dreg:$0x3] =	wrdreg s5  }
0xaa: {  	[dreg:$0x4] =	wrdreg $0xC0  }
0xab: {  	_ =	task [dreg:s7], $0x5FFFF  }
0xac: {  	[dreg:$0x1] =	wrdreg $0xFFFFFFFF  }
0xad: {  	[dreg:$0x0] =	wrdreg $0x60  }
0xae: {  	[dreg:$0x2] =	wrdreg s2  }
0xaf: {  	[dreg:$0x3] =	wrdreg s24  }
0xb0: {  	[dreg:$0x4] =	wrdreg $0x88000  }
0xb1: {  	[dreg:$0x5] =	wrdreg $0x9  }
0xb2: {  	_ =	task.clear_ibuf [dreg:s7], $0x6FFFF;
	_ =	strace $0x9000004C  }
0xb3: {  	s29 =	simm.s32 $0x9;
	_ =	strace $0x8000004E  }
0xb4: {  	_ =	swait.ge [sflag:s29], $0x1  }
0xb5: {  	[sflag:s29] =	ssyncadd.s32 $0xFFFFFFFF  }
0xb6: {  	_ =	strace $0x9000004E  }
0xb7: {  	_ =	sfence  }
0xb8: {  	s30 =	sld [smem:$0x0];
	_ =	sdelay $0x2  }
0xb9: {  	s31 =	sshll.u32 s1, $0xD;
	s1 =	sshrl.u32 s1, $0x2  }
0xba: {  	s3 =	sand.u32 $0x4000, s31;
	s1 =	sadd.s32 s1, s30  }
0xbb: {  	s0 =	sor.u32 s3, s0;
	s1 =	sshll.u32 s1, $0x11  }
0xbc: {  	s0 =	sor.u32 s1, s0  }
0xbd: {  	s0 =	sadd.s32 $0x8F2B, s0  }
0xbe: {  	[sflag:s0] =	ssyncadd.remote.s32 $0x1  }
0xbf: {  	_ =	sfence.sel $0xFFFF  }
0xc0: {  	[dreg:$0x0] =	wrdreg $0xFFFFFFFF;
	(pc) =	sbr.abs _section_cstart, $3  }
0xc1: {  	[dreg:$0x1] =	wrdreg $0xFFFFFFFF  }
0xc2: {  	_ =	task.clear_ibuf [dreg:s7], $0x2FFFF;
	_ =	strace $0x9FFFFFFF  }
0xc3: {  	(tm) =	ssettm $0x7FFFFFFF  }
tec
execute0_lowered:
.L_overlay_start_1:
0x0: {  	(tag) =	ssettag $0x1  }
0x1: {  	s1 =	rddreg [dreg:$0x0]  }
0x2: {  	s7 =	rddreg [dreg:$0x1]  }
0x3: {  	s3 =	rddreg [dreg:$0x2];
	s2 =	stileid.u32  }
0x4: {  	s0 =	rddreg [dreg:$0x3];
	s4 =	simm.s32 $0x0;
	s6 =	smul.u32 $0x4F000, s2  }
0x5: {  	s5 =	srdreg.scid;
	s17 =	simm.s32 $0x3;
	s13 =	smul.u32 $0x50, s2  }
0x6: {  	s18 =	simm.s32 $0x80;
	s19 =	simm.s32 $0x4800;
	s16 =	smul.u32 $0xA0, s2  }
0x7: {  	s20 =	simm.s32 $0x1;
	s9 =	sand.u32 $0x1, s5;
	s23 =	smul.u32 $0x2780, s2  }
0x8: {  	s21 =	simm.s32 $0x2;
	[smem:$0x7FF] =	sst s4;
	s8 =	smul.u32 $0x27800, s9  }
0x9: {  	s5 =	sadd.s32 $0x55000, s7;
	_ =	strace $0x8000004D;
	s11 =	smul.u32 $0x500, s9  }
0xa: {  	s10 =	ssub.s32 $0x2, s9;
	s30 =	smul.u32 $0xA00, s9;
	s6 =	sshrl.u32 s6, $0x2  }
0xb: {  	s12 =	sshrl.u32 s10, $0x1;
	s6 =	sadd.s32 s6, s3;
	s14 =	sadd.s32 s8, s7  }
0xc: {  	s15 =	ssub.s32 s10, s12;
	s29 =	sadd.s32 s13, s11;
	s31 =	sadd.s32 s16, s30  }
0xd: {  	s16 =	simm.s32 $0x4;
	s7 =	sadd.s32 $0x4000, s6;
	s8 =	sadd.s32 $0x8000, s6  }
0xe: {  	s9 =	sadd.s32 $0xC000, s6;
	s11 =	sshll.u32 s29, $0x1;
	s10 =	sadd.s32 $0x10000, s6  }
0xf: {  	s12 =	sshll.u32 s29, $0x5;
	s22 =	sadd.s32 $0x69000, s14;
	s13 =	smax.u32 s15, $0x1  }
0x10: {  	s14 =	sor.u32 $0x8, s31;
	s15 =	simm.s32 $0x800;
	s11 =	sadd.s32 $0x98, s11  }
0x11: {  	v0 =	vimm.f32 $0.0e+00;
	s12 =	sadd.s32 s5, s12;
	s22 =	sadd.s32 s23, s22;
	s23 =	simm.s32 $0x0  }
.LBB2_1:
0x12: {  	s24 =	simm.s32 $0x0;
	s25 =	simm.s32 $0x200  }
.LBB2_2:
0x13: {  	p0 =	sne.s32 s25, $0xFE00;
	[tilespmem:s24+$0x870] =	vst v0  }
0x14: {  	[tilespmem:s24+$0x800] =	vst v0  }
0x15: {  	[tilespmem:s24+$0x810] =	vst v0  }
.Ltmp0:
0x16: {  	[tilespmem:s24+$0x820] =	vst v0;
	(pc) =	sbr.rel @p0 .LBB2_2-.Ltmp0, $4  }
0x17: {  	[tilespmem:s24+$0x830] =	vst v0  }
0x18: {  	[tilespmem:s24+$0x840] =	vst v0  }
0x19: {  	[tilespmem:s24+$0x850] =	vst v0  }
0x1a: {  	[tilespmem:s24+$0x860] =	vst v0;
	s24 =	sshra.s32 s25, $0x2;
	s25 =	sadd.s32 $0x200, s25  }
0x1b: {  	[tilespmem:s24+$0x870] =	vst v0  }
0x1c: {  	[tilespmem:s24+$0x800] =	vst v0  }
0x1d: {  	[tilespmem:s24+$0x810] =	vst v0  }
0x1e: {  	[tilespmem:s24+$0x820] =	vst v0  }
0x1f: {  	[tilespmem:s24+$0x830] =	vst v0  }
0x20: {  	[tilespmem:s24+$0x840] =	vst v0  }
0x21: {  	[tilespmem:s24+$0x850] =	vst v0  }
0x22: {  	[tilespmem:s24+$0x860] =	vst v0  }
0x23: {  	[spmem:s6] =	stream.linear.scatter [tilespmem:s15], [sflag:$0x4], $0x4000, $0x38;
	[tilespmem:$0x1C400] =	vst v63  }
0x24: {  	_ =	swait.ge [sflag:s16], $0x4000  }
0x25: {  	[sflag:s16] =	ssyncset.done $0x0  }
0x26: {  	[sflag:s16] =	ssyncadd.s32 $0xFFFFC000  }
0x27: {  	[spmem:s7] =	stream.linear.scatter [tilespmem:s15], [sflag:$0x4], $0x4000, $0x38;
	[tilespmem:$0x1C400] =	vst v63  }
0x28: {  	_ =	swait.ge [sflag:s16], $0x4000  }
0x29: {  	[sflag:s16] =	ssyncset.done $0x0  }
0x2a: {  	[sflag:s16] =	ssyncadd.s32 $0xFFFFC000  }
0x2b: {  	[spmem:s8] =	stream.linear.scatter [tilespmem:s15], [sflag:$0x4], $0x4000, $0x38;
	[tilespmem:$0x1C400] =	vst v63  }
0x2c: {  	_ =	swait.ge [sflag:s16], $0x4000  }
0x2d: {  	[sflag:s16] =	ssyncset.done $0x0  }
0x2e: {  	[sflag:s16] =	ssyncadd.s32 $0xFFFFC000  }
0x2f: {  	[spmem:s9] =	stream.linear.scatter [tilespmem:s15], [sflag:$0x4], $0x4000, $0x38;
	[tilespmem:$0x1C400] =	vst v63  }
0x30: {  	_ =	swait.ge [sflag:s16], $0x4000  }
0x31: {  	[sflag:s16] =	ssyncset.done $0x0  }
0x32: {  	[sflag:s16] =	ssyncadd.s32 $0xFFFFC000  }
0x33: {  	[spmem:s10] =	stream.linear.scatter [tilespmem:s15], [sflag:$0x4], $0x3C00, $0x38;
	[tilespmem:$0x1C400] =	vst v63  }
0x34: {  	_ =	swait.ge [sflag:s16], $0x3C00  }
0x35: {  	s30 =	simm.s32 $0x1000;
	[sflag:s16] =	ssyncset.done $0x0  }
0x36: {  	p0 =	slt.s32 s14, s11;
	s25 =	smov.u32 s11;
	[sflag:s16] =	ssyncadd.s32 $0xFFFFC400  }
0x37: {  	s26 =	simm.s32 $0x0;
	s25 =	smov.u32 @p0 s14;
	[bflag:$0x0] =	sbarrier.arrive $0xFFFF  }
0x38: {  	[tilespmem:s4], [sflag:$0x3] =	stream.linear.gather [hbm4b:s12+s4], $0x400, $0x38;
	[tilespmem:$0x1C400] =	vst v63  }
0x39: {  	s24 =	sand.u32 $0x1000, s30;
	s25 =	sshll.u32 s25, $0x4;
	_ =	swait.ge [sflag:s17], $0x400  }
0x3a: {  	s26 =	sand.u32 $0x1000, s26;
	s25 =	sand.u32 $0x1FFFFFE0, s25;
	[sflag:s17] =	ssyncset.done $0x0  }
0x3b: {  	s24 =	sshrl.u32 s24, $0x2;
	s25 =	sadd.s32 s5, s25;
	[sflag:s17] =	ssyncadd.s32 $0xFFFFFC00  }
0x3c: {  	[tilespmem:s24], [sflag:$0x3] =	stream.linear.gather [hbm4b:s25+s4], $0x400, $0x38;
	[tilespmem:$0x1C400] =	vst v63  }
0x3d: {  	s24 =	sshrl.u32 s26, $0x2  }
0x3e: {  	[tilespmem:s15], [sflag:$0x1] =	stream.indirect.gather [hbm4b:s1+s18], $0x80, s24, s18, $0xb8;
	[tilespmem:$0x1C400] =	vst v63  }
0x3f: {  	s31 =	sor.u32 $0x80, s24  }
0x40: {  	[tilespmem:s19], [sflag:$0x2] =	stream.indirect.gather [hbm4b:s1+s18], $0x80, s31, s18, $0xb8;
	[tilespmem:$0x1C400] =	vst v63  }
0x41: {  	_ =	swait.ge [sflag:s20], $0x4000  }
0x42: {  	[sflag:s20] =	ssyncset.done $0x0  }
0x43: {  	s26 =	sor.u32 $0x200, s24;
	[sflag:s20] =	ssyncadd.s32 $0xFFFFC000  }
0x44: {  	[spmem:s3] =	stream.indirect.scatter.add.f32 [tilespmem:s15], [sflag:$0x4], $0x80, s26, s18, $0xb8;
	[tilespmem:$0x1C400] =	vst v63  }
0x45: {  	_ =	swait.ge [sflag:s16], $0x4000  }
0x46: {  	[sflag:s16] =	ssyncset.done $0x0  }
0x47: {  	s28 =	sor.u32 $0x100, s24;
	[sflag:s16] =	ssyncadd.s32 $0xFFFFC000  }
0x48: {  	[tilespmem:s15], [sflag:$0x1] =	stream.indirect.gather [hbm4b:s1+s18], $0x80, s28, s18, $0xb8;
	[tilespmem:$0x1C400] =	vst v63  }
0x49: {  	_ =	swait.ge [sflag:s21], $0x4000  }
0x4a: {  	[sflag:s21] =	ssyncset.done $0x0  }
0x4b: {  	s29 =	sor.u32 $0x280, s24;
	[sflag:s21] =	ssyncadd.s32 $0xFFFFC000  }
0x4c: {  	[spmem:s3] =	stream.indirect.scatter.add.f32 [tilespmem:s19], [sflag:$0x4], $0x80, s29, s18, $0xb8;
	[tilespmem:$0x1C400] =	vst v63  }
0x4d: {  	_ =	swait.ge [sflag:s16], $0x4000  }
0x4e: {  	[sflag:s16] =	ssyncset.done $0x0  }
0x4f: {  	s30 =	sor.u32 $0x180, s24;
	[sflag:s16] =	ssyncadd.s32 $0xFFFFC000  }
0x50: {  	[tilespmem:s19], [sflag:$0x2] =	stream.indirect.gather [hbm4b:s1+s18], $0x80, s30, s18, $0xb8;
	[tilespmem:$0x1C400] =	vst v63  }
0x51: {  	_ =	swait.ge [sflag:s20], $0x4000  }
0x52: {  	[sflag:s20] =	ssyncset.done $0x0  }
0x53: {  	s31 =	sor.u32 $0x300, s24;
	[sflag:s20] =	ssyncadd.s32 $0xFFFFC000  }
0x54: {  	[spmem:s3] =	stream.indirect.scatter.add.f32 [tilespmem:s15], [sflag:$0x4], $0x80, s31, s18, $0xb8;
	[tilespmem:$0x1C400] =	vst v63  }
0x55: {  	_ =	swait.ge [sflag:s16], $0x4000  }
0x56: {  	[sflag:s16] =	ssyncset.done $0x0  }
0x57: {  	[sflag:s16] =	ssyncadd.s32 $0xFFFFC000  }
0x58: {  	_ =	swait.ge [sflag:s21], $0x4000  }
0x59: {  	[sflag:s21] =	ssyncset.done $0x0  }
0x5a: {  	s24 =	sor.u32 $0x380, s24;
	[sflag:s21] =	ssyncadd.s32 $0xFFFFC000  }
0x5b: {  	[spmem:s3] =	stream.indirect.scatter.add.f32 [tilespmem:s19], [sflag:$0x4], $0x80, s24, s18, $0xb8;
	[tilespmem:$0x1C400] =	vst v63  }
0x5c: {  	s25 =	simm.s32 $0x3000;
	s24 =	sadd.s32 $0x8, s14;
	_ =	swait.ge [sflag:s16], $0x4000  }
0x5d: {  	s26 =	simm.s32 $0x2000;
	p1 =	slt.s32 s24, s11;
	[sflag:s16] =	ssyncset.done $0x0  }
.LBB2_4:
0x5e: {  	s28 =	sand.u32 $0x1000, s26;
	s29 =	smov.u32 s11  }
0x5f: {  	[sflag:s16] =	ssyncadd.s32 $0xFFFFC000;
	s30 =	smov.u32 s25;
	s29 =	smov.u32 @p1 s24  }
0x60: {  	s26 =	sadd.s32 $0xFFFFF000, s26;
	_ =	swait.ge [sflag:s17], $0x400;
	s29 =	sshll.u32 s29, $0x4  }
0x61: {  	s26 =	sand.u32 $0x1000, s26;
	[sflag:s17] =	ssyncset.done $0x0;
	s29 =	sand.u32 $0x1FFFFFE0, s29  }
0x62: {  	s28 =	sshrl.u32 s28, $0x2;
	[sflag:s17] =	ssyncadd.s32 $0xFFFFFC00;
	s29 =	sadd.s32 s5, s29  }
0x63: {  	[tilespmem:s28], [sflag:$0x3] =	stream.linear.gather [hbm4b:s29+s4], $0x400, $0x38;
	[tilespmem:$0x1C400] =	vst v63  }
0x64: {  	p0 =	sne.s32 s25, $0x14000;
	s25 =	sadd.s32 $0x1000, s25;
	s28 =	sshrl.u32 s26, $0x2  }
0x65: {  	[tilespmem:s15], [sflag:$0x1] =	stream.indirect.gather [hbm4b:s1+s18], $0x80, s28, s18, $0xb8;
	[tilespmem:$0x1C400] =	vst v63  }
0x66: {  	s26 =	smov.u32 s30;
	s29 =	sor.u32 $0x80, s28  }
0x67: {  	[tilespmem:s19], [sflag:$0x2] =	stream.indirect.gather [hbm4b:s1+s18], $0x80, s29, s18, $0xb8;
	[tilespmem:$0x1C400] =	vst v63  }
0x68: {  	_ =	swait.ge [sflag:s20], $0x4000  }
0x69: {  	[sflag:s20] =	ssyncset.done $0x0  }
0x6a: {  	s29 =	sor.u32 $0x200, s28;
	[sflag:s20] =	ssyncadd.s32 $0xFFFFC000  }
0x6b: {  	[spmem:s3] =	stream.indirect.scatter.add.f32 [tilespmem:s15], [sflag:$0x4], $0x80, s29, s18, $0xb8;
	[tilespmem:$0x1C400] =	vst v63  }
0x6c: {  	_ =	swait.ge [sflag:s16], $0x4000  }
0x6d: {  	[sflag:s16] =	ssyncset.done $0x0  }
0x6e: {  	s29 =	sor.u32 $0x100, s28;
	[sflag:s16] =	ssyncadd.s32 $0xFFFFC000  }
0x6f: {  	[tilespmem:s15], [sflag:$0x1] =	stream.indirect.gather [hbm4b:s1+s18], $0x80, s29, s18, $0xb8;
	[tilespmem:$0x1C400] =	vst v63  }
0x70: {  	_ =	swait.ge [sflag:s21], $0x4000  }
0x71: {  	[sflag:s21] =	ssyncset.done $0x0  }
0x72: {  	s29 =	sor.u32 $0x280, s28;
	[sflag:s21] =	ssyncadd.s32 $0xFFFFC000  }
0x73: {  	[spmem:s3] =	stream.indirect.scatter.add.f32 [tilespmem:s19], [sflag:$0x4], $0x80, s29, s18, $0xb8;
	[tilespmem:$0x1C400] =	vst v63  }
0x74: {  	_ =	swait.ge [sflag:s16], $0x4000  }
0x75: {  	[sflag:s16] =	ssyncset.done $0x0  }
0x76: {  	s29 =	sor.u32 $0x180, s28;
	[sflag:s16] =	ssyncadd.s32 $0xFFFFC000  }
0x77: {  	[tilespmem:s19], [sflag:$0x2] =	stream.indirect.gather [hbm4b:s1+s18], $0x80, s29, s18, $0xb8;
	[tilespmem:$0x1C400] =	vst v63  }
0x78: {  	_ =	swait.ge [sflag:s20], $0x4000  }
0x79: {  	[sflag:s20] =	ssyncset.done $0x0  }
0x7a: {  	s29 =	sor.u32 $0x300, s28;
	[sflag:s20] =	ssyncadd.s32 $0xFFFFC000  }
0x7b: {  	[spmem:s3] =	stream.indirect.scatter.add.f32 [tilespmem:s15], [sflag:$0x4], $0x80, s29, s18, $0xb8;
	[tilespmem:$0x1C400] =	vst v63  }
0x7c: {  	_ =	swait.ge [sflag:s16], $0x4000  }
0x7d: {  	[sflag:s16] =	ssyncset.done $0x0  }
0x7e: {  	[sflag:s16] =	ssyncadd.s32 $0xFFFFC000  }
0x7f: {  	_ =	swait.ge [sflag:s21], $0x4000  }
.Ltmp1:
0x80: {  	[sflag:s21] =	ssyncset.done $0x0;
	(pc) =	sbr.rel @p0 .LBB2_4-.Ltmp1, $4  }
0x81: {  	s28 =	sor.u32 $0x380, s28;
	[sflag:s21] =	ssyncadd.s32 $0xFFFFC000  }
0x82: {  	[spmem:s3] =	stream.indirect.scatter.add.f32 [tilespmem:s19], [sflag:$0x4], $0x80, s28, s18, $0xb8;
	[tilespmem:$0x1C400] =	vst v63  }
0x83: {  	s24 =	sadd.s32 $0x8, s24;
	_ =	swait.ge [sflag:s16], $0x4000  }
0x84: {  	p1 =	slt.s32 s24, s11;
	[sflag:s16] =	ssyncset.done $0x0  }
0x85: {  	s25 =	smov.u32 s11  }
0x86: {  	s28 =	sand.u32 $0x1000, s26;
	[sflag:s16] =	ssyncadd.s32 $0xFFFFC000;
	s25 =	smov.u32 @p1 s24  }
0x87: {  	s26 =	sadd.s32 $0xFFFFF000, s26;
	_ =	swait.ge [sflag:s17], $0x400;
	s25 =	sshll.u32 s25, $0x4  }
0x88: {  	s24 =	sand.u32 $0x1000, s26;
	[sflag:s17] =	ssyncset.done $0x0;
	s25 =	sand.u32 $0x1FFFFFE0, s25  }
0x89: {  	s28 =	sshrl.u32 s28, $0x2;
	[sflag:s17] =	ssyncadd.s32 $0xFFFFFC00;
	s25 =	sadd.s32 s5, s25  }
0x8a: {  	[tilespmem:s28], [sflag:$0x3] =	stream.linear.gather [hbm4b:s25+s4], $0x400, $0x38;
	[tilespmem:$0x1C400] =	vst v63  }
0x8b: {  	s24 =	sshrl.u32 s24, $0x2  }
0x8c: {  	[tilespmem:s15], [sflag:$0x1] =	stream.indirect.gather [hbm4b:s1+s18], $0x80, s24, s18, $0xb8;
	[tilespmem:$0x1C400] =	vst v63  }
0x8d: {  	s29 =	sor.u32 $0x80, s24  }
0x8e: {  	[tilespmem:s19], [sflag:$0x2] =	stream.indirect.gather [hbm4b:s1+s18], $0x80, s29, s18, $0xb8;
	[tilespmem:$0x1C400] =	vst v63  }
0x8f: {  	_ =	swait.ge [sflag:s20], $0x4000  }
0x90: {  	[sflag:s20] =	ssyncset.done $0x0  }
0x91: {  	s30 =	sor.u32 $0x200, s24;
	[sflag:s20] =	ssyncadd.s32 $0xFFFFC000  }
0x92: {  	[spmem:s3] =	stream.indirect.scatter.add.f32 [tilespmem:s15], [sflag:$0x4], $0x80, s30, s18, $0xb8;
	[tilespmem:$0x1C400] =	vst v63  }
0x93: {  	_ =	swait.ge [sflag:s16], $0x4000  }
0x94: {  	[sflag:s16] =	ssyncset.done $0x0  }
0x95: {  	s31 =	sor.u32 $0x100, s24;
	[sflag:s16] =	ssyncadd.s32 $0xFFFFC000  }
0x96: {  	[tilespmem:s15], [sflag:$0x1] =	stream.indirect.gather [hbm4b:s1+s18], $0x80, s31, s18, $0xb8;
	[tilespmem:$0x1C400] =	vst v63  }
0x97: {  	_ =	swait.ge [sflag:s21], $0x4000  }
0x98: {  	[sflag:s21] =	ssyncset.done $0x0  }
0x99: {  	s26 =	sor.u32 $0x280, s24;
	[sflag:s21] =	ssyncadd.s32 $0xFFFFC000  }
0x9a: {  	[spmem:s3] =	stream.indirect.scatter.add.f32 [tilespmem:s19], [sflag:$0x4], $0x80, s26, s18, $0xb8;
	[tilespmem:$0x1C400] =	vst v63  }
0x9b: {  	_ =	swait.ge [sflag:s16], $0x4000  }
0x9c: {  	[sflag:s16] =	ssyncset.done $0x0  }
0x9d: {  	s28 =	sor.u32 $0x180, s24;
	[sflag:s16] =	ssyncadd.s32 $0xFFFFC000  }
0x9e: {  	[tilespmem:s19], [sflag:$0x2] =	stream.indirect.gather [hbm4b:s1+s18], $0x80, s28, s18, $0xb8;
	[tilespmem:$0x1C400] =	vst v63  }
0x9f: {  	_ =	swait.ge [sflag:s20], $0x4000  }
0xa0: {  	[sflag:s20] =	ssyncset.done $0x0  }
0xa1: {  	s29 =	sor.u32 $0x300, s24;
	[sflag:s20] =	ssyncadd.s32 $0xFFFFC000  }
0xa2: {  	[spmem:s3] =	stream.indirect.scatter.add.f32 [tilespmem:s15], [sflag:$0x4], $0x80, s29, s18, $0xb8;
	[tilespmem:$0x1C400] =	vst v63  }
0xa3: {  	_ =	swait.ge [sflag:s16], $0x4000  }
0xa4: {  	[sflag:s16] =	ssyncset.done $0x0  }
0xa5: {  	[sflag:s16] =	ssyncadd.s32 $0xFFFFC000  }
0xa6: {  	_ =	swait.ge [sflag:s21], $0x4000  }
0xa7: {  	[sflag:s21] =	ssyncset.done $0x0  }
0xa8: {  	s24 =	sor.u32 $0x380, s24;
	[sflag:s21] =	ssyncadd.s32 $0xFFFFC000  }
0xa9: {  	[spmem:s3] =	stream.indirect.scatter.add.f32 [tilespmem:s19], [sflag:$0x4], $0x80, s24, s18, $0xb8;
	[tilespmem:$0x1C400] =	vst v63  }
0xaa: {  	_ =	swait.ge [sflag:s16], $0x4000  }
0xab: {  	[sflag:s16] =	ssyncset.done $0x0  }
0xac: {  	[sflag:s16] =	ssyncadd.s32 $0xFFFFC000  }
0xad: {  	s23 =	sadd.s32 $0x1, s23;
	_ =	swait.ge [sflag:s17], $0x400  }
0xae: {  	p0 =	sne.s32 s23, s13;
	[sflag:s17] =	ssyncset.done $0x0  }
0xaf: {  	s30 =	sshll.u32 s2, $0x6;
	s31 =	sshrl.u32 s6, $0x3;
	[sflag:s17] =	ssyncadd.s32 $0xFFFFFC00  }
.Ltmp2:
0xb0: {  	s24 =	sor.u32 $0x1C04, s30;
	[bflag:$0x0] =	sbarrier.arrive $0xFFFF;
	(pc) =	sbr.rel @p0 .LBB2_1-.Ltmp2, $4  }
0xb1: {  	[hbm:s22], [sflag:s24] =	dma.local [spmem:s31], $0x2780  }
0xb2: {  	_ =	swait.ge [sflag:s16], $0x2780  }
0xb3: {  	[sflag:s16] =	ssyncset.done $0x0  }
0xb4: {  	[sflag:s16] =	ssyncadd.s32 $0xFFFFD880  }
0xb5: {  	_ =	sfence.sel $0x180000  }
0xb6: {  	[bflag:$0x0] =	sbarrier.arrive $0xFFFF  }
0xb7: {  	p0 =	sne.s32 s2, $0x0;
	_ =	strace $0x9000004D  }
0xb8: {  	s0 =	sadd.s32 @!p0 $0x100000, s0;
	[bflag:$0x2] =	sbarrier.arrive $0xFFFF  }
0xb9: {  	[sflag:s0] =	ssyncadd.tile.s32 @!p0 $0x1;
	_ =	shalt  }
.Lfunc_end2:
_tile_overlayer_lowered:
.L_overlay_start_2:
0xba: {  	(tag) =	ssettag $0x2  }
0xbb: {  	s0 =	rddreg [dreg:$0x0];
	s2 =	stileid.u32  }
0xbc: {  	s1 =	rddreg [dreg:$0x1];
	p0 =	sne.s32 s2, $0x0  }
0xbd: {  	s3 =	rddreg [dreg:$0x2];
	[bflag:$0x3] =	sbarrier.arrive $0xFFFF;
	s2 =	simm.s32 @!p0 $0x1C04  }
0xbe: {  	[timem:s3], [sflag:s2] =	dma.local @!p0 [hbm:s0], s1  }
0xbf: {  	s0 =	simm.s32 @!p0 $0x4  }
0xc0: {  	_ =	swait.ge @!p0 [sflag:s0], s1  }
0xc1: {  	s1 =	ssub.s32 @!p0 $0x0, s1;
	[sflag:s0] =	ssyncset.done @!p0 $0x0  }
0xc2: {  	[sflag:s0] =	ssyncadd.s32 @!p0 s1  }
0xc3: {  	[bflag:$0x3] =	sbarrier.arrive $0xFFFF  }
0xc4: {  	_ =	shalt  }

// kernel: kernel.9.cloned.1.call-start
scs
__scs_entry_jumppad:
0x0: {  	(pc) =	sbr.rel $0x88, $3  }
0x1: {  	(tag) =	ssettag $0x0;
	lr =	simm.s32 $0x1  }
0x2: {  	[smem:$0x3F99] =	sst lr;
	_ =	strace $0xD0000000  }
0x3: {  	_ = 	snop  }
0x4: {  	_ = 	snop  }
0x5: {  	_ = 	snop  }
0x6: {  	_ = 	snop  }
0x7: {  	_ = 	snop  }
__scs_overlays_trampoline_lowered:
0x8: {  	[smem:$0x3FA8] =	sst s0  }
0x9: {  	[smem:$0x3FA9] =	sst s1  }
0xa: {  	[smem:$0x3FAA] =	sst s2  }
0xb: {  	[smem:$0x3FAB] =	sst s3  }
0xc: {  	[smem:$0x3FAC] =	sst s4  }
0xd: {  	[smem:$0x3FAD] =	sst s5  }
0xe: {  	[smem:$0x3FAE] =	sst s6  }
0xf: {  	[smem:$0x3FAF] =	sst s7  }
0x10: {  	[smem:$0x3FB0] =	sst s8  }
0x11: {  	[smem:$0x3FB1] =	sst s9;
	s0 =	simm.s32 @!p0 $0x0  }
0x12: {  	s1 =	sld [smem:$0x3F97];
	s0 =	simm.s32 @p0 $0x1  }
0x13: {  	[smem:$0x3FB2] =	sst s0;
	s0 =	simm.s32 @!p1 $0x0  }
0x14: {  	s2 =	sld [smem:$0x3F96];
	s0 =	simm.s32 @p1 $0x1  }
0x15: {  	[smem:$0x3FB3] =	sst s0;
	s0 =	simm.s32 @!p2 $0x0  }
0x16: {  	s3 =	sld [smem:$0x3FDB];
	s0 =	simm.s32 @p2 $0x1  }
0x17: {  	s4 =	simm.s32 $0x1BF5;
	[smem:$0x3FB5] =	sst s0  }
0x18: {  	s0 =	sld [smem:$0x3F98];
	_ =	swait.ge [sflag:s4], $0x0  }
0x19: {  	s7 =	sld [smem:$0x3F99]  }
0x1a: {  	s8 =	sadd.s32 $0xFFFFE003, lr  }
0x1b: {  	s9 =	sadd.s32 $0xFFFFFEF7, lr;
	s5 =	simm.s32 $0xFFFFFFFF;
	p2 =	slt.u32 s8, $0xFFFFF086  }
0x1c: {  	p1 =	slt.u32 s9, $0xF7A;
	s5 =	simm.s32 @!p2 $0x0  }
0x1d: {  	s5 =	simm.s32 @p1 $0x1;
	p0 =	seq.s32 s7, s2  }
0x1e: {  	s7 =	smul.u32 @!p0 $0xF7A, s2;
	p2 =	seq.s32 @!p0 s5, $0x0  }
0x1f: {  	s9 =	smul.u32 $0xF7A, s1;
	s8 =	simm.s32 @!p0 $0x1BF5;
	p2 =	por !p2, p0  }
0x20: {  	[sflag:s8] =	ssyncset.s32 @!p0 $0xFFFFF086;
	s6 =	sadd.s32 @!p0 s3, s7;
	s7 =	simm.s32 @!p0 $0x108  }
0x21: {  	s3 =	sadd.s32 s3, s9;
	s6 =	sadd.s32 @!p0 $0x88, s6;
	s7 =	simm.s32 @p2 $0x1082  }
0x22: {  	[simem:s7], [sflag:s8] =	dma.local @!p0 [hbm:s6], $0xF7A  }
0x23: {  	s9 =	sor.u32 $0xD0000000, s2;
	s6 =	simm.s32 $0x108;
	_ =	swait.ge @!p0 [sflag:s8], $0x0  }
0x24: {  	s3 =	sadd.s32 $0x88, s3;
	s6 =	simm.s32 @!p1 $0x1082;
	[sflag:s4] =	ssyncset.s32 $0xFFFFF086  }
0x25: {  	[simem:s6], [sflag:s4] =	dma.local [hbm:s3], $0xF7A  }
0x26: {  	[smem:$0x3F99] =	sst s1;
	(tag) =	ssettag s2;
	_ =	strace s9  }
0x27: {  	s1 =	sld [smem:$0x3FA9]  }
0x28: {  	s2 =	sld [smem:$0x3FAA]  }
0x29: {  	s4 =	sld [smem:$0x3FAC]  }
0x2a: {  	p0 =	seq.s32 s5, $0x0;
	s5 =	sld [smem:$0x3FAD]  }
0x2b: {  	s6 =	sld [smem:$0x3FAE]  }
0x2c: {  	s7 =	sld [smem:$0x3FAF]  }
0x2d: {  	s3 =	simm.s32 $0x108;
	s8 =	sld [smem:$0x3FB0]  }
0x2e: {  	s3 =	simm.s32 @!p0 $0x1082;
	s9 =	sld [smem:$0x3FB1]  }
0x2f: {  	lr =	sadd.s32 s0, s3;
	s0 =	sld [smem:$0x3FA8]  }
0x30: {  	s3 =	sld [smem:$0x3FAB]  }
0x31: {  	[smem:$0x3FB4] =	sst s10  }
0x32: {  	s10 =	sld [smem:$0x3FB2];
	_ =	sdelay $0x3  }
0x33: {  	p0 =	seq.s32 s10, $0x1;
	s10 =	sld [smem:$0x3FB4];
	_ =	sdelay $0x3  }
0x34: {  	[smem:$0x3FB4] =	sst s10  }
0x35: {  	s10 =	sld [smem:$0x3FB3];
	_ =	sdelay $0x3  }
0x36: {  	p1 =	seq.s32 s10, $0x1;
	s10 =	sld [smem:$0x3FB4];
	_ =	sdelay $0x3  }
0x37: {  	[smem:$0x3FB4] =	sst s10  }
0x38: {  	s10 =	sld [smem:$0x3FB5]  }
0x39: {  	_ = 	snop;
	(pc) =	sbr.ind lr, $3  }
0x3a: {  	_ = 	snop  }
0x3b: {  	_ = 	snop  }
0x3c: {  	p2 =	seq.s32 s10, $0x1;
	s10 =	sld [smem:$0x3FB4]  }
0x3d: {  	_ =	shalt  }
0x3e: {  	_ =	shalt  }
0x3f: {  	_ =	shalt  }
0x40: {  	_ =	shalt  }
0x41: {  	_ =	shalt  }
0x42: {  	_ =	shalt  }
0x43: {  	_ =	shalt  }
0x44: {  	_ =	shalt  }
0x45: {  	_ =	shalt  }
0x46: {  	_ =	shalt  }
0x47: {  	_ =	shalt  }
0x48: {  	_ =	shalt  }
0x49: {  	_ =	shalt  }
0x4a: {  	_ =	shalt  }
0x4b: {  	_ =	shalt  }
0x4c: {  	_ =	shalt  }
0x4d: {  	_ =	shalt  }
0x4e: {  	_ =	shalt  }
0x4f: {  	_ =	shalt  }
0x50: {  	_ =	shalt  }
0x51: {  	_ =	shalt  }
0x52: {  	_ =	shalt  }
0x53: {  	_ =	shalt  }
0x54: {  	_ =	shalt  }
0x55: {  	_ =	shalt  }
0x56: {  	_ =	shalt  }
0x57: {  	_ =	shalt  }
0x58: {  	_ =	shalt  }
0x59: {  	_ =	shalt  }
0x5a: {  	_ =	shalt  }
0x5b: {  	_ =	shalt  }
0x5c: {  	_ =	shalt  }
0x5d: {  	_ =	shalt  }
0x5e: {  	_ =	shalt  }
0x5f: {  	_ =	shalt  }
0x60: {  	_ =	shalt  }
0x61: {  	_ =	shalt  }
0x62: {  	_ =	shalt  }
0x63: {  	_ =	shalt  }
0x64: {  	_ =	shalt  }
0x65: {  	_ =	shalt  }
0x66: {  	_ =	shalt  }
0x67: {  	_ =	shalt  }
0x68: {  	_ =	shalt  }
0x69: {  	_ =	shalt  }
0x6a: {  	_ =	shalt  }
0x6b: {  	_ =	shalt  }
0x6c: {  	_ =	shalt  }
0x6d: {  	_ =	shalt  }
0x6e: {  	_ =	shalt  }
0x6f: {  	_ =	shalt  }
0x70: {  	_ =	shalt  }
0x71: {  	_ =	shalt  }
0x72: {  	_ =	shalt  }
0x73: {  	_ =	shalt  }
0x74: {  	_ =	shalt  }
0x75: {  	_ =	shalt  }
0x76: {  	_ =	shalt  }
0x77: {  	_ =	shalt  }
0x78: {  	_ =	shalt  }
0x79: {  	_ =	shalt  }
0x7a: {  	_ =	shalt  }
0x7b: {  	_ =	shalt  }
0x7c: {  	_ =	shalt  }
0x7d: {  	_ =	shalt  }
0x7e: {  	_ =	shalt  }
0x7f: {  	_ =	shalt  }
0x80: {  	_ =	shalt  }
0x81: {  	_ =	shalt  }
0x82: {  	_ =	shalt  }
0x83: {  	_ =	shalt  }
0x84: {  	_ =	shalt  }
0x85: {  	_ =	shalt  }
0x86: {  	_ =	shalt  }
0x87: {  	_ =	shalt  }
.Lfunc_end0:
.L_simem_size_0:
called_computation_lowered:
.L_overlay_start_0:
0x88: {  	s2 =	sld [smem:$0x3FD9]  }
0x89: {  	s3 =	sld [smem:$0x3FFE];
	_ =	sdelay $0x1  }
0x8a: {  	s1 =	srdreg.scid  }
0x8b: {  	s0 =	sand.u32 $0x1, s1  }
0x8c: {  	s17 =	sshll.u32 s0, $0xA;
	s2 =	sadd.s32 s3, s2  }
0x8d: {  	s2 =	sadd.s32 s2, s17  }
0x8e: {  	[smem:$0x3FC0] =	sst s2  }
0x8f: {  	_ = 	snop  }
0x90: {  	s2 =	sld [smem:$0x3FD0];
	(tm) =	ssettm $0x1  }
0x91: {  	s18 =	sld [smem:$0x3FFB];
	_ =	sdelay $0x3  }
0x92: {  	_ =	strace s18  }
0x93: {  	s3 =	sld [smem:$0x3FFC];
	_ =	sdelay $0x3  }
0x94: {  	_ =	strace s3  }
0x95: {  	s3 =	sld [smem:$0x3FFD];
	_ =	sdelay $0x3  }
0x96: {  	_ =	strace s3  }
0x97: {  	_ =	strace $0x8FFFFFFF  }
0x98: {  	s19 =	sld [smem:$0x3FDB];
	_ =	sdelay $0x1  }
0x99: {  	s4 =	simm.s32 $_scs_section_size  }
0x9a: {  	s5 =	simm.s32 $_size__tile_overlayer_lowered;
	s6 =	simm.s32 $_tile_overlayer_lowered  }
0x9b: {  	s22 =	simm.s32 $0x1BFF;
	s21 =	sshll.u32 s6, $0x1;
	s3 =	sadd.s32 s4, s19  }
0x9c: {  	s7 =	simm.s32 $0x0;
	s20 =	sshll.u32 s5, $0x1;
	s5 =	sadd.s32 s21, s3  }
0x9d: {  	[timem:s7], [sflag:s22] =	dma.local [hbm:s5], s20  }
0x9e: {  	_ =	swait.ge [sflag:s22], s20  }
0x9f: {  	s4 =	ssub.s32 $0x0, s20;
	[sflag:s22] =	ssyncset.done $0x0  }
0xa0: {  	[sflag:s22] =	ssyncadd.s32 s4;
	_ =	sdelay $0x1  }
0xa1: {  	s23 =	simm.s32 $0x1B8B  }
0xa2: {  	_ =	swait.ge [sflag:s23], $0x1  }
0xa3: {  	[sflag:s23] =	ssyncset.done $0x0  }
0xa4: {  	s25 =	simm.s32 $0x1B8E;
	s24 =	sld [smem:$0x3FFE];
	[sflag:s23] =	ssyncadd.s32 $0xFFFFFFFF  }
0xa5: {  	s26 =	simm.s32 $execute0_lowered;
	[smem:$0x3FD2] =	sst s25  }
0xa6: {  	s5 =	sshll.u32 s26, $0x1;
	_ =	strace $0x80000046;
	[dreg:$0x1] =	wrdreg $0xFFFFFFFF  }
0xa7: {  	s28 =	simm.s32 $_size_execute0_lowered;
	s3 =	sadd.s32 s3, s5;
	[dreg:$0x0] =	wrdreg $0x0  }
0xa8: {  	s5 =	sshll.u32 s28, $0x1;
	[dreg:$0x2] =	wrdreg s3  }
0xa9: {  	[dreg:$0x3] =	wrdreg s5  }
0xaa: {  	[dreg:$0x4] =	wrdreg $0xC0  }
0xab: {  	_ =	task [dreg:s7], $0x5FFFF  }
0xac: {  	[dreg:$0x1] =	wrdreg $0xFFFFFFFF  }
0xad: {  	[dreg:$0x0] =	wrdreg $0x60  }
0xae: {  	[dreg:$0x2] =	wrdreg s2  }
0xaf: {  	[dreg:$0x3] =	wrdreg s24  }
0xb0: {  	[dreg:$0x4] =	wrdreg $0x68000  }
0xb1: {  	[dreg:$0x5] =	wrdreg $0x9  }
0xb2: {  	_ =	task.clear_ibuf [dreg:s7], $0x6FFFF;
	_ =	strace $0x90000046  }
0xb3: {  	s29 =	simm.s32 $0x9;
	_ =	strace $0x80000048  }
0xb4: {  	_ =	swait.ge [sflag:s29], $0x1  }
0xb5: {  	[sflag:s29] =	ssyncadd.s32 $0xFFFFFFFF  }
0xb6: {  	_ =	strace $0x90000048  }
0xb7: {  	_ =	sfence  }
0xb8: {  	s30 =	sld [smem:$0x0];
	_ =	sdelay $0x2  }
0xb9: {  	s31 =	sshll.u32 s1, $0xD;
	s1 =	sshrl.u32 s1, $0x2  }
0xba: {  	s3 =	sand.u32 $0x4000, s31;
	s1 =	sadd.s32 s1, s30  }
0xbb: {  	s0 =	sor.u32 s3, s0;
	s1 =	sshll.u32 s1, $0x11  }
0xbc: {  	s0 =	sor.u32 s1, s0  }
0xbd: {  	s0 =	sadd.s32 $0x8F2B, s0  }
0xbe: {  	[sflag:s0] =	ssyncadd.remote.s32 $0x1  }
0xbf: {  	_ =	sfence.sel $0xFFFF  }
0xc0: {  	[dreg:$0x0] =	wrdreg $0xFFFFFFFF;
	(pc) =	sbr.abs _section_cstart, $3  }
0xc1: {  	[dreg:$0x1] =	wrdreg $0xFFFFFFFF  }
0xc2: {  	_ =	task.clear_ibuf [dreg:s7], $0x2FFFF;
	_ =	strace $0x9FFFFFFF  }
0xc3: {  	(tm) =	ssettm $0x7FFFFFFF  }
tec
execute0_lowered:
.L_overlay_start_1:
0x0: {  	(tag) =	ssettag $0x1  }
0x1: {  	s7 =	rddreg [dreg:$0x0]  }
0x2: {  	s6 =	rddreg [dreg:$0x1]  }
0x3: {  	s1 =	rddreg [dreg:$0x2]  }
0x4: {  	s0 =	rddreg [dreg:$0x3];
	s2 =	simm.s32 $0x0;
	s3 =	srdreg.scid  }
0x5: {  	s12 =	simm.s32 $0x80;
	s13 =	simm.s32 $0x1;
	[smem:$0x7FF] =	sst s2  }
0x6: {  	s8 =	sand.u32 $0x1, s3;
	s4 =	sadd.s32 $0x3000, s6;
	s3 =	stileid.u32  }
0x7: {  	s5 =	sadd.s32 $0x3800, s6;
	_ =	strace $0x80000047;
	s9 =	smul.u32 $0x27800, s8  }
0x8: {  	s10 =	smul.u32 $0x4F000, s3;
	s11 =	sshll.u32 s8, $0x4;
	s28 =	ssub.s32 $0x2, s8  }
0x9: {  	s31 =	sshll.u32 s3, $0x6;
	s15 =	smul.u32 $0x2780, s3;
	s29 =	sor.u32 s3, s11  }
0xa: {  	s30 =	sshrl.u32 s28, $0x1;
	s9 =	sadd.s32 s9, s6;
	s8 =	smul.u32 $0x500, s29  }
0xb: {  	s10 =	sshrl.u32 s10, $0x2;
	s11 =	ssub.s32 s28, s30;
	s6 =	sor.u32 $0x1C02, s31  }
0xc: {  	s10 =	sadd.s32 s10, s1;
	s14 =	sadd.s32 $0x6000, s9;
	s7 =	sadd.s32 s7, s8  }
0xd: {  	s8 =	smax.u32 s11, $0x1;
	s9 =	sshrl.u32 s10, $0x3;
	s10 =	simm.s32 $0x2  }
0xe: {  	s11 =	simm.s32 $0x2800;
	s14 =	sadd.s32 s15, s14;
	s15 =	simm.s32 $0x0  }
.LBB2_1:
0xf: {  	[spmem:s9], [sflag:s6] =	dma.local [hbm:s5], $0x2780  }
0x10: {  	_ =	swait.ge [sflag:s10], $0x2780  }
0x11: {  	[sflag:s10] =	ssyncset.done $0x0  }
0x12: {  	[sflag:s10] =	ssyncadd.s32 $0xFFFFD880  }
0x13: {  	[tilespmem:s11], [sflag:$0x2] =	stream.linear.gather [hbm4b:s4+s2], $0x4000, $0x38;
	[tilespmem:$0x1A400] =	vst v63  }
0x14: {  	_ =	swait.ge [sflag:s10], $0x4000  }
0x15: {  	[sflag:s10] =	ssyncset.done $0x0  }
0x16: {  	[sflag:s10] =	ssyncadd.s32 $0xFFFFC000  }
0x17: {  	[tilespmem:s2], [sflag:$0x2] =	stream.linear.gather [hbm4b:s7+s2], $0x2800, $0x38;
	[tilespmem:$0x1A400] =	vst v63  }
0x18: {  	_ =	swait.ge [sflag:s10], $0x2800  }
0x19: {  	[sflag:s10] =	ssyncset.done $0x0  }
0x1a: {  	[sflag:s10] =	ssyncadd.s32 $0xFFFFD800  }
0x1b: {  	s16 =	simm.s32 $0x0;
	[bflag:$0x0] =	sbarrier.arrive $0xFFFF  }
.LBB2_2:
0x1c: {  	p0 =	sne.s32 s16, $0x9E00  }
.Ltmp0:
0x1d: {  	_ = 	snop;
	(pc) =	sbr.rel @p0 .LBB2_2-.Ltmp0, $3  }
0x1e: {  	_ =	sdelay $0x1  }
0x1f: {  	s17 =	sshra.s32 s16, $0x2;
	s16 =	sadd.s32 $0x200, s16  }
0x20: {  	[spmem:s1] =	stream.indirect.scatter.add.f32 [tilespmem:s11], [sflag:$0x1], $0x80, s17, s12, $0xb8;
	[tilespmem:$0x1A400] =	vst v63  }
0x21: {  	_ =	swait.ge [sflag:s13], $0x4000  }
0x22: {  	s16 =	simm.s32 $0x4F;
	[sflag:s13] =	ssyncset.done $0x0  }
.LBB2_4:
0x23: {  	p0 =	sne.s32 s16, $0x1;
	s16 =	sadd.s32 $0xFFFFFFFF, s16;
	[sflag:s13] =	ssyncadd.s32 $0xFFFFC000  }
.Ltmp1:
0x24: {  	(pc) =	sbr.rel @p0 .LBB2_4-.Ltmp1, $3  }
0x25: {  	_ =	sdelay $0x1  }
0x26: {  	_ =	swait.ge [sflag:s13], $0x4000  }
0x27: {  	[sflag:s13] =	ssyncset.done $0x0  }
0x28: {  	s15 =	sadd.s32 $0x1, s15  }
0x29: {  	[sflag:s13] =	ssyncadd.s32 $0xFFFFC000;
	p0 =	sne.s32 s15, s8  }
.Ltmp2:
0x2a: {  	[bflag:$0x0] =	sbarrier.arrive $0xFFFF;
	(pc) =	sbr.rel @p0 .LBB2_1-.Ltmp2, $4  }
0x2b: {  	[hbm:s14], [sflag:s6] =	dma.local [spmem:s9], $0x2780  }
0x2c: {  	_ =	swait.ge [sflag:s10], $0x2780  }
0x2d: {  	[sflag:s10] =	ssyncset.done $0x0  }
0x2e: {  	[sflag:s10] =	ssyncadd.s32 $0xFFFFD880  }
0x2f: {  	_ =	sfence.sel $0x180000  }
0x30: {  	[bflag:$0x0] =	sbarrier.arrive $0xFFFF  }
0x31: {  	p0 =	sne.s32 s3, $0x0;
	_ =	strace $0x90000047  }
0x32: {  	s0 =	sadd.s32 @!p0 $0x100000, s0;
	[bflag:$0x2] =	sbarrier.arrive $0xFFFF  }
0x33: {  	[sflag:s0] =	ssyncadd.tile.s32 @!p0 $0x1;
	_ =	shalt  }
.Lfunc_end2:
_tile_overlayer_lowered:
.L_overlay_start_2:
0x34: {  	(tag) =	ssettag $0x2  }
0x35: {  	s0 =	rddreg [dreg:$0x0];
	s2 =	stileid.u32  }
0x36: {  	s1 =	rddreg [dreg:$0x1];
	p0 =	sne.s32 s2, $0x0  }
0x37: {  	s3 =	rddreg [dreg:$0x2];
	[bflag:$0x3] =	sbarrier.arrive $0xFFFF;
	s2 =	simm.s32 @!p0 $0x1C02  }
0x38: {  	[timem:s3], [sflag:s2] =	dma.local @!p0 [hbm:s0], s1  }
0x39: {  	s0 =	simm.s32 @!p0 $0x2  }
0x3a: {  	_ =	swait.ge @!p0 [sflag:s0], s1  }
0x3b: {  	s1 =	ssub.s32 @!p0 $0x0, s1;
	[sflag:s0] =	ssyncset.done @!p0 $0x0  }
0x3c: {  	[sflag:s0] =	ssyncadd.s32 @!p0 s1  }
0x3d: {  	[bflag:$0x3] =	sbarrier.arrive $0xFFFF  }
0x3e: {  	_ =	shalt  }

</sc_bundles>
